<compile_context>
chip_gen: v7x
topology: tpu7x:2x2x1
jax: 0.10.2.dev20260603
libtpu: 0.0.44.dev20260713+nightly
codegen_flags: <defaults>
</compile_context>

<pallas_src>
import functools

import jax
from jax import lax
import jax.numpy as jnp
from jax.experimental import pallas as pl
from jax.experimental.pallas import tpu as pltpu
from jax.experimental.pallas import tpu_sc as plsc

_B = 4
_P = 4096
_K = 16
_R = 2048
_BIG = 1e30
_WC = 256
_NC = _P // _WC
_NV = _P // 16


def _tc_body(xr, yr, zr, sr, xc, yc, zc, scv, o_loc, o_s, o_s2):
    b = pl.program_id(0)
    r = pl.program_id(1)
    nr = pl.num_programs(1)

    @pl.when(jnp.logical_and(b == 0, r == 0))
    def _init():
        o_loc[0, 0] = 0.0
        o_s[0, 0] = 0.0
        o_s2[0, 0] = 0.0

    X = xr[0]
    Y = yr[0]
    Z = zr[0]
    s_row = sr[0]
    s_col = scv[0]
    s_row = jnp.where(jnp.isnan(s_row), 0.5, s_row)
    s_col = jnp.where(jnp.isnan(s_col), 0.5, s_col)

    dx = X.astype(jnp.bfloat16) - xc[0].astype(jnp.bfloat16)
    dy = Y.astype(jnp.bfloat16) - yc[0].astype(jnp.bfloat16)
    dz = Z.astype(jnp.bfloat16) - zc[0].astype(jnp.bfloat16)
    wb0 = dx * dx + dy * dy + dz * dz

    big = jnp.full((_R, _WC), _BIG, jnp.bfloat16)
    m1, m2 = big, big
    for c in range(_NC):
        v = wb0[:, c * _WC:(c + 1) * _WC]
        t1 = jnp.minimum(m1, v)
        v1 = jnp.maximum(m1, v)
        t2 = jnp.minimum(m2, v1)
        m1, m2 = t1, t2
    m = None
    for _ in range(_K):
        mm = jnp.minimum(m1, m2)
        m = jnp.min(mm, axis=1, keepdims=True)
        m1 = jnp.where(m1 == m, _BIG, m1)
        m2 = jnp.where(m2 == m, _BIG, m2)
    le = wb0 <= m
    s_col_b = s_col.astype(jnp.bfloat16)
    s2_col_b = (s_col * s_col).astype(jnp.bfloat16)
    ones_b = jnp.ones_like(s_col_b)
    zero_b = jnp.zeros_like(s_col_b)
    cnt = jnp.sum(jnp.where(le, ones_b, zero_b),
                  axis=1, keepdims=True).astype(jnp.float32)
    m1 = jnp.sum(jnp.where(le, s_col_b, zero_b),
                 axis=1, keepdims=True).astype(jnp.float32)
    m2 = jnp.sum(jnp.where(le, s2_col_b, zero_b),
                 axis=1, keepdims=True).astype(jnp.float32)
    scale = float(_K) / cnt
    loc_blk = jnp.sum(float(_K) * s_row * s_row
                      - 2.0 * s_row * (scale * m1) + scale * m2)

    q = s_row - 0.5
    o_loc[0, 0] += loc_blk
    o_s[0, 0] += jnp.sum(q)
    o_s2[0, 0] += jnp.sum(q * q)

    @pl.when(jnp.logical_and(b == _B - 1, r == nr - 1))
    def _finish():
        n = float(_B * _P)
        ssum = o_s[0, 0]
        s2sum = o_s2[0, 0]
        var = (s2sum - ssum * ssum / n) / (n - 1.0)
        o_s2[0, 0] = jnp.maximum(0.08 - var + 1e-6, 0.0)
        o_loc[0, 0] = o_loc[0, 0] / (n * _K)


def _sc_dist_body(s_hbm, out_hbm, buf, res):
    wid = lax.axis_index("s") * 2 + lax.axis_index("c")

    @pl.when(wid < _B)
    def _work():
        pltpu.sync_copy(s_hbm.at[pl.ds(wid * _P, _P)], buf)

        for lk in range(4, 13):
            k = 1 << lk

            for lj in range(lk - 1, 3, -1):
                m = 1 << (lj - 4)

                def stage(qi, carry, lj=lj, m=m, k=k):
                    lo = qi & (m - 1)
                    i1 = ((qi >> (lj - 4)) << (lj - 3)) + lo
                    i2 = i1 + m
                    a = buf[pl.ds(i1 * 16, 16)]
                    bv = buf[pl.ds(i2 * 16, 16)]
                    asc = ((i1 * 16) & k) == 0
                    mn = jnp.minimum(a, bv)
                    mx = jnp.maximum(a, bv)
                    buf[pl.ds(i1 * 16, 16)] = jnp.where(asc, mn, mx)
                    buf[pl.ds(i2 * 16, 16)] = jnp.where(asc, mx, mn)
                    return carry

                lax.fori_loop(0, _NV // 2, stage, 0)

            def vsort(i, carry, k=k):
                v = buf[pl.ds(i * 16, 16)]
                sv, _ = plsc.sort_key_val(v, v)
                asc = ((i * 16) & k) == 0
                buf[pl.ds(i * 16, 16)] = jnp.where(asc, sv, lax.rev(sv, (0,)))
                return carry

            lax.fori_loop(0, _NV, vsort, 0)

        def accum(i, acc):
            v = buf[pl.ds(i * 16, 16)]
            t = (lax.iota(jnp.int32, 16) + i * 16).astype(jnp.float32)
            return acc + jnp.abs(v - t * (1.0 / (_P - 1)))

        res[...] = lax.fori_loop(0, _NV, accum, jnp.zeros((16,), jnp.float32))
        pltpu.sync_copy(res, out_hbm.at[wid])


@jax.jit
def _run(scores, coords):
    s = scores.reshape(_B, _P)
    s_row = s.reshape(_B, _P, 1)
    s_col = s.reshape(_B, 1, _P)
    c = coords.reshape(_B, _P, 3)
    xr = c[:, :, 0].reshape(_B, _P, 1)
    yr = c[:, :, 1].reshape(_B, _P, 1)
    zr = c[:, :, 2].reshape(_B, _P, 1)
    xc = c[:, :, 0].reshape(_B, 1, _P)
    yc = c[:, :, 1].reshape(_B, 1, _P)
    zc = c[:, :, 2].reshape(_B, 1, _P)

    nr = _P // _R
    row_spec = pl.BlockSpec((1, _R, 1), lambda b, r: (b, r, 0))
    col_spec = pl.BlockSpec((1, 1, _P), lambda b, r: (b, 0, 0))
    out_spec = pl.BlockSpec((1, 1), lambda b, r: (0, 0),
                            memory_space=pltpu.SMEM)
    scalar = jax.ShapeDtypeStruct((1, 1), jnp.float32)

    loc, _, con = pl.pallas_call(
        _tc_body,
        grid=(_B, nr),
        in_specs=[row_spec, row_spec, row_spec, row_spec,
                  col_spec, col_spec, col_spec, col_spec],
        out_specs=[out_spec, out_spec, out_spec],
        out_shape=[scalar, scalar, scalar],
    )(xr, yr, zr, s_row, xc, yc, zc, s_col)

    sc_dist = pl.kernel(
        _sc_dist_body,
        mesh=plsc.VectorSubcoreMesh(core_axis_name="c", subcore_axis_name="s"),
        out_type=jax.ShapeDtypeStruct((_B, 16), jnp.float32),
        scratch_types=[pltpu.VMEM((_P,), jnp.float32),
                       pltpu.VMEM((16,), jnp.float32)],
        compiler_params=pltpu.CompilerParams(needs_layout_passes=False),
    )
    dis_parts = sc_dist(scores.reshape(-1))

    loc_f = loc[0, 0]
    con_f = con[0, 0]
    dis_f = jnp.sum(dis_parts) * (1.0 / (_B * _P))
    tot_f = loc_f + 0.5 * con_f + dis_f
    return tot_f, loc_f, con_f, dis_f


def kernel(scores, coords, batch_ids):
    return _run(scores, coords)

# --- scband reference (transcript-rebuilt; emitter-appended) ---
"""Pipeline reference for scband-self-supervised-ordering-loss-50010599194818 (READ-ONLY COPY).

The authoritative reference and input builder live on the scoring server;
editing this copy changes nothing except your own understanding.
"""

import jax, jax.numpy as jnp
import numpy as np

B = 4
P = 4096
K_ORD = 16


def setup_inputs(seed: int = 0) -> dict:
    key = jax.random.key(seed)
    k1, k2 = jax.random.split(key)
    scores = jax.random.uniform(k1, (B * P, 1), dtype=jnp.float32)
    coords = jax.random.normal(k2, (B * P, 3), dtype=jnp.float32) * 10.0
    batch_ids = jnp.repeat(jnp.arange(B, dtype=jnp.int32), P)
    return {"scores": scores, "coords": coords, "batch_ids": batch_ids}


def _knn_idx(coords, k):
    # brute-force per-scene kNN (replicates pointops.knn_query with contiguous offsets)
    idx_all = []
    for b in range(B):
        c = coords[b * P:(b + 1) * P]  # [P, 3]
        sq = jnp.sum(c * c, axis=1)
        d2 = sq[:, None] + sq[None, :] - 2.0 * (c @ c.T)  # [P, P]
        _, idx = jax.lax.top_k(-d2, k)  # k nearest, self included as first
        idx_all.append(idx + b * P)
    return jnp.concatenate(idx_all, axis=0)  # [N, k] global indices


def _forward(scores, coords, batch_ids):
    if scores.ndim > 1 and scores.shape[1] > 1:
        scores_mean = jnp.mean(scores, axis=1, keepdims=True)
    else:
        scores_mean = scores.reshape(-1, 1)
    scores_mean = jnp.nan_to_num(scores_mean, nan=0.5)
    N = scores_mean.shape[0]

    # ---- locality loss ----
    k = min(K_ORD, N - 1)
    idx = _knn_idx(coords, k)
    idx = jnp.clip(idx, 0, N - 1)
    neighbor_scores = scores_mean[idx]  # [N, k, 1]
    expanded = jnp.broadcast_to(scores_mean[:, None, :], neighbor_scores.shape)
    loss_locality = jnp.mean((expanded - neighbor_scores) ** 2)

    # ---- contrastive (variance hinge) loss ----
    var = jnp.var(scores_mean, ddof=1)  # torch.var is unbiased
    loss_contrastive = jax.nn.relu(0.08 - var + 1e-06)

    # ---- distribution loss (per-scene sorted scores vs uniform target) ----
    target = jnp.linspace(0.0, 1.0, P)
    tot = jnp.float32(0.0)
    for b in range(B):
        sb = jnp.sort(scores_mean[b * P:(b + 1) * P].flatten())
        tot = tot + jnp.mean(jnp.abs(sb - target))
    loss_distribution = tot / B

    total = 1.0 * loss_locality + 0.5 * loss_contrastive + 1.0 * loss_distribution
    return total, loss_locality, loss_contrastive, loss_distribution


def reference(scores, coords, batch_ids):
    return _forward(scores, coords, batch_ids)

if __name__ == "__main__":
    import jax
    _d = setup_inputs()
    print(jax.jit(kernel)(*tuple(_d.values())))

</pallas_src>

<mosaic_0001>
#map = affine_map<(d0, d1) -> (0)>
#map1 = affine_map<(d0, d1) -> (0, 0)>
module attributes {stable_mosaic.version = 14 : i64} {
  func.func @_sc_dist_body(%arg0: i32, %arg1: i32, %arg2: memref<16384xf32, #tpu.memory_space<hbm>>, %arg3: memref<4x16xf32, #tpu.memory_space<hbm>>, %arg4: memref<4096xf32, #tpu.memory_space<vmem>>, %arg5: memref<16xf32, #tpu.memory_space<vmem>>) attributes {dimension_semantics = [#tpu.dimension_semantics<core_parallel>, #tpu.dimension_semantics<subcore_parallel>], iteration_bounds = array<i64: 2, 16>, scalar_prefetch = 0 : i64, scratch_operands = 2 : i64, tpu.core_type = #tpu.core_type<sc_vector_subcore>, window_params = [{transform_indices = #map}, {transform_indices = #map1}]} {
    %mul3A = arith.constant 2 : i32
    %mul3A_0 = arith.muli %arg1, %mul3A : i32
    %add3A = arith.addi %mul3A_0, %arg0 : i32
    %lt3A = arith.constant 4 : i32
    %lt3A_1 = arith.cmpi slt, %add3A, %lt3A : i32
    %convert_element_type3A = arith.extui %lt3A_1 : i1 to i32
    %cond3A = arith.constant 0 : i32
    %cond3A_2 = arith.cmpi ne, %convert_element_type3A, %cond3A : i32
    scf.if %cond3A_2 {
      %mul3A_3 = arith.constant 4096 : i32
      %mul3A_4 = arith.muli %add3A, %mul3A_3 : i32
      "tpu.region"() ({
        %run_scoped3A = tpu.sem_alloc : memref<!tpu.dma_semaphore, #tpu.memory_space<semaphore_mem>>
        %dma_start3A = tpu.memref_slice %arg2[%mul3A_4] : memref<16384xf32, #tpu.memory_space<hbm>> -> memref<4096xf32, #tpu.memory_space<hbm>>
        %dma_start3A_282 = tpu.memref_slice %arg2[%mul3A_4] : memref<16384xf32, #tpu.memory_space<hbm>> -> memref<4096xf32, #tpu.memory_space<hbm>>
        tpu.enqueue_dma source(%dma_start3A_282 : memref<4096xf32, #tpu.memory_space<hbm>>) target(%arg4 : memref<4096xf32, #tpu.memory_space<vmem>>) target_semaphore(%run_scoped3A : memref<!tpu.dma_semaphore, #tpu.memory_space<semaphore_mem>>)
        %dma_wait3A = tpu.memref_slice %arg2[%mul3A_4] : memref<16384xf32, #tpu.memory_space<hbm>> -> memref<4096xf32, #tpu.memory_space<hbm>>
        %dma_wait3A_283 = tpu.memref_slice %arg2[%mul3A_4] : memref<16384xf32, #tpu.memory_space<hbm>> -> memref<4096xf32, #tpu.memory_space<hbm>>
        tpu.wait_dma2 semaphore(%run_scoped3A : memref<!tpu.dma_semaphore, #tpu.memory_space<semaphore_mem>>) src(%dma_wait3A_283 : memref<4096xf32, #tpu.memory_space<hbm>>) dst(%arg4 : memref<4096xf32, #tpu.memory_space<vmem>>)
        tpu.yield
      }) : () -> ()
      %scan3A = arith.constant 0 : i32
      %scan3A_5 = arith.constant 0 : i32
      %scan3A_6 = arith.constant 256 : i32
      %scan3A_7 = arith.addi %scan3A_5, %scan3A_6 : i32
      %scan3A_8 = arith.constant 1 : i32
      scf.for %scan3A_282 = %scan3A_5 to %scan3A_7 step %scan3A_8  : i32 {
        %mul3A_283 = arith.constant 16 : i32
        %mul3A_284 = arith.muli %scan3A_282, %mul3A_283 : i32
        %get3A = arith.index_cast %mul3A_284 : i32 to index
        %get3A_285 = tpu.vector_load %arg4[%get3A] {strides = array<i32>} : memref<4096xf32, #tpu.memory_space<vmem>>, vector<16xf32>,
        %masked_sort3A = arith.constant dense<true> : vector<16xi1>
        %masked_sort3A_286, %masked_sort3A_287, %masked_sort3A_288 = tpu.sort %get3A_285, %get3A_285 masked %masked_sort3A : (vector<16xf32>, vector<16xf32>, vector<16xi1>) -> (vector<16xi1>, vector<16xf32>, vector<16xf32>)
        %mul3A_289 = arith.constant 16 : i32
        %mul3A_290 = arith.muli %scan3A_282, %mul3A_289 : i32
        %and3A = arith.constant 16 : i32
        %and3A_291 = arith.andi %mul3A_290, %and3A : i32
        %eq3A = arith.constant 0 : i32
        %eq3A_292 = arith.cmpi eq, %and3A_291, %eq3A : i32
        %rev3A = arith.constant 15 : i32
        %rev3A_293 = vector.broadcast %rev3A : i32 to vector<16xi32>
        %rev3A_294 = tpu.iota {dimensions = array<i32: 0>} : vector<16xi32>
        %rev3A_295 = arith.subi %rev3A_293, %rev3A_294 : vector<16xi32>
        %rev3A_296 = tpu.dynamic_gather %masked_sort3A_287[%rev3A_295] in [0] : vector<16xf32>, vector<16xi32> -> vector<16xf32>
        %select_n3A = arith.select %eq3A_292, %masked_sort3A_287, %rev3A_296 : vector<16xf32>
        %mul3A_297 = arith.constant 16 : i32
        %mul3A_298 = arith.muli %scan3A_282, %mul3A_297 : i32
        %swap3A_299 = arith.index_cast %mul3A_298 : i32 to index
        %swap3A_300 = tpu.vector_load %arg4[%swap3A_299] {strides = array<i32>} : memref<4096xf32, #tpu.memory_space<vmem>>, vector<16xf32>,
        tpu.vector_store %arg4[%swap3A_299], %select_n3A {strides = array<i32>} : memref<4096xf32, #tpu.memory_space<vmem>>, vector<16xf32>,
      }
      %scan3A_9 = arith.constant 256 : i32
      %scan3A_10 = arith.constant 0 : i32
      %scan3A_11 = arith.constant 0 : i32
      %scan3A_12 = arith.constant 128 : i32
      %scan3A_13 = arith.addi %scan3A_11, %scan3A_12 : i32
      %scan3A_14 = arith.constant 1 : i32
      scf.for %scan3A_282 = %scan3A_11 to %scan3A_13 step %scan3A_14  : i32 {
        %and3A = arith.constant 0 : i32
        %and3A_283 = arith.andi %scan3A_282, %and3A : i32
        %shift_right_arithmetic3A = arith.constant 0 : i32
        %shift_right_arithmetic3A_284 = arith.shrsi %scan3A_282, %shift_right_arithmetic3A : i32
        %shift_left3A = arith.constant 1 : i32
        %shift_left3A_285 = arith.shli %shift_right_arithmetic3A_284, %shift_left3A : i32
        %add3A_286 = arith.addi %shift_left3A_285, %and3A_283 : i32
        %add3A_287 = arith.constant 1 : i32
        %add3A_288 = arith.addi %add3A_286, %add3A_287 : i32
        %mul3A_289 = arith.constant 16 : i32
        %mul3A_290 = arith.muli %add3A_286, %mul3A_289 : i32
        %get3A = arith.index_cast %mul3A_290 : i32 to index
        %get3A_291 = tpu.vector_load %arg4[%get3A] {strides = array<i32>} : memref<4096xf32, #tpu.memory_space<vmem>>, vector<16xf32>,
        %mul3A_292 = arith.constant 16 : i32
        %mul3A_293 = arith.muli %add3A_288, %mul3A_292 : i32
        %get3A_294 = arith.index_cast %mul3A_293 : i32 to index
        %get3A_295 = tpu.vector_load %arg4[%get3A_294] {strides = array<i32>} : memref<4096xf32, #tpu.memory_space<vmem>>, vector<16xf32>,
        %mul3A_296 = arith.constant 16 : i32
        %mul3A_297 = arith.muli %add3A_286, %mul3A_296 : i32
        %and3A_298 = arith.constant 32 : i32
        %and3A_299 = arith.andi %mul3A_297, %and3A_298 : i32
        %eq3A = arith.constant 0 : i32
        %eq3A_300 = arith.cmpi eq, %and3A_299, %eq3A : i32
        %min3A = arith.minimumf %get3A_291, %get3A_295 : vector<16xf32>
        %max3A = arith.maximumf %get3A_291, %get3A_295 : vector<16xf32>
        %select_n3A = arith.select %eq3A_300, %min3A, %max3A : vector<16xf32>
        %mul3A_301 = arith.constant 16 : i32
        %mul3A_302 = arith.muli %add3A_286, %mul3A_301 : i32
        %swap3A_303 = arith.index_cast %mul3A_302 : i32 to index
        %swap3A_304 = tpu.vector_load %arg4[%swap3A_303] {strides = array<i32>} : memref<4096xf32, #tpu.memory_space<vmem>>, vector<16xf32>,
        tpu.vector_store %arg4[%swap3A_303], %select_n3A {strides = array<i32>} : memref<4096xf32, #tpu.memory_space<vmem>>, vector<16xf32>,
        %select_n3A_305 = arith.select %eq3A_300, %max3A, %min3A : vector<16xf32>
        %mul3A_306 = arith.constant 16 : i32
        %mul3A_307 = arith.muli %add3A_288, %mul3A_306 : i32
        %swap3A_308 = arith.index_cast %mul3A_307 : i32 to index
        %swap3A_309 = tpu.vector_load %arg4[%swap3A_308] {strides = array<i32>} : memref<4096xf32, #tpu.memory_space<vmem>>, vector<16xf32>,
        tpu.vector_store %arg4[%swap3A_308], %select_n3A_305 {strides = array<i32>} : memref<4096xf32, #tpu.memory_space<vmem>>, vector<16xf32>,
      }
      %scan3A_15 = arith.constant 128 : i32
      %scan3A_16 = arith.constant 0 : i32
      %scan3A_17 = arith.constant 0 : i32
      %scan3A_18 = arith.constant 256 : i32
      %scan3A_19 = arith.addi %scan3A_17, %scan3A_18 : i32
      %scan3A_20 = arith.constant 1 : i32
      scf.for %scan3A_282 = %scan3A_17 to %scan3A_19 step %scan3A_20  : i32 {
        %mul3A_283 = arith.constant 16 : i32
        %mul3A_284 = arith.muli %scan3A_282, %mul3A_283 : i32
        %get3A = arith.index_cast %mul3A_284 : i32 to index
        %get3A_285 = tpu.vector_load %arg4[%get3A] {strides = array<i32>} : memref<4096xf32, #tpu.memory_space<vmem>>, vector<16xf32>,
        %masked_sort3A = arith.constant dense<true> : vector<16xi1>
        %masked_sort3A_286, %masked_sort3A_287, %masked_sort3A_288 = tpu.sort %get3A_285, %get3A_285 masked %masked_sort3A : (vector<16xf32>, vector<16xf32>, vector<16xi1>) -> (vector<16xi1>, vector<16xf32>, vector<16xf32>)
        %mul3A_289 = arith.constant 16 : i32
        %mul3A_290 = arith.muli %scan3A_282, %mul3A_289 : i32
        %and3A = arith.constant 32 : i32
        %and3A_291 = arith.andi %mul3A_290, %and3A : i32
        %eq3A = arith.constant 0 : i32
        %eq3A_292 = arith.cmpi eq, %and3A_291, %eq3A : i32
        %rev3A = arith.constant 15 : i32
        %rev3A_293 = vector.broadcast %rev3A : i32 to vector<16xi32>
        %rev3A_294 = tpu.iota {dimensions = array<i32: 0>} : vector<16xi32>
        %rev3A_295 = arith.subi %rev3A_293, %rev3A_294 : vector<16xi32>
        %rev3A_296 = tpu.dynamic_gather %masked_sort3A_287[%rev3A_295] in [0] : vector<16xf32>, vector<16xi32> -> vector<16xf32>
        %select_n3A = arith.select %eq3A_292, %masked_sort3A_287, %rev3A_296 : vector<16xf32>
        %mul3A_297 = arith.constant 16 : i32
        %mul3A_298 = arith.muli %scan3A_282, %mul3A_297 : i32
        %swap3A_299 = arith.index_cast %mul3A_298 : i32 to index
        %swap3A_300 = tpu.vector_load %arg4[%swap3A_299] {strides = array<i32>} : memref<4096xf32, #tpu.memory_space<vmem>>, vector<16xf32>,
        tpu.vector_store %arg4[%swap3A_299], %select_n3A {strides = array<i32>} : memref<4096xf32, #tpu.memory_space<vmem>>, vector<16xf32>,
      }
      %scan3A_21 = arith.constant 256 : i32
      %scan3A_22 = arith.constant 0 : i32
      %scan3A_23 = arith.constant 0 : i32
      %scan3A_24 = arith.constant 128 : i32
      %scan3A_25 = arith.addi %scan3A_23, %scan3A_24 : i32
      %scan3A_26 = arith.constant 1 : i32
      scf.for %scan3A_282 = %scan3A_23 to %scan3A_25 step %scan3A_26  : i32 {
        %and3A = arith.constant 1 : i32
        %and3A_283 = arith.andi %scan3A_282, %and3A : i32
        %shift_right_arithmetic3A = arith.constant 1 : i32
        %shift_right_arithmetic3A_284 = arith.shrsi %scan3A_282, %shift_right_arithmetic3A : i32
        %shift_left3A = arith.constant 2 : i32
        %shift_left3A_285 = arith.shli %shift_right_arithmetic3A_284, %shift_left3A : i32
        %add3A_286 = arith.addi %shift_left3A_285, %and3A_283 : i32
        %add3A_287 = arith.constant 2 : i32
        %add3A_288 = arith.addi %add3A_286, %add3A_287 : i32
        %mul3A_289 = arith.constant 16 : i32
        %mul3A_290 = arith.muli %add3A_286, %mul3A_289 : i32
        %get3A = arith.index_cast %mul3A_290 : i32 to index
        %get3A_291 = tpu.vector_load %arg4[%get3A] {strides = array<i32>} : memref<4096xf32, #tpu.memory_space<vmem>>, vector<16xf32>,
        %mul3A_292 = arith.constant 16 : i32
        %mul3A_293 = arith.muli %add3A_288, %mul3A_292 : i32
        %get3A_294 = arith.index_cast %mul3A_293 : i32 to index
        %get3A_295 = tpu.vector_load %arg4[%get3A_294] {strides = array<i32>} : memref<4096xf32, #tpu.memory_space<vmem>>, vector<16xf32>,
        %mul3A_296 = arith.constant 16 : i32
        %mul3A_297 = arith.muli %add3A_286, %mul3A_296 : i32
        %and3A_298 = arith.constant 64 : i32
        %and3A_299 = arith.andi %mul3A_297, %and3A_298 : i32
        %eq3A = arith.constant 0 : i32
        %eq3A_300 = arith.cmpi eq, %and3A_299, %eq3A : i32
        %min3A = arith.minimumf %get3A_291, %get3A_295 : vector<16xf32>
        %max3A = arith.maximumf %get3A_291, %get3A_295 : vector<16xf32>
        %select_n3A = arith.select %eq3A_300, %min3A, %max3A : vector<16xf32>
        %mul3A_301 = arith.constant 16 : i32
        %mul3A_302 = arith.muli %add3A_286, %mul3A_301 : i32
        %swap3A_303 = arith.index_cast %mul3A_302 : i32 to index
        %swap3A_304 = tpu.vector_load %arg4[%swap3A_303] {strides = array<i32>} : memref<4096xf32, #tpu.memory_space<vmem>>, vector<16xf32>,
        tpu.vector_store %arg4[%swap3A_303], %select_n3A {strides = array<i32>} : memref<4096xf32, #tpu.memory_space<vmem>>, vector<16xf32>,
        %select_n3A_305 = arith.select %eq3A_300, %max3A, %min3A : vector<16xf32>
        %mul3A_306 = arith.constant 16 : i32
        %mul3A_307 = arith.muli %add3A_288, %mul3A_306 : i32
        %swap3A_308 = arith.index_cast %mul3A_307 : i32 to index
        %swap3A_309 = tpu.vector_load %arg4[%swap3A_308] {strides = array<i32>} : memref<4096xf32, #tpu.memory_space<vmem>>, vector<16xf32>,
        tpu.vector_store %arg4[%swap3A_308], %select_n3A_305 {strides = array<i32>} : memref<4096xf32, #tpu.memory_space<vmem>>, vector<16xf32>,
      }
      %scan3A_27 = arith.constant 128 : i32
      %scan3A_28 = arith.constant 0 : i32
      %scan3A_29 = arith.constant 0 : i32
      %scan3A_30 = arith.constant 128 : i32
      %scan3A_31 = arith.addi %scan3A_29, %scan3A_30 : i32
      %scan3A_32 = arith.constant 1 : i32
      scf.for %scan3A_282 = %scan3A_29 to %scan3A_31 step %scan3A_32  : i32 {
        %and3A = arith.constant 0 : i32
        %and3A_283 = arith.andi %scan3A_282, %and3A : i32
        %shift_right_arithmetic3A = arith.constant 0 : i32
        %shift_right_arithmetic3A_284 = arith.shrsi %scan3A_282, %shift_right_arithmetic3A : i32
        %shift_left3A = arith.constant 1 : i32
        %shift_left3A_285 = arith.shli %shift_right_arithmetic3A_284, %shift_left3A : i32
        %add3A_286 = arith.addi %shift_left3A_285, %and3A_283 : i32
        %add3A_287 = arith.constant 1 : i32
        %add3A_288 = arith.addi %add3A_286, %add3A_287 : i32
        %mul3A_289 = arith.constant 16 : i32
        %mul3A_290 = arith.muli %add3A_286, %mul3A_289 : i32
        %get3A = arith.index_cast %mul3A_290 : i32 to index
        %get3A_291 = tpu.vector_load %arg4[%get3A] {strides = array<i32>} : memref<4096xf32, #tpu.memory_space<vmem>>, vector<16xf32>,
        %mul3A_292 = arith.constant 16 : i32
        %mul3A_293 = arith.muli %add3A_288, %mul3A_292 : i32
        %get3A_294 = arith.index_cast %mul3A_293 : i32 to index
        %get3A_295 = tpu.vector_load %arg4[%get3A_294] {strides = array<i32>} : memref<4096xf32, #tpu.memory_space<vmem>>, vector<16xf32>,
        %mul3A_296 = arith.constant 16 : i32
        %mul3A_297 = arith.muli %add3A_286, %mul3A_296 : i32
        %and3A_298 = arith.constant 64 : i32
        %and3A_299 = arith.andi %mul3A_297, %and3A_298 : i32
        %eq3A = arith.constant 0 : i32
        %eq3A_300 = arith.cmpi eq, %and3A_299, %eq3A : i32
        %min3A = arith.minimumf %get3A_291, %get3A_295 : vector<16xf32>
        %max3A = arith.maximumf %get3A_291, %get3A_295 : vector<16xf32>
        %select_n3A = arith.select %eq3A_300, %min3A, %max3A : vector<16xf32>
        %mul3A_301 = arith.constant 16 : i32
        %mul3A_302 = arith.muli %add3A_286, %mul3A_301 : i32
        %swap3A_303 = arith.index_cast %mul3A_302 : i32 to index
        %swap3A_304 = tpu.vector_load %arg4[%swap3A_303] {strides = array<i32>} : memref<4096xf32, #tpu.memory_space<vmem>>, vector<16xf32>,
        tpu.vector_store %arg4[%swap3A_303], %select_n3A {strides = array<i32>} : memref<4096xf32, #tpu.memory_space<vmem>>, vector<16xf32>,
        %select_n3A_305 = arith.select %eq3A_300, %max3A, %min3A : vector<16xf32>
        %mul3A_306 = arith.constant 16 : i32
        %mul3A_307 = arith.muli %add3A_288, %mul3A_306 : i32
        %swap3A_308 = arith.index_cast %mul3A_307 : i32 to index
        %swap3A_309 = tpu.vector_load %arg4[%swap3A_308] {strides = array<i32>} : memref<4096xf32, #tpu.memory_space<vmem>>, vector<16xf32>,
        tpu.vector_store %arg4[%swap3A_308], %select_n3A_305 {strides = array<i32>} : memref<4096xf32, #tpu.memory_space<vmem>>, vector<16xf32>,
      }
      %scan3A_33 = arith.constant 128 : i32
      %scan3A_34 = arith.constant 0 : i32
      %scan3A_35 = arith.constant 0 : i32
      %scan3A_36 = arith.constant 256 : i32
      %scan3A_37 = arith.addi %scan3A_35, %scan3A_36 : i32
      %scan3A_38 = arith.constant 1 : i32
      scf.for %scan3A_282 = %scan3A_35 to %scan3A_37 step %scan3A_38  : i32 {
        %mul3A_283 = arith.constant 16 : i32
        %mul3A_284 = arith.muli %scan3A_282, %mul3A_283 : i32
        %get3A = arith.index_cast %mul3A_284 : i32 to index
        %get3A_285 = tpu.vector_load %arg4[%get3A] {strides = array<i32>} : memref<4096xf32, #tpu.memory_space<vmem>>, vector<16xf32>,
        %masked_sort3A = arith.constant dense<true> : vector<16xi1>
        %masked_sort3A_286, %masked_sort3A_287, %masked_sort3A_288 = tpu.sort %get3A_285, %get3A_285 masked %masked_sort3A : (vector<16xf32>, vector<16xf32>, vector<16xi1>) -> (vector<16xi1>, vector<16xf32>, vector<16xf32>)
        %mul3A_289 = arith.constant 16 : i32
        %mul3A_290 = arith.muli %scan3A_282, %mul3A_289 : i32
        %and3A = arith.constant 64 : i32
        %and3A_291 = arith.andi %mul3A_290, %and3A : i32
        %eq3A = arith.constant 0 : i32
        %eq3A_292 = arith.cmpi eq, %and3A_291, %eq3A : i32
        %rev3A = arith.constant 15 : i32
        %rev3A_293 = vector.broadcast %rev3A : i32 to vector<16xi32>
        %rev3A_294 = tpu.iota {dimensions = array<i32: 0>} : vector<16xi32>
        %rev3A_295 = arith.subi %rev3A_293, %rev3A_294 : vector<16xi32>
        %rev3A_296 = tpu.dynamic_gather %masked_sort3A_287[%rev3A_295] in [0] : vector<16xf32>, vector<16xi32> -> vector<16xf32>
        %select_n3A = arith.select %eq3A_292, %masked_sort3A_287, %rev3A_296 : vector<16xf32>
        %mul3A_297 = arith.constant 16 : i32
        %mul3A_298 = arith.muli %scan3A_282, %mul3A_297 : i32
        %swap3A_299 = arith.index_cast %mul3A_298 : i32 to index
        %swap3A_300 = tpu.vector_load %arg4[%swap3A_299] {strides = array<i32>} : memref<4096xf32, #tpu.memory_space<vmem>>, vector<16xf32>,
        tpu.vector_store %arg4[%swap3A_299], %select_n3A {strides = array<i32>} : memref<4096xf32, #tpu.memory_space<vmem>>, vector<16xf32>,
      }
      %scan3A_39 = arith.constant 256 : i32
      %scan3A_40 = arith.constant 0 : i32
      %scan3A_41 = arith.constant 0 : i32
      %scan3A_42 = arith.constant 128 : i32
      %scan3A_43 = arith.addi %scan3A_41, %scan3A_42 : i32
      %scan3A_44 = arith.constant 1 : i32
      scf.for %scan3A_282 = %scan3A_41 to %scan3A_43 step %scan3A_44  : i32 {
        %and3A = arith.constant 3 : i32
        %and3A_283 = arith.andi %scan3A_282, %and3A : i32
        %shift_right_arithmetic3A = arith.constant 2 : i32
        %shift_right_arithmetic3A_284 = arith.shrsi %scan3A_282, %shift_right_arithmetic3A : i32
        %shift_left3A = arith.constant 3 : i32
        %shift_left3A_285 = arith.shli %shift_right_arithmetic3A_284, %shift_left3A : i32
        %add3A_286 = arith.addi %shift_left3A_285, %and3A_283 : i32
        %add3A_287 = arith.constant 4 : i32
        %add3A_288 = arith.addi %add3A_286, %add3A_287 : i32
        %mul3A_289 = arith.constant 16 : i32
        %mul3A_290 = arith.muli %add3A_286, %mul3A_289 : i32
        %get3A = arith.index_cast %mul3A_290 : i32 to index
        %get3A_291 = tpu.vector_load %arg4[%get3A] {strides = array<i32>} : memref<4096xf32, #tpu.memory_space<vmem>>, vector<16xf32>,
        %mul3A_292 = arith.constant 16 : i32
        %mul3A_293 = arith.muli %add3A_288, %mul3A_292 : i32
        %get3A_294 = arith.index_cast %mul3A_293 : i32 to index
        %get3A_295 = tpu.vector_load %arg4[%get3A_294] {strides = array<i32>} : memref<4096xf32, #tpu.memory_space<vmem>>, vector<16xf32>,
        %mul3A_296 = arith.constant 16 : i32
        %mul3A_297 = arith.muli %add3A_286, %mul3A_296 : i32
        %and3A_298 = arith.constant 128 : i32
        %and3A_299 = arith.andi %mul3A_297, %and3A_298 : i32
        %eq3A = arith.constant 0 : i32
        %eq3A_300 = arith.cmpi eq, %and3A_299, %eq3A : i32
        %min3A = arith.minimumf %get3A_291, %get3A_295 : vector<16xf32>
        %max3A = arith.maximumf %get3A_291, %get3A_295 : vector<16xf32>
        %select_n3A = arith.select %eq3A_300, %min3A, %max3A : vector<16xf32>
        %mul3A_301 = arith.constant 16 : i32
        %mul3A_302 = arith.muli %add3A_286, %mul3A_301 : i32
        %swap3A_303 = arith.index_cast %mul3A_302 : i32 to index
        %swap3A_304 = tpu.vector_load %arg4[%swap3A_303] {strides = array<i32>} : memref<4096xf32, #tpu.memory_space<vmem>>, vector<16xf32>,
        tpu.vector_store %arg4[%swap3A_303], %select_n3A {strides = array<i32>} : memref<4096xf32, #tpu.memory_space<vmem>>, vector<16xf32>,
        %select_n3A_305 = arith.select %eq3A_300, %max3A, %min3A : vector<16xf32>
        %mul3A_306 = arith.constant 16 : i32
        %mul3A_307 = arith.muli %add3A_288, %mul3A_306 : i32
        %swap3A_308 = arith.index_cast %mul3A_307 : i32 to index
        %swap3A_309 = tpu.vector_load %arg4[%swap3A_308] {strides = array<i32>} : memref<4096xf32, #tpu.memory_space<vmem>>, vector<16xf32>,
        tpu.vector_store %arg4[%swap3A_308], %select_n3A_305 {strides = array<i32>} : memref<4096xf32, #tpu.memory_space<vmem>>, vector<16xf32>,
      }
      %scan3A_45 = arith.constant 128 : i32
      %scan3A_46 = arith.constant 0 : i32
      %scan3A_47 = arith.constant 0 : i32
      %scan3A_48 = arith.constant 128 : i32
      %scan3A_49 = arith.addi %scan3A_47, %scan3A_48 : i32
      %scan3A_50 = arith.constant 1 : i32
      scf.for %scan3A_282 = %scan3A_47 to %scan3A_49 step %scan3A_50  : i32 {
        %and3A = arith.constant 1 : i32
        %and3A_283 = arith.andi %scan3A_282, %and3A : i32
        %shift_right_arithmetic3A = arith.constant 1 : i32
        %shift_right_arithmetic3A_284 = arith.shrsi %scan3A_282, %shift_right_arithmetic3A : i32
        %shift_left3A = arith.constant 2 : i32
        %shift_left3A_285 = arith.shli %shift_right_arithmetic3A_284, %shift_left3A : i32
        %add3A_286 = arith.addi %shift_left3A_285, %and3A_283 : i32
        %add3A_287 = arith.constant 2 : i32
        %add3A_288 = arith.addi %add3A_286, %add3A_287 : i32
        %mul3A_289 = arith.constant 16 : i32
        %mul3A_290 = arith.muli %add3A_286, %mul3A_289 : i32
        %get3A = arith.index_cast %mul3A_290 : i32 to index
        %get3A_291 = tpu.vector_load %arg4[%get3A] {strides = array<i32>} : memref<4096xf32, #tpu.memory_space<vmem>>, vector<16xf32>,
        %mul3A_292 = arith.constant 16 : i32
        %mul3A_293 = arith.muli %add3A_288, %mul3A_292 : i32
        %get3A_294 = arith.index_cast %mul3A_293 : i32 to index
        %get3A_295 = tpu.vector_load %arg4[%get3A_294] {strides = array<i32>} : memref<4096xf32, #tpu.memory_space<vmem>>, vector<16xf32>,
        %mul3A_296 = arith.constant 16 : i32
        %mul3A_297 = arith.muli %add3A_286, %mul3A_296 : i32
        %and3A_298 = arith.constant 128 : i32
        %and3A_299 = arith.andi %mul3A_297, %and3A_298 : i32
        %eq3A = arith.constant 0 : i32
        %eq3A_300 = arith.cmpi eq, %and3A_299, %eq3A : i32
        %min3A = arith.minimumf %get3A_291, %get3A_295 : vector<16xf32>
        %max3A = arith.maximumf %get3A_291, %get3A_295 : vector<16xf32>
        %select_n3A = arith.select %eq3A_300, %min3A, %max3A : vector<16xf32>
        %mul3A_301 = arith.constant 16 : i32
        %mul3A_302 = arith.muli %add3A_286, %mul3A_301 : i32
        %swap3A_303 = arith.index_cast %mul3A_302 : i32 to index
        %swap3A_304 = tpu.vector_load %arg4[%swap3A_303] {strides = array<i32>} : memref<4096xf32, #tpu.memory_space<vmem>>, vector<16xf32>,
        tpu.vector_store %arg4[%swap3A_303], %select_n3A {strides = array<i32>} : memref<4096xf32, #tpu.memory_space<vmem>>, vector<16xf32>,
        %select_n3A_305 = arith.select %eq3A_300, %max3A, %min3A : vector<16xf32>
        %mul3A_306 = arith.constant 16 : i32
        %mul3A_307 = arith.muli %add3A_288, %mul3A_306 : i32
        %swap3A_308 = arith.index_cast %mul3A_307 : i32 to index
        %swap3A_309 = tpu.vector_load %arg4[%swap3A_308] {strides = array<i32>} : memref<4096xf32, #tpu.memory_space<vmem>>, vector<16xf32>,
        tpu.vector_store %arg4[%swap3A_308], %select_n3A_305 {strides = array<i32>} : memref<4096xf32, #tpu.memory_space<vmem>>, vector<16xf32>,
      }
      %scan3A_51 = arith.constant 128 : i32
      %scan3A_52 = arith.constant 0 : i32
      %scan3A_53 = arith.constant 0 : i32
      %scan3A_54 = arith.constant 128 : i32
      %scan3A_55 = arith.addi %scan3A_53, %scan3A_54 : i32
      %scan3A_56 = arith.constant 1 : i32
      scf.for %scan3A_282 = %scan3A_53 to %scan3A_55 step %scan3A_56  : i32 {
        %and3A = arith.constant 0 : i32
        %and3A_283 = arith.andi %scan3A_282, %and3A : i32
        %shift_right_arithmetic3A = arith.constant 0 : i32
        %shift_right_arithmetic3A_284 = arith.shrsi %scan3A_282, %shift_right_arithmetic3A : i32
        %shift_left3A = arith.constant 1 : i32
        %shift_left3A_285 = arith.shli %shift_right_arithmetic3A_284, %shift_left3A : i32
        %add3A_286 = arith.addi %shift_left3A_285, %and3A_283 : i32
        %add3A_287 = arith.constant 1 : i32
        %add3A_288 = arith.addi %add3A_286, %add3A_287 : i32
        %mul3A_289 = arith.constant 16 : i32
        %mul3A_290 = arith.muli %add3A_286, %mul3A_289 : i32
        %get3A = arith.index_cast %mul3A_290 : i32 to index
        %get3A_291 = tpu.vector_load %arg4[%get3A] {strides = array<i32>} : memref<4096xf32, #tpu.memory_space<vmem>>, vector<16xf32>,
        %mul3A_292 = arith.constant 16 : i32
        %mul3A_293 = arith.muli %add3A_288, %mul3A_292 : i32
        %get3A_294 = arith.index_cast %mul3A_293 : i32 to index
        %get3A_295 = tpu.vector_load %arg4[%get3A_294] {strides = array<i32>} : memref<4096xf32, #tpu.memory_space<vmem>>, vector<16xf32>,
        %mul3A_296 = arith.constant 16 : i32
        %mul3A_297 = arith.muli %add3A_286, %mul3A_296 : i32
        %and3A_298 = arith.constant 128 : i32
        %and3A_299 = arith.andi %mul3A_297, %and3A_298 : i32
        %eq3A = arith.constant 0 : i32
        %eq3A_300 = arith.cmpi eq, %and3A_299, %eq3A : i32
        %min3A = arith.minimumf %get3A_291, %get3A_295 : vector<16xf32>
        %max3A = arith.maximumf %get3A_291, %get3A_295 : vector<16xf32>
        %select_n3A = arith.select %eq3A_300, %min3A, %max3A : vector<16xf32>
        %mul3A_301 = arith.constant 16 : i32
        %mul3A_302 = arith.muli %add3A_286, %mul3A_301 : i32
        %swap3A_303 = arith.index_cast %mul3A_302 : i32 to index
        %swap3A_304 = tpu.vector_load %arg4[%swap3A_303] {strides = array<i32>} : memref<4096xf32, #tpu.memory_space<vmem>>, vector<16xf32>,
        tpu.vector_store %arg4[%swap3A_303], %select_n3A {strides = array<i32>} : memref<4096xf32, #tpu.memory_space<vmem>>, vector<16xf32>,
        %select_n3A_305 = arith.select %eq3A_300, %max3A, %min3A : vector<16xf32>
        %mul3A_306 = arith.constant 16 : i32
        %mul3A_307 = arith.muli %add3A_288, %mul3A_306 : i32
        %swap3A_308 = arith.index_cast %mul3A_307 : i32 to index
        %swap3A_309 = tpu.vector_load %arg4[%swap3A_308] {strides = array<i32>} : memref<4096xf32, #tpu.memory_space<vmem>>, vector<16xf32>,
        tpu.vector_store %arg4[%swap3A_308], %select_n3A_305 {strides = array<i32>} : memref<4096xf32, #tpu.memory_space<vmem>>, vector<16xf32>,
      }
      %scan3A_57 = arith.constant 128 : i32
      %scan3A_58 = arith.constant 0 : i32
      %scan3A_59 = arith.constant 0 : i32
      %scan3A_60 = arith.constant 256 : i32
      %scan3A_61 = arith.addi %scan3A_59, %scan3A_60 : i32
      %scan3A_62 = arith.constant 1 : i32
      scf.for %scan3A_282 = %scan3A_59 to %scan3A_61 step %scan3A_62  : i32 {
        %mul3A_283 = arith.constant 16 : i32
        %mul3A_284 = arith.muli %scan3A_282, %mul3A_283 : i32
        %get3A = arith.index_cast %mul3A_284 : i32 to index
        %get3A_285 = tpu.vector_load %arg4[%get3A] {strides = array<i32>} : memref<4096xf32, #tpu.memory_space<vmem>>, vector<16xf32>,
        %masked_sort3A = arith.constant dense<true> : vector<16xi1>
        %masked_sort3A_286, %masked_sort3A_287, %masked_sort3A_288 = tpu.sort %get3A_285, %get3A_285 masked %masked_sort3A : (vector<16xf32>, vector<16xf32>, vector<16xi1>) -> (vector<16xi1>, vector<16xf32>, vector<16xf32>)
        %mul3A_289 = arith.constant 16 : i32
        %mul3A_290 = arith.muli %scan3A_282, %mul3A_289 : i32
        %and3A = arith.constant 128 : i32
        %and3A_291 = arith.andi %mul3A_290, %and3A : i32
        %eq3A = arith.constant 0 : i32
        %eq3A_292 = arith.cmpi eq, %and3A_291, %eq3A : i32
        %rev3A = arith.constant 15 : i32
        %rev3A_293 = vector.broadcast %rev3A : i32 to vector<16xi32>
        %rev3A_294 = tpu.iota {dimensions = array<i32: 0>} : vector<16xi32>
        %rev3A_295 = arith.subi %rev3A_293, %rev3A_294 : vector<16xi32>
        %rev3A_296 = tpu.dynamic_gather %masked_sort3A_287[%rev3A_295] in [0] : vector<16xf32>, vector<16xi32> -> vector<16xf32>
        %select_n3A = arith.select %eq3A_292, %masked_sort3A_287, %rev3A_296 : vector<16xf32>
        %mul3A_297 = arith.constant 16 : i32
        %mul3A_298 = arith.muli %scan3A_282, %mul3A_297 : i32
        %swap3A_299 = arith.index_cast %mul3A_298 : i32 to index
        %swap3A_300 = tpu.vector_load %arg4[%swap3A_299] {strides = array<i32>} : memref<4096xf32, #tpu.memory_space<vmem>>, vector<16xf32>,
        tpu.vector_store %arg4[%swap3A_299], %select_n3A {strides = array<i32>} : memref<4096xf32, #tpu.memory_space<vmem>>, vector<16xf32>,
      }
      %scan3A_63 = arith.constant 256 : i32
      %scan3A_64 = arith.constant 0 : i32
      %scan3A_65 = arith.constant 0 : i32
      %scan3A_66 = arith.constant 128 : i32
      %scan3A_67 = arith.addi %scan3A_65, %scan3A_66 : i32
      %scan3A_68 = arith.constant 1 : i32
      scf.for %scan3A_282 = %scan3A_65 to %scan3A_67 step %scan3A_68  : i32 {
        %and3A = arith.constant 7 : i32
        %and3A_283 = arith.andi %scan3A_282, %and3A : i32
        %shift_right_arithmetic3A = arith.constant 3 : i32
        %shift_right_arithmetic3A_284 = arith.shrsi %scan3A_282, %shift_right_arithmetic3A : i32
        %shift_left3A = arith.constant 4 : i32
        %shift_left3A_285 = arith.shli %shift_right_arithmetic3A_284, %shift_left3A : i32
        %add3A_286 = arith.addi %shift_left3A_285, %and3A_283 : i32
        %add3A_287 = arith.constant 8 : i32
        %add3A_288 = arith.addi %add3A_286, %add3A_287 : i32
        %mul3A_289 = arith.constant 16 : i32
        %mul3A_290 = arith.muli %add3A_286, %mul3A_289 : i32
        %get3A = arith.index_cast %mul3A_290 : i32 to index
        %get3A_291 = tpu.vector_load %arg4[%get3A] {strides = array<i32>} : memref<4096xf32, #tpu.memory_space<vmem>>, vector<16xf32>,
        %mul3A_292 = arith.constant 16 : i32
        %mul3A_293 = arith.muli %add3A_288, %mul3A_292 : i32
        %get3A_294 = arith.index_cast %mul3A_293 : i32 to index
        %get3A_295 = tpu.vector_load %arg4[%get3A_294] {strides = array<i32>} : memref<4096xf32, #tpu.memory_space<vmem>>, vector<16xf32>,
        %mul3A_296 = arith.constant 16 : i32
        %mul3A_297 = arith.muli %add3A_286, %mul3A_296 : i32
        %and3A_298 = arith.constant 256 : i32
        %and3A_299 = arith.andi %mul3A_297, %and3A_298 : i32
        %eq3A = arith.constant 0 : i32
        %eq3A_300 = arith.cmpi eq, %and3A_299, %eq3A : i32
        %min3A = arith.minimumf %get3A_291, %get3A_295 : vector<16xf32>
        %max3A = arith.maximumf %get3A_291, %get3A_295 : vector<16xf32>
        %select_n3A = arith.select %eq3A_300, %min3A, %max3A : vector<16xf32>
        %mul3A_301 = arith.constant 16 : i32
        %mul3A_302 = arith.muli %add3A_286, %mul3A_301 : i32
        %swap3A_303 = arith.index_cast %mul3A_302 : i32 to index
        %swap3A_304 = tpu.vector_load %arg4[%swap3A_303] {strides = array<i32>} : memref<4096xf32, #tpu.memory_space<vmem>>, vector<16xf32>,
        tpu.vector_store %arg4[%swap3A_303], %select_n3A {strides = array<i32>} : memref<4096xf32, #tpu.memory_space<vmem>>, vector<16xf32>,
        %select_n3A_305 = arith.select %eq3A_300, %max3A, %min3A : vector<16xf32>
        %mul3A_306 = arith.constant 16 : i32
        %mul3A_307 = arith.muli %add3A_288, %mul3A_306 : i32
        %swap3A_308 = arith.index_cast %mul3A_307 : i32 to index
        %swap3A_309 = tpu.vector_load %arg4[%swap3A_308] {strides = array<i32>} : memref<4096xf32, #tpu.memory_space<vmem>>, vector<16xf32>,
        tpu.vector_store %arg4[%swap3A_308], %select_n3A_305 {strides = array<i32>} : memref<4096xf32, #tpu.memory_space<vmem>>, vector<16xf32>,
      }
      %scan3A_69 = arith.constant 128 : i32
      %scan3A_70 = arith.constant 0 : i32
      %scan3A_71 = arith.constant 0 : i32
      %scan3A_72 = arith.constant 128 : i32
      %scan3A_73 = arith.addi %scan3A_71, %scan3A_72 : i32
      %scan3A_74 = arith.constant 1 : i32
      scf.for %scan3A_282 = %scan3A_71 to %scan3A_73 step %scan3A_74  : i32 {
        %and3A = arith.constant 3 : i32
        %and3A_283 = arith.andi %scan3A_282, %and3A : i32
        %shift_right_arithmetic3A = arith.constant 2 : i32
        %shift_right_arithmetic3A_284 = arith.shrsi %scan3A_282, %shift_right_arithmetic3A : i32
        %shift_left3A = arith.constant 3 : i32
        %shift_left3A_285 = arith.shli %shift_right_arithmetic3A_284, %shift_left3A : i32
        %add3A_286 = arith.addi %shift_left3A_285, %and3A_283 : i32
        %add3A_287 = arith.constant 4 : i32
        %add3A_288 = arith.addi %add3A_286, %add3A_287 : i32
        %mul3A_289 = arith.constant 16 : i32
        %mul3A_290 = arith.muli %add3A_286, %mul3A_289 : i32
        %get3A = arith.index_cast %mul3A_290 : i32 to index
        %get3A_291 = tpu.vector_load %arg4[%get3A] {strides = array<i32>} : memref<4096xf32, #tpu.memory_space<vmem>>, vector<16xf32>,
        %mul3A_292 = arith.constant 16 : i32
        %mul3A_293 = arith.muli %add3A_288, %mul3A_292 : i32
        %get3A_294 = arith.index_cast %mul3A_293 : i32 to index
        %get3A_295 = tpu.vector_load %arg4[%get3A_294] {strides = array<i32>} : memref<4096xf32, #tpu.memory_space<vmem>>, vector<16xf32>,
        %mul3A_296 = arith.constant 16 : i32
        %mul3A_297 = arith.muli %add3A_286, %mul3A_296 : i32
        %and3A_298 = arith.constant 256 : i32
        %and3A_299 = arith.andi %mul3A_297, %and3A_298 : i32
        %eq3A = arith.constant 0 : i32
        %eq3A_300 = arith.cmpi eq, %and3A_299, %eq3A : i32
        %min3A = arith.minimumf %get3A_291, %get3A_295 : vector<16xf32>
        %max3A = arith.maximumf %get3A_291, %get3A_295 : vector<16xf32>
        %select_n3A = arith.select %eq3A_300, %min3A, %max3A : vector<16xf32>
        %mul3A_301 = arith.constant 16 : i32
        %mul3A_302 = arith.muli %add3A_286, %mul3A_301 : i32
        %swap3A_303 = arith.index_cast %mul3A_302 : i32 to index
        %swap3A_304 = tpu.vector_load %arg4[%swap3A_303] {strides = array<i32>} : memref<4096xf32, #tpu.memory_space<vmem>>, vector<16xf32>,
        tpu.vector_store %arg4[%swap3A_303], %select_n3A {strides = array<i32>} : memref<4096xf32, #tpu.memory_space<vmem>>, vector<16xf32>,
        %select_n3A_305 = arith.select %eq3A_300, %max3A, %min3A : vector<16xf32>
        %mul3A_306 = arith.constant 16 : i32
        %mul3A_307 = arith.muli %add3A_288, %mul3A_306 : i32
        %swap3A_308 = arith.index_cast %mul3A_307 : i32 to index
        %swap3A_309 = tpu.vector_load %arg4[%swap3A_308] {strides = array<i32>} : memref<4096xf32, #tpu.memory_space<vmem>>, vector<16xf32>,
        tpu.vector_store %arg4[%swap3A_308], %select_n3A_305 {strides = array<i32>} : memref<4096xf32, #tpu.memory_space<vmem>>, vector<16xf32>,
      }
      %scan3A_75 = arith.constant 128 : i32
      %scan3A_76 = arith.constant 0 : i32
      %scan3A_77 = arith.constant 0 : i32
      %scan3A_78 = arith.constant 128 : i32
      %scan3A_79 = arith.addi %scan3A_77, %scan3A_78 : i32
      %scan3A_80 = arith.constant 1 : i32
      scf.for %scan3A_282 = %scan3A_77 to %scan3A_79 step %scan3A_80  : i32 {
        %and3A = arith.constant 1 : i32
        %and3A_283 = arith.andi %scan3A_282, %and3A : i32
        %shift_right_arithmetic3A = arith.constant 1 : i32
        %shift_right_arithmetic3A_284 = arith.shrsi %scan3A_282, %shift_right_arithmetic3A : i32
        %shift_left3A = arith.constant 2 : i32
        %shift_left3A_285 = arith.shli %shift_right_arithmetic3A_284, %shift_left3A : i32
        %add3A_286 = arith.addi %shift_left3A_285, %and3A_283 : i32
        %add3A_287 = arith.constant 2 : i32
        %add3A_288 = arith.addi %add3A_286, %add3A_287 : i32
        %mul3A_289 = arith.constant 16 : i32
        %mul3A_290 = arith.muli %add3A_286, %mul3A_289 : i32
        %get3A = arith.index_cast %mul3A_290 : i32 to index
        %get3A_291 = tpu.vector_load %arg4[%get3A] {strides = array<i32>} : memref<4096xf32, #tpu.memory_space<vmem>>, vector<16xf32>,
        %mul3A_292 = arith.constant 16 : i32
        %mul3A_293 = arith.muli %add3A_288, %mul3A_292 : i32
        %get3A_294 = arith.index_cast %mul3A_293 : i32 to index
        %get3A_295 = tpu.vector_load %arg4[%get3A_294] {strides = array<i32>} : memref<4096xf32, #tpu.memory_space<vmem>>, vector<16xf32>,
        %mul3A_296 = arith.constant 16 : i32
        %mul3A_297 = arith.muli %add3A_286, %mul3A_296 : i32
        %and3A_298 = arith.constant 256 : i32
        %and3A_299 = arith.andi %mul3A_297, %and3A_298 : i32
        %eq3A = arith.constant 0 : i32
        %eq3A_300 = arith.cmpi eq, %and3A_299, %eq3A : i32
        %min3A = arith.minimumf %get3A_291, %get3A_295 : vector<16xf32>
        %max3A = arith.maximumf %get3A_291, %get3A_295 : vector<16xf32>
        %select_n3A = arith.select %eq3A_300, %min3A, %max3A : vector<16xf32>
        %mul3A_301 = arith.constant 16 : i32
        %mul3A_302 = arith.muli %add3A_286, %mul3A_301 : i32
        %swap3A_303 = arith.index_cast %mul3A_302 : i32 to index
        %swap3A_304 = tpu.vector_load %arg4[%swap3A_303] {strides = array<i32>} : memref<4096xf32, #tpu.memory_space<vmem>>, vector<16xf32>,
        tpu.vector_store %arg4[%swap3A_303], %select_n3A {strides = array<i32>} : memref<4096xf32, #tpu.memory_space<vmem>>, vector<16xf32>,
        %select_n3A_305 = arith.select %eq3A_300, %max3A, %min3A : vector<16xf32>
        %mul3A_306 = arith.constant 16 : i32
        %mul3A_307 = arith.muli %add3A_288, %mul3A_306 : i32
        %swap3A_308 = arith.index_cast %mul3A_307 : i32 to index
        %swap3A_309 = tpu.vector_load %arg4[%swap3A_308] {strides = array<i32>} : memref<4096xf32, #tpu.memory_space<vmem>>, vector<16xf32>,
        tpu.vector_store %arg4[%swap3A_308], %select_n3A_305 {strides = array<i32>} : memref<4096xf32, #tpu.memory_space<vmem>>, vector<16xf32>,
      }
      %scan3A_81 = arith.constant 128 : i32
      %scan3A_82 = arith.constant 0 : i32
      %scan3A_83 = arith.constant 0 : i32
      %scan3A_84 = arith.constant 128 : i32
      %scan3A_85 = arith.addi %scan3A_83, %scan3A_84 : i32
      %scan3A_86 = arith.constant 1 : i32
      scf.for %scan3A_282 = %scan3A_83 to %scan3A_85 step %scan3A_86  : i32 {
        %and3A = arith.constant 0 : i32
        %and3A_283 = arith.andi %scan3A_282, %and3A : i32
        %shift_right_arithmetic3A = arith.constant 0 : i32
        %shift_right_arithmetic3A_284 = arith.shrsi %scan3A_282, %shift_right_arithmetic3A : i32
        %shift_left3A = arith.constant 1 : i32
        %shift_left3A_285 = arith.shli %shift_right_arithmetic3A_284, %shift_left3A : i32
        %add3A_286 = arith.addi %shift_left3A_285, %and3A_283 : i32
        %add3A_287 = arith.constant 1 : i32
        %add3A_288 = arith.addi %add3A_286, %add3A_287 : i32
        %mul3A_289 = arith.constant 16 : i32
        %mul3A_290 = arith.muli %add3A_286, %mul3A_289 : i32
        %get3A = arith.index_cast %mul3A_290 : i32 to index
        %get3A_291 = tpu.vector_load %arg4[%get3A] {strides = array<i32>} : memref<4096xf32, #tpu.memory_space<vmem>>, vector<16xf32>,
        %mul3A_292 = arith.constant 16 : i32
        %mul3A_293 = arith.muli %add3A_288, %mul3A_292 : i32
        %get3A_294 = arith.index_cast %mul3A_293 : i32 to index
        %get3A_295 = tpu.vector_load %arg4[%get3A_294] {strides = array<i32>} : memref<4096xf32, #tpu.memory_space<vmem>>, vector<16xf32>,
        %mul3A_296 = arith.constant 16 : i32
        %mul3A_297 = arith.muli %add3A_286, %mul3A_296 : i32
        %and3A_298 = arith.constant 256 : i32
        %and3A_299 = arith.andi %mul3A_297, %and3A_298 : i32
        %eq3A = arith.constant 0 : i32
        %eq3A_300 = arith.cmpi eq, %and3A_299, %eq3A : i32
        %min3A = arith.minimumf %get3A_291, %get3A_295 : vector<16xf32>
        %max3A = arith.maximumf %get3A_291, %get3A_295 : vector<16xf32>
        %select_n3A = arith.select %eq3A_300, %min3A, %max3A : vector<16xf32>
        %mul3A_301 = arith.constant 16 : i32
        %mul3A_302 = arith.muli %add3A_286, %mul3A_301 : i32
        %swap3A_303 = arith.index_cast %mul3A_302 : i32 to index
        %swap3A_304 = tpu.vector_load %arg4[%swap3A_303] {strides = array<i32>} : memref<4096xf32, #tpu.memory_space<vmem>>, vector<16xf32>,
        tpu.vector_store %arg4[%swap3A_303], %select_n3A {strides = array<i32>} : memref<4096xf32, #tpu.memory_space<vmem>>, vector<16xf32>,
        %select_n3A_305 = arith.select %eq3A_300, %max3A, %min3A : vector<16xf32>
        %mul3A_306 = arith.constant 16 : i32
        %mul3A_307 = arith.muli %add3A_288, %mul3A_306 : i32
        %swap3A_308 = arith.index_cast %mul3A_307 : i32 to index
        %swap3A_309 = tpu.vector_load %arg4[%swap3A_308] {strides = array<i32>} : memref<4096xf32, #tpu.memory_space<vmem>>, vector<16xf32>,
        tpu.vector_store %arg4[%swap3A_308], %select_n3A_305 {strides = array<i32>} : memref<4096xf32, #tpu.memory_space<vmem>>, vector<16xf32>,
      }
      %scan3A_87 = arith.constant 128 : i32
      %scan3A_88 = arith.constant 0 : i32
      %scan3A_89 = arith.constant 0 : i32
      %scan3A_90 = arith.constant 256 : i32
      %scan3A_91 = arith.addi %scan3A_89, %scan3A_90 : i32
      %scan3A_92 = arith.constant 1 : i32
      scf.for %scan3A_282 = %scan3A_89 to %scan3A_91 step %scan3A_92  : i32 {
        %mul3A_283 = arith.constant 16 : i32
        %mul3A_284 = arith.muli %scan3A_282, %mul3A_283 : i32
        %get3A = arith.index_cast %mul3A_284 : i32 to index
        %get3A_285 = tpu.vector_load %arg4[%get3A] {strides = array<i32>} : memref<4096xf32, #tpu.memory_space<vmem>>, vector<16xf32>,
        %masked_sort3A = arith.constant dense<true> : vector<16xi1>
        %masked_sort3A_286, %masked_sort3A_287, %masked_sort3A_288 = tpu.sort %get3A_285, %get3A_285 masked %masked_sort3A : (vector<16xf32>, vector<16xf32>, vector<16xi1>) -> (vector<16xi1>, vector<16xf32>, vector<16xf32>)
        %mul3A_289 = arith.constant 16 : i32
        %mul3A_290 = arith.muli %scan3A_282, %mul3A_289 : i32
        %and3A = arith.constant 256 : i32
        %and3A_291 = arith.andi %mul3A_290, %and3A : i32
        %eq3A = arith.constant 0 : i32
        %eq3A_292 = arith.cmpi eq, %and3A_291, %eq3A : i32
        %rev3A = arith.constant 15 : i32
        %rev3A_293 = vector.broadcast %rev3A : i32 to vector<16xi32>
        %rev3A_294 = tpu.iota {dimensions = array<i32: 0>} : vector<16xi32>
        %rev3A_295 = arith.subi %rev3A_293, %rev3A_294 : vector<16xi32>
        %rev3A_296 = tpu.dynamic_gather %masked_sort3A_287[%rev3A_295] in [0] : vector<16xf32>, vector<16xi32> -> vector<16xf32>
        %select_n3A = arith.select %eq3A_292, %masked_sort3A_287, %rev3A_296 : vector<16xf32>
        %mul3A_297 = arith.constant 16 : i32
        %mul3A_298 = arith.muli %scan3A_282, %mul3A_297 : i32
        %swap3A_299 = arith.index_cast %mul3A_298 : i32 to index
        %swap3A_300 = tpu.vector_load %arg4[%swap3A_299] {strides = array<i32>} : memref<4096xf32, #tpu.memory_space<vmem>>, vector<16xf32>,
        tpu.vector_store %arg4[%swap3A_299], %select_n3A {strides = array<i32>} : memref<4096xf32, #tpu.memory_space<vmem>>, vector<16xf32>,
      }
      %scan3A_93 = arith.constant 256 : i32
      %scan3A_94 = arith.constant 0 : i32
      %scan3A_95 = arith.constant 0 : i32
      %scan3A_96 = arith.constant 128 : i32
      %scan3A_97 = arith.addi %scan3A_95, %scan3A_96 : i32
      %scan3A_98 = arith.constant 1 : i32
      scf.for %scan3A_282 = %scan3A_95 to %scan3A_97 step %scan3A_98  : i32 {
        %and3A = arith.constant 15 : i32
        %and3A_283 = arith.andi %scan3A_282, %and3A : i32
        %shift_right_arithmetic3A = arith.constant 4 : i32
        %shift_right_arithmetic3A_284 = arith.shrsi %scan3A_282, %shift_right_arithmetic3A : i32
        %shift_left3A = arith.constant 5 : i32
        %shift_left3A_285 = arith.shli %shift_right_arithmetic3A_284, %shift_left3A : i32
        %add3A_286 = arith.addi %shift_left3A_285, %and3A_283 : i32
        %add3A_287 = arith.constant 16 : i32
        %add3A_288 = arith.addi %add3A_286, %add3A_287 : i32
        %mul3A_289 = arith.constant 16 : i32
        %mul3A_290 = arith.muli %add3A_286, %mul3A_289 : i32
        %get3A = arith.index_cast %mul3A_290 : i32 to index
        %get3A_291 = tpu.vector_load %arg4[%get3A] {strides = array<i32>} : memref<4096xf32, #tpu.memory_space<vmem>>, vector<16xf32>,
        %mul3A_292 = arith.constant 16 : i32
        %mul3A_293 = arith.muli %add3A_288, %mul3A_292 : i32
        %get3A_294 = arith.index_cast %mul3A_293 : i32 to index
        %get3A_295 = tpu.vector_load %arg4[%get3A_294] {strides = array<i32>} : memref<4096xf32, #tpu.memory_space<vmem>>, vector<16xf32>,
        %mul3A_296 = arith.constant 16 : i32
        %mul3A_297 = arith.muli %add3A_286, %mul3A_296 : i32
        %and3A_298 = arith.constant 512 : i32
        %and3A_299 = arith.andi %mul3A_297, %and3A_298 : i32
        %eq3A = arith.constant 0 : i32
        %eq3A_300 = arith.cmpi eq, %and3A_299, %eq3A : i32
        %min3A = arith.minimumf %get3A_291, %get3A_295 : vector<16xf32>
        %max3A = arith.maximumf %get3A_291, %get3A_295 : vector<16xf32>
        %select_n3A = arith.select %eq3A_300, %min3A, %max3A : vector<16xf32>
        %mul3A_301 = arith.constant 16 : i32
        %mul3A_302 = arith.muli %add3A_286, %mul3A_301 : i32
        %swap3A_303 = arith.index_cast %mul3A_302 : i32 to index
        %swap3A_304 = tpu.vector_load %arg4[%swap3A_303] {strides = array<i32>} : memref<4096xf32, #tpu.memory_space<vmem>>, vector<16xf32>,
        tpu.vector_store %arg4[%swap3A_303], %select_n3A {strides = array<i32>} : memref<4096xf32, #tpu.memory_space<vmem>>, vector<16xf32>,
        %select_n3A_305 = arith.select %eq3A_300, %max3A, %min3A : vector<16xf32>
        %mul3A_306 = arith.constant 16 : i32
        %mul3A_307 = arith.muli %add3A_288, %mul3A_306 : i32
        %swap3A_308 = arith.index_cast %mul3A_307 : i32 to index
        %swap3A_309 = tpu.vector_load %arg4[%swap3A_308] {strides = array<i32>} : memref<4096xf32, #tpu.memory_space<vmem>>, vector<16xf32>,
        tpu.vector_store %arg4[%swap3A_308], %select_n3A_305 {strides = array<i32>} : memref<4096xf32, #tpu.memory_space<vmem>>, vector<16xf32>,
      }
      %scan3A_99 = arith.constant 128 : i32
      %scan3A_100 = arith.constant 0 : i32
      %scan3A_101 = arith.constant 0 : i32
      %scan3A_102 = arith.constant 128 : i32
      %scan3A_103 = arith.addi %scan3A_101, %scan3A_102 : i32
      %scan3A_104 = arith.constant 1 : i32
      scf.for %scan3A_282 = %scan3A_101 to %scan3A_103 step %scan3A_104  : i32 {
        %and3A = arith.constant 7 : i32
        %and3A_283 = arith.andi %scan3A_282, %and3A : i32
        %shift_right_arithmetic3A = arith.constant 3 : i32
        %shift_right_arithmetic3A_284 = arith.shrsi %scan3A_282, %shift_right_arithmetic3A : i32
        %shift_left3A = arith.constant 4 : i32
        %shift_left3A_285 = arith.shli %shift_right_arithmetic3A_284, %shift_left3A : i32
        %add3A_286 = arith.addi %shift_left3A_285, %and3A_283 : i32
        %add3A_287 = arith.constant 8 : i32
        %add3A_288 = arith.addi %add3A_286, %add3A_287 : i32
        %mul3A_289 = arith.constant 16 : i32
        %mul3A_290 = arith.muli %add3A_286, %mul3A_289 : i32
        %get3A = arith.index_cast %mul3A_290 : i32 to index
        %get3A_291 = tpu.vector_load %arg4[%get3A] {strides = array<i32>} : memref<4096xf32, #tpu.memory_space<vmem>>, vector<16xf32>,
        %mul3A_292 = arith.constant 16 : i32
        %mul3A_293 = arith.muli %add3A_288, %mul3A_292 : i32
        %get3A_294 = arith.index_cast %mul3A_293 : i32 to index
        %get3A_295 = tpu.vector_load %arg4[%get3A_294] {strides = array<i32>} : memref<4096xf32, #tpu.memory_space<vmem>>, vector<16xf32>,
        %mul3A_296 = arith.constant 16 : i32
        %mul3A_297 = arith.muli %add3A_286, %mul3A_296 : i32
        %and3A_298 = arith.constant 512 : i32
        %and3A_299 = arith.andi %mul3A_297, %and3A_298 : i32
        %eq3A = arith.constant 0 : i32
        %eq3A_300 = arith.cmpi eq, %and3A_299, %eq3A : i32
        %min3A = arith.minimumf %get3A_291, %get3A_295 : vector<16xf32>
        %max3A = arith.maximumf %get3A_291, %get3A_295 : vector<16xf32>
        %select_n3A = arith.select %eq3A_300, %min3A, %max3A : vector<16xf32>
        %mul3A_301 = arith.constant 16 : i32
        %mul3A_302 = arith.muli %add3A_286, %mul3A_301 : i32
        %swap3A_303 = arith.index_cast %mul3A_302 : i32 to index
        %swap3A_304 = tpu.vector_load %arg4[%swap3A_303] {strides = array<i32>} : memref<4096xf32, #tpu.memory_space<vmem>>, vector<16xf32>,
        tpu.vector_store %arg4[%swap3A_303], %select_n3A {strides = array<i32>} : memref<4096xf32, #tpu.memory_space<vmem>>, vector<16xf32>,
        %select_n3A_305 = arith.select %eq3A_300, %max3A, %min3A : vector<16xf32>
        %mul3A_306 = arith.constant 16 : i32
        %mul3A_307 = arith.muli %add3A_288, %mul3A_306 : i32
        %swap3A_308 = arith.index_cast %mul3A_307 : i32 to index
        %swap3A_309 = tpu.vector_load %arg4[%swap3A_308] {strides = array<i32>} : memref<4096xf32, #tpu.memory_space<vmem>>, vector<16xf32>,
        tpu.vector_store %arg4[%swap3A_308], %select_n3A_305 {strides = array<i32>} : memref<4096xf32, #tpu.memory_space<vmem>>, vector<16xf32>,
      }
      %scan3A_105 = arith.constant 128 : i32
      %scan3A_106 = arith.constant 0 : i32
      %scan3A_107 = arith.constant 0 : i32
      %scan3A_108 = arith.constant 128 : i32
      %scan3A_109 = arith.addi %scan3A_107, %scan3A_108 : i32
      %scan3A_110 = arith.constant 1 : i32
      scf.for %scan3A_282 = %scan3A_107 to %scan3A_109 step %scan3A_110  : i32 {
        %and3A = arith.constant 3 : i32
        %and3A_283 = arith.andi %scan3A_282, %and3A : i32
        %shift_right_arithmetic3A = arith.constant 2 : i32
        %shift_right_arithmetic3A_284 = arith.shrsi %scan3A_282, %shift_right_arithmetic3A : i32
        %shift_left3A = arith.constant 3 : i32
        %shift_left3A_285 = arith.shli %shift_right_arithmetic3A_284, %shift_left3A : i32
        %add3A_286 = arith.addi %shift_left3A_285, %and3A_283 : i32
        %add3A_287 = arith.constant 4 : i32
        %add3A_288 = arith.addi %add3A_286, %add3A_287 : i32
        %mul3A_289 = arith.constant 16 : i32
        %mul3A_290 = arith.muli %add3A_286, %mul3A_289 : i32
        %get3A = arith.index_cast %mul3A_290 : i32 to index
        %get3A_291 = tpu.vector_load %arg4[%get3A] {strides = array<i32>} : memref<4096xf32, #tpu.memory_space<vmem>>, vector<16xf32>,
        %mul3A_292 = arith.constant 16 : i32
        %mul3A_293 = arith.muli %add3A_288, %mul3A_292 : i32
        %get3A_294 = arith.index_cast %mul3A_293 : i32 to index
        %get3A_295 = tpu.vector_load %arg4[%get3A_294] {strides = array<i32>} : memref<4096xf32, #tpu.memory_space<vmem>>, vector<16xf32>,
        %mul3A_296 = arith.constant 16 : i32
        %mul3A_297 = arith.muli %add3A_286, %mul3A_296 : i32
        %and3A_298 = arith.constant 512 : i32
        %and3A_299 = arith.andi %mul3A_297, %and3A_298 : i32
        %eq3A = arith.constant 0 : i32
        %eq3A_300 = arith.cmpi eq, %and3A_299, %eq3A : i32
        %min3A = arith.minimumf %get3A_291, %get3A_295 : vector<16xf32>
        %max3A = arith.maximumf %get3A_291, %get3A_295 : vector<16xf32>
        %select_n3A = arith.select %eq3A_300, %min3A, %max3A : vector<16xf32>
        %mul3A_301 = arith.constant 16 : i32
        %mul3A_302 = arith.muli %add3A_286, %mul3A_301 : i32
        %swap3A_303 = arith.index_cast %mul3A_302 : i32 to index
        %swap3A_304 = tpu.vector_load %arg4[%swap3A_303] {strides = array<i32>} : memref<4096xf32, #tpu.memory_space<vmem>>, vector<16xf32>,
        tpu.vector_store %arg4[%swap3A_303], %select_n3A {strides = array<i32>} : memref<4096xf32, #tpu.memory_space<vmem>>, vector<16xf32>,
        %select_n3A_305 = arith.select %eq3A_300, %max3A, %min3A : vector<16xf32>
        %mul3A_306 = arith.constant 16 : i32
        %mul3A_307 = arith.muli %add3A_288, %mul3A_306 : i32
        %swap3A_308 = arith.index_cast %mul3A_307 : i32 to index
        %swap3A_309 = tpu.vector_load %arg4[%swap3A_308] {strides = array<i32>} : memref<4096xf32, #tpu.memory_space<vmem>>, vector<16xf32>,
        tpu.vector_store %arg4[%swap3A_308], %select_n3A_305 {strides = array<i32>} : memref<4096xf32, #tpu.memory_space<vmem>>, vector<16xf32>,
      }
      %scan3A_111 = arith.constant 128 : i32
      %scan3A_112 = arith.constant 0 : i32
      %scan3A_113 = arith.constant 0 : i32
      %scan3A_114 = arith.constant 128 : i32
      %scan3A_115 = arith.addi %scan3A_113, %scan3A_114 : i32
      %scan3A_116 = arith.constant 1 : i32
      scf.for %scan3A_282 = %scan3A_113 to %scan3A_115 step %scan3A_116  : i32 {
        %and3A = arith.constant 1 : i32
        %and3A_283 = arith.andi %scan3A_282, %and3A : i32
        %shift_right_arithmetic3A = arith.constant 1 : i32
        %shift_right_arithmetic3A_284 = arith.shrsi %scan3A_282, %shift_right_arithmetic3A : i32
        %shift_left3A = arith.constant 2 : i32
        %shift_left3A_285 = arith.shli %shift_right_arithmetic3A_284, %shift_left3A : i32
        %add3A_286 = arith.addi %shift_left3A_285, %and3A_283 : i32
        %add3A_287 = arith.constant 2 : i32
        %add3A_288 = arith.addi %add3A_286, %add3A_287 : i32
        %mul3A_289 = arith.constant 16 : i32
        %mul3A_290 = arith.muli %add3A_286, %mul3A_289 : i32
        %get3A = arith.index_cast %mul3A_290 : i32 to index
        %get3A_291 = tpu.vector_load %arg4[%get3A] {strides = array<i32>} : memref<4096xf32, #tpu.memory_space<vmem>>, vector<16xf32>,
        %mul3A_292 = arith.constant 16 : i32
        %mul3A_293 = arith.muli %add3A_288, %mul3A_292 : i32
        %get3A_294 = arith.index_cast %mul3A_293 : i32 to index
        %get3A_295 = tpu.vector_load %arg4[%get3A_294] {strides = array<i32>} : memref<4096xf32, #tpu.memory_space<vmem>>, vector<16xf32>,
        %mul3A_296 = arith.constant 16 : i32
        %mul3A_297 = arith.muli %add3A_286, %mul3A_296 : i32
        %and3A_298 = arith.constant 512 : i32
        %and3A_299 = arith.andi %mul3A_297, %and3A_298 : i32
        %eq3A = arith.constant 0 : i32
        %eq3A_300 = arith.cmpi eq, %and3A_299, %eq3A : i32
        %min3A = arith.minimumf %get3A_291, %get3A_295 : vector<16xf32>
        %max3A = arith.maximumf %get3A_291, %get3A_295 : vector<16xf32>
        %select_n3A = arith.select %eq3A_300, %min3A, %max3A : vector<16xf32>
        %mul3A_301 = arith.constant 16 : i32
        %mul3A_302 = arith.muli %add3A_286, %mul3A_301 : i32
        %swap3A_303 = arith.index_cast %mul3A_302 : i32 to index
        %swap3A_304 = tpu.vector_load %arg4[%swap3A_303] {strides = array<i32>} : memref<4096xf32, #tpu.memory_space<vmem>>, vector<16xf32>,
        tpu.vector_store %arg4[%swap3A_303], %select_n3A {strides = array<i32>} : memref<4096xf32, #tpu.memory_space<vmem>>, vector<16xf32>,
        %select_n3A_305 = arith.select %eq3A_300, %max3A, %min3A : vector<16xf32>
        %mul3A_306 = arith.constant 16 : i32
        %mul3A_307 = arith.muli %add3A_288, %mul3A_306 : i32
        %swap3A_308 = arith.index_cast %mul3A_307 : i32 to index
        %swap3A_309 = tpu.vector_load %arg4[%swap3A_308] {strides = array<i32>} : memref<4096xf32, #tpu.memory_space<vmem>>, vector<16xf32>,
        tpu.vector_store %arg4[%swap3A_308], %select_n3A_305 {strides = array<i32>} : memref<4096xf32, #tpu.memory_space<vmem>>, vector<16xf32>,
      }
      %scan3A_117 = arith.constant 128 : i32
      %scan3A_118 = arith.constant 0 : i32
      %scan3A_119 = arith.constant 0 : i32
      %scan3A_120 = arith.constant 128 : i32
      %scan3A_121 = arith.addi %scan3A_119, %scan3A_120 : i32
      %scan3A_122 = arith.constant 1 : i32
      scf.for %scan3A_282 = %scan3A_119 to %scan3A_121 step %scan3A_122  : i32 {
        %and3A = arith.constant 0 : i32
        %and3A_283 = arith.andi %scan3A_282, %and3A : i32
        %shift_right_arithmetic3A = arith.constant 0 : i32
        %shift_right_arithmetic3A_284 = arith.shrsi %scan3A_282, %shift_right_arithmetic3A : i32
        %shift_left3A = arith.constant 1 : i32
        %shift_left3A_285 = arith.shli %shift_right_arithmetic3A_284, %shift_left3A : i32
        %add3A_286 = arith.addi %shift_left3A_285, %and3A_283 : i32
        %add3A_287 = arith.constant 1 : i32
        %add3A_288 = arith.addi %add3A_286, %add3A_287 : i32
        %mul3A_289 = arith.constant 16 : i32
        %mul3A_290 = arith.muli %add3A_286, %mul3A_289 : i32
        %get3A = arith.index_cast %mul3A_290 : i32 to index
        %get3A_291 = tpu.vector_load %arg4[%get3A] {strides = array<i32>} : memref<4096xf32, #tpu.memory_space<vmem>>, vector<16xf32>,
        %mul3A_292 = arith.constant 16 : i32
        %mul3A_293 = arith.muli %add3A_288, %mul3A_292 : i32
        %get3A_294 = arith.index_cast %mul3A_293 : i32 to index
        %get3A_295 = tpu.vector_load %arg4[%get3A_294] {strides = array<i32>} : memref<4096xf32, #tpu.memory_space<vmem>>, vector<16xf32>,
        %mul3A_296 = arith.constant 16 : i32
        %mul3A_297 = arith.muli %add3A_286, %mul3A_296 : i32
        %and3A_298 = arith.constant 512 : i32
        %and3A_299 = arith.andi %mul3A_297, %and3A_298 : i32
        %eq3A = arith.constant 0 : i32
        %eq3A_300 = arith.cmpi eq, %and3A_299, %eq3A : i32
        %min3A = arith.minimumf %get3A_291, %get3A_295 : vector<16xf32>
        %max3A = arith.maximumf %get3A_291, %get3A_295 : vector<16xf32>
        %select_n3A = arith.select %eq3A_300, %min3A, %max3A : vector<16xf32>
        %mul3A_301 = arith.constant 16 : i32
        %mul3A_302 = arith.muli %add3A_286, %mul3A_301 : i32
        %swap3A_303 = arith.index_cast %mul3A_302 : i32 to index
        %swap3A_304 = tpu.vector_load %arg4[%swap3A_303] {strides = array<i32>} : memref<4096xf32, #tpu.memory_space<vmem>>, vector<16xf32>,
        tpu.vector_store %arg4[%swap3A_303], %select_n3A {strides = array<i32>} : memref<4096xf32, #tpu.memory_space<vmem>>, vector<16xf32>,
        %select_n3A_305 = arith.select %eq3A_300, %max3A, %min3A : vector<16xf32>
        %mul3A_306 = arith.constant 16 : i32
        %mul3A_307 = arith.muli %add3A_288, %mul3A_306 : i32
        %swap3A_308 = arith.index_cast %mul3A_307 : i32 to index
        %swap3A_309 = tpu.vector_load %arg4[%swap3A_308] {strides = array<i32>} : memref<4096xf32, #tpu.memory_space<vmem>>, vector<16xf32>,
        tpu.vector_store %arg4[%swap3A_308], %select_n3A_305 {strides = array<i32>} : memref<4096xf32, #tpu.memory_space<vmem>>, vector<16xf32>,
      }
      %scan3A_123 = arith.constant 128 : i32
      %scan3A_124 = arith.constant 0 : i32
      %scan3A_125 = arith.constant 0 : i32
      %scan3A_126 = arith.constant 256 : i32
      %scan3A_127 = arith.addi %scan3A_125, %scan3A_126 : i32
      %scan3A_128 = arith.constant 1 : i32
      scf.for %scan3A_282 = %scan3A_125 to %scan3A_127 step %scan3A_128  : i32 {
        %mul3A_283 = arith.constant 16 : i32
        %mul3A_284 = arith.muli %scan3A_282, %mul3A_283 : i32
        %get3A = arith.index_cast %mul3A_284 : i32 to index
        %get3A_285 = tpu.vector_load %arg4[%get3A] {strides = array<i32>} : memref<4096xf32, #tpu.memory_space<vmem>>, vector<16xf32>,
        %masked_sort3A = arith.constant dense<true> : vector<16xi1>
        %masked_sort3A_286, %masked_sort3A_287, %masked_sort3A_288 = tpu.sort %get3A_285, %get3A_285 masked %masked_sort3A : (vector<16xf32>, vector<16xf32>, vector<16xi1>) -> (vector<16xi1>, vector<16xf32>, vector<16xf32>)
        %mul3A_289 = arith.constant 16 : i32
        %mul3A_290 = arith.muli %scan3A_282, %mul3A_289 : i32
        %and3A = arith.constant 512 : i32
        %and3A_291 = arith.andi %mul3A_290, %and3A : i32
        %eq3A = arith.constant 0 : i32
        %eq3A_292 = arith.cmpi eq, %and3A_291, %eq3A : i32
        %rev3A = arith.constant 15 : i32
        %rev3A_293 = vector.broadcast %rev3A : i32 to vector<16xi32>
        %rev3A_294 = tpu.iota {dimensions = array<i32: 0>} : vector<16xi32>
        %rev3A_295 = arith.subi %rev3A_293, %rev3A_294 : vector<16xi32>
        %rev3A_296 = tpu.dynamic_gather %masked_sort3A_287[%rev3A_295] in [0] : vector<16xf32>, vector<16xi32> -> vector<16xf32>
        %select_n3A = arith.select %eq3A_292, %masked_sort3A_287, %rev3A_296 : vector<16xf32>
        %mul3A_297 = arith.constant 16 : i32
        %mul3A_298 = arith.muli %scan3A_282, %mul3A_297 : i32
        %swap3A_299 = arith.index_cast %mul3A_298 : i32 to index
        %swap3A_300 = tpu.vector_load %arg4[%swap3A_299] {strides = array<i32>} : memref<4096xf32, #tpu.memory_space<vmem>>, vector<16xf32>,
        tpu.vector_store %arg4[%swap3A_299], %select_n3A {strides = array<i32>} : memref<4096xf32, #tpu.memory_space<vmem>>, vector<16xf32>,
      }
      %scan3A_129 = arith.constant 256 : i32
      %scan3A_130 = arith.constant 0 : i32
      %scan3A_131 = arith.constant 0 : i32
      %scan3A_132 = arith.constant 128 : i32
      %scan3A_133 = arith.addi %scan3A_131, %scan3A_132 : i32
      %scan3A_134 = arith.constant 1 : i32
      scf.for %scan3A_282 = %scan3A_131 to %scan3A_133 step %scan3A_134  : i32 {
        %and3A = arith.constant 31 : i32
        %and3A_283 = arith.andi %scan3A_282, %and3A : i32
        %shift_right_arithmetic3A = arith.constant 5 : i32
        %shift_right_arithmetic3A_284 = arith.shrsi %scan3A_282, %shift_right_arithmetic3A : i32
        %shift_left3A = arith.constant 6 : i32
        %shift_left3A_285 = arith.shli %shift_right_arithmetic3A_284, %shift_left3A : i32
        %add3A_286 = arith.addi %shift_left3A_285, %and3A_283 : i32
        %add3A_287 = arith.constant 32 : i32
        %add3A_288 = arith.addi %add3A_286, %add3A_287 : i32
        %mul3A_289 = arith.constant 16 : i32
        %mul3A_290 = arith.muli %add3A_286, %mul3A_289 : i32
        %get3A = arith.index_cast %mul3A_290 : i32 to index
        %get3A_291 = tpu.vector_load %arg4[%get3A] {strides = array<i32>} : memref<4096xf32, #tpu.memory_space<vmem>>, vector<16xf32>,
        %mul3A_292 = arith.constant 16 : i32
        %mul3A_293 = arith.muli %add3A_288, %mul3A_292 : i32
        %get3A_294 = arith.index_cast %mul3A_293 : i32 to index
        %get3A_295 = tpu.vector_load %arg4[%get3A_294] {strides = array<i32>} : memref<4096xf32, #tpu.memory_space<vmem>>, vector<16xf32>,
        %mul3A_296 = arith.constant 16 : i32
        %mul3A_297 = arith.muli %add3A_286, %mul3A_296 : i32
        %and3A_298 = arith.constant 1024 : i32
        %and3A_299 = arith.andi %mul3A_297, %and3A_298 : i32
        %eq3A = arith.constant 0 : i32
        %eq3A_300 = arith.cmpi eq, %and3A_299, %eq3A : i32
        %min3A = arith.minimumf %get3A_291, %get3A_295 : vector<16xf32>
        %max3A = arith.maximumf %get3A_291, %get3A_295 : vector<16xf32>
        %select_n3A = arith.select %eq3A_300, %min3A, %max3A : vector<16xf32>
        %mul3A_301 = arith.constant 16 : i32
        %mul3A_302 = arith.muli %add3A_286, %mul3A_301 : i32
        %swap3A_303 = arith.index_cast %mul3A_302 : i32 to index
        %swap3A_304 = tpu.vector_load %arg4[%swap3A_303] {strides = array<i32>} : memref<4096xf32, #tpu.memory_space<vmem>>, vector<16xf32>,
        tpu.vector_store %arg4[%swap3A_303], %select_n3A {strides = array<i32>} : memref<4096xf32, #tpu.memory_space<vmem>>, vector<16xf32>,
        %select_n3A_305 = arith.select %eq3A_300, %max3A, %min3A : vector<16xf32>
        %mul3A_306 = arith.constant 16 : i32
        %mul3A_307 = arith.muli %add3A_288, %mul3A_306 : i32
        %swap3A_308 = arith.index_cast %mul3A_307 : i32 to index
        %swap3A_309 = tpu.vector_load %arg4[%swap3A_308] {strides = array<i32>} : memref<4096xf32, #tpu.memory_space<vmem>>, vector<16xf32>,
        tpu.vector_store %arg4[%swap3A_308], %select_n3A_305 {strides = array<i32>} : memref<4096xf32, #tpu.memory_space<vmem>>, vector<16xf32>,
      }
      %scan3A_135 = arith.constant 128 : i32
      %scan3A_136 = arith.constant 0 : i32
      %scan3A_137 = arith.constant 0 : i32
      %scan3A_138 = arith.constant 128 : i32
      %scan3A_139 = arith.addi %scan3A_137, %scan3A_138 : i32
      %scan3A_140 = arith.constant 1 : i32
      scf.for %scan3A_282 = %scan3A_137 to %scan3A_139 step %scan3A_140  : i32 {
        %and3A = arith.constant 15 : i32
        %and3A_283 = arith.andi %scan3A_282, %and3A : i32
        %shift_right_arithmetic3A = arith.constant 4 : i32
        %shift_right_arithmetic3A_284 = arith.shrsi %scan3A_282, %shift_right_arithmetic3A : i32
        %shift_left3A = arith.constant 5 : i32
        %shift_left3A_285 = arith.shli %shift_right_arithmetic3A_284, %shift_left3A : i32
        %add3A_286 = arith.addi %shift_left3A_285, %and3A_283 : i32
        %add3A_287 = arith.constant 16 : i32
        %add3A_288 = arith.addi %add3A_286, %add3A_287 : i32
        %mul3A_289 = arith.constant 16 : i32
        %mul3A_290 = arith.muli %add3A_286, %mul3A_289 : i32
        %get3A = arith.index_cast %mul3A_290 : i32 to index
        %get3A_291 = tpu.vector_load %arg4[%get3A] {strides = array<i32>} : memref<4096xf32, #tpu.memory_space<vmem>>, vector<16xf32>,
        %mul3A_292 = arith.constant 16 : i32
        %mul3A_293 = arith.muli %add3A_288, %mul3A_292 : i32
        %get3A_294 = arith.index_cast %mul3A_293 : i32 to index
        %get3A_295 = tpu.vector_load %arg4[%get3A_294] {strides = array<i32>} : memref<4096xf32, #tpu.memory_space<vmem>>, vector<16xf32>,
        %mul3A_296 = arith.constant 16 : i32
        %mul3A_297 = arith.muli %add3A_286, %mul3A_296 : i32
        %and3A_298 = arith.constant 1024 : i32
        %and3A_299 = arith.andi %mul3A_297, %and3A_298 : i32
        %eq3A = arith.constant 0 : i32
        %eq3A_300 = arith.cmpi eq, %and3A_299, %eq3A : i32
        %min3A = arith.minimumf %get3A_291, %get3A_295 : vector<16xf32>
        %max3A = arith.maximumf %get3A_291, %get3A_295 : vector<16xf32>
        %select_n3A = arith.select %eq3A_300, %min3A, %max3A : vector<16xf32>
        %mul3A_301 = arith.constant 16 : i32
        %mul3A_302 = arith.muli %add3A_286, %mul3A_301 : i32
        %swap3A_303 = arith.index_cast %mul3A_302 : i32 to index
        %swap3A_304 = tpu.vector_load %arg4[%swap3A_303] {strides = array<i32>} : memref<4096xf32, #tpu.memory_space<vmem>>, vector<16xf32>,
        tpu.vector_store %arg4[%swap3A_303], %select_n3A {strides = array<i32>} : memref<4096xf32, #tpu.memory_space<vmem>>, vector<16xf32>,
        %select_n3A_305 = arith.select %eq3A_300, %max3A, %min3A : vector<16xf32>
        %mul3A_306 = arith.constant 16 : i32
        %mul3A_307 = arith.muli %add3A_288, %mul3A_306 : i32
        %swap3A_308 = arith.index_cast %mul3A_307 : i32 to index
        %swap3A_309 = tpu.vector_load %arg4[%swap3A_308] {strides = array<i32>} : memref<4096xf32, #tpu.memory_space<vmem>>, vector<16xf32>,
        tpu.vector_store %arg4[%swap3A_308], %select_n3A_305 {strides = array<i32>} : memref<4096xf32, #tpu.memory_space<vmem>>, vector<16xf32>,
      }
      %scan3A_141 = arith.constant 128 : i32
      %scan3A_142 = arith.constant 0 : i32
      %scan3A_143 = arith.constant 0 : i32
      %scan3A_144 = arith.constant 128 : i32
      %scan3A_145 = arith.addi %scan3A_143, %scan3A_144 : i32
      %scan3A_146 = arith.constant 1 : i32
      scf.for %scan3A_282 = %scan3A_143 to %scan3A_145 step %scan3A_146  : i32 {
        %and3A = arith.constant 7 : i32
        %and3A_283 = arith.andi %scan3A_282, %and3A : i32
        %shift_right_arithmetic3A = arith.constant 3 : i32
        %shift_right_arithmetic3A_284 = arith.shrsi %scan3A_282, %shift_right_arithmetic3A : i32
        %shift_left3A = arith.constant 4 : i32
        %shift_left3A_285 = arith.shli %shift_right_arithmetic3A_284, %shift_left3A : i32
        %add3A_286 = arith.addi %shift_left3A_285, %and3A_283 : i32
        %add3A_287 = arith.constant 8 : i32
        %add3A_288 = arith.addi %add3A_286, %add3A_287 : i32
        %mul3A_289 = arith.constant 16 : i32
        %mul3A_290 = arith.muli %add3A_286, %mul3A_289 : i32
        %get3A = arith.index_cast %mul3A_290 : i32 to index
        %get3A_291 = tpu.vector_load %arg4[%get3A] {strides = array<i32>} : memref<4096xf32, #tpu.memory_space<vmem>>, vector<16xf32>,
        %mul3A_292 = arith.constant 16 : i32
        %mul3A_293 = arith.muli %add3A_288, %mul3A_292 : i32
        %get3A_294 = arith.index_cast %mul3A_293 : i32 to index
        %get3A_295 = tpu.vector_load %arg4[%get3A_294] {strides = array<i32>} : memref<4096xf32, #tpu.memory_space<vmem>>, vector<16xf32>,
        %mul3A_296 = arith.constant 16 : i32
        %mul3A_297 = arith.muli %add3A_286, %mul3A_296 : i32
        %and3A_298 = arith.constant 1024 : i32
        %and3A_299 = arith.andi %mul3A_297, %and3A_298 : i32
        %eq3A = arith.constant 0 : i32
        %eq3A_300 = arith.cmpi eq, %and3A_299, %eq3A : i32
        %min3A = arith.minimumf %get3A_291, %get3A_295 : vector<16xf32>
        %max3A = arith.maximumf %get3A_291, %get3A_295 : vector<16xf32>
        %select_n3A = arith.select %eq3A_300, %min3A, %max3A : vector<16xf32>
        %mul3A_301 = arith.constant 16 : i32
        %mul3A_302 = arith.muli %add3A_286, %mul3A_301 : i32
        %swap3A_303 = arith.index_cast %mul3A_302 : i32 to index
        %swap3A_304 = tpu.vector_load %arg4[%swap3A_303] {strides = array<i32>} : memref<4096xf32, #tpu.memory_space<vmem>>, vector<16xf32>,
        tpu.vector_store %arg4[%swap3A_303], %select_n3A {strides = array<i32>} : memref<4096xf32, #tpu.memory_space<vmem>>, vector<16xf32>,
        %select_n3A_305 = arith.select %eq3A_300, %max3A, %min3A : vector<16xf32>
        %mul3A_306 = arith.constant 16 : i32
        %mul3A_307 = arith.muli %add3A_288, %mul3A_306 : i32
        %swap3A_308 = arith.index_cast %mul3A_307 : i32 to index
        %swap3A_309 = tpu.vector_load %arg4[%swap3A_308] {strides = array<i32>} : memref<4096xf32, #tpu.memory_space<vmem>>, vector<16xf32>,
        tpu.vector_store %arg4[%swap3A_308], %select_n3A_305 {strides = array<i32>} : memref<4096xf32, #tpu.memory_space<vmem>>, vector<16xf32>,
      }
      %scan3A_147 = arith.constant 128 : i32
      %scan3A_148 = arith.constant 0 : i32
      %scan3A_149 = arith.constant 0 : i32
      %scan3A_150 = arith.constant 128 : i32
      %scan3A_151 = arith.addi %scan3A_149, %scan3A_150 : i32
      %scan3A_152 = arith.constant 1 : i32
      scf.for %scan3A_282 = %scan3A_149 to %scan3A_151 step %scan3A_152  : i32 {
        %and3A = arith.constant 3 : i32
        %and3A_283 = arith.andi %scan3A_282, %and3A : i32
        %shift_right_arithmetic3A = arith.constant 2 : i32
        %shift_right_arithmetic3A_284 = arith.shrsi %scan3A_282, %shift_right_arithmetic3A : i32
        %shift_left3A = arith.constant 3 : i32
        %shift_left3A_285 = arith.shli %shift_right_arithmetic3A_284, %shift_left3A : i32
        %add3A_286 = arith.addi %shift_left3A_285, %and3A_283 : i32
        %add3A_287 = arith.constant 4 : i32
        %add3A_288 = arith.addi %add3A_286, %add3A_287 : i32
        %mul3A_289 = arith.constant 16 : i32
        %mul3A_290 = arith.muli %add3A_286, %mul3A_289 : i32
        %get3A = arith.index_cast %mul3A_290 : i32 to index
        %get3A_291 = tpu.vector_load %arg4[%get3A] {strides = array<i32>} : memref<4096xf32, #tpu.memory_space<vmem>>, vector<16xf32>,
        %mul3A_292 = arith.constant 16 : i32
        %mul3A_293 = arith.muli %add3A_288, %mul3A_292 : i32
        %get3A_294 = arith.index_cast %mul3A_293 : i32 to index
        %get3A_295 = tpu.vector_load %arg4[%get3A_294] {strides = array<i32>} : memref<4096xf32, #tpu.memory_space<vmem>>, vector<16xf32>,
        %mul3A_296 = arith.constant 16 : i32
        %mul3A_297 = arith.muli %add3A_286, %mul3A_296 : i32
        %and3A_298 = arith.constant 1024 : i32
        %and3A_299 = arith.andi %mul3A_297, %and3A_298 : i32
        %eq3A = arith.constant 0 : i32
        %eq3A_300 = arith.cmpi eq, %and3A_299, %eq3A : i32
        %min3A = arith.minimumf %get3A_291, %get3A_295 : vector<16xf32>
        %max3A = arith.maximumf %get3A_291, %get3A_295 : vector<16xf32>
        %select_n3A = arith.select %eq3A_300, %min3A, %max3A : vector<16xf32>
        %mul3A_301 = arith.constant 16 : i32
        %mul3A_302 = arith.muli %add3A_286, %mul3A_301 : i32
        %swap3A_303 = arith.index_cast %mul3A_302 : i32 to index
        %swap3A_304 = tpu.vector_load %arg4[%swap3A_303] {strides = array<i32>} : memref<4096xf32, #tpu.memory_space<vmem>>, vector<16xf32>,
        tpu.vector_store %arg4[%swap3A_303], %select_n3A {strides = array<i32>} : memref<4096xf32, #tpu.memory_space<vmem>>, vector<16xf32>,
        %select_n3A_305 = arith.select %eq3A_300, %max3A, %min3A : vector<16xf32>
        %mul3A_306 = arith.constant 16 : i32
        %mul3A_307 = arith.muli %add3A_288, %mul3A_306 : i32
        %swap3A_308 = arith.index_cast %mul3A_307 : i32 to index
        %swap3A_309 = tpu.vector_load %arg4[%swap3A_308] {strides = array<i32>} : memref<4096xf32, #tpu.memory_space<vmem>>, vector<16xf32>,
        tpu.vector_store %arg4[%swap3A_308], %select_n3A_305 {strides = array<i32>} : memref<4096xf32, #tpu.memory_space<vmem>>, vector<16xf32>,
      }
      %scan3A_153 = arith.constant 128 : i32
      %scan3A_154 = arith.constant 0 : i32
      %scan3A_155 = arith.constant 0 : i32
      %scan3A_156 = arith.constant 128 : i32
      %scan3A_157 = arith.addi %scan3A_155, %scan3A_156 : i32
      %scan3A_158 = arith.constant 1 : i32
      scf.for %scan3A_282 = %scan3A_155 to %scan3A_157 step %scan3A_158  : i32 {
        %and3A = arith.constant 1 : i32
        %and3A_283 = arith.andi %scan3A_282, %and3A : i32
        %shift_right_arithmetic3A = arith.constant 1 : i32
        %shift_right_arithmetic3A_284 = arith.shrsi %scan3A_282, %shift_right_arithmetic3A : i32
        %shift_left3A = arith.constant 2 : i32
        %shift_left3A_285 = arith.shli %shift_right_arithmetic3A_284, %shift_left3A : i32
        %add3A_286 = arith.addi %shift_left3A_285, %and3A_283 : i32
        %add3A_287 = arith.constant 2 : i32
        %add3A_288 = arith.addi %add3A_286, %add3A_287 : i32
        %mul3A_289 = arith.constant 16 : i32
        %mul3A_290 = arith.muli %add3A_286, %mul3A_289 : i32
        %get3A = arith.index_cast %mul3A_290 : i32 to index
        %get3A_291 = tpu.vector_load %arg4[%get3A] {strides = array<i32>} : memref<4096xf32, #tpu.memory_space<vmem>>, vector<16xf32>,
        %mul3A_292 = arith.constant 16 : i32
        %mul3A_293 = arith.muli %add3A_288, %mul3A_292 : i32
        %get3A_294 = arith.index_cast %mul3A_293 : i32 to index
        %get3A_295 = tpu.vector_load %arg4[%get3A_294] {strides = array<i32>} : memref<4096xf32, #tpu.memory_space<vmem>>, vector<16xf32>,
        %mul3A_296 = arith.constant 16 : i32
        %mul3A_297 = arith.muli %add3A_286, %mul3A_296 : i32
        %and3A_298 = arith.constant 1024 : i32
        %and3A_299 = arith.andi %mul3A_297, %and3A_298 : i32
        %eq3A = arith.constant 0 : i32
        %eq3A_300 = arith.cmpi eq, %and3A_299, %eq3A : i32
        %min3A = arith.minimumf %get3A_291, %get3A_295 : vector<16xf32>
        %max3A = arith.maximumf %get3A_291, %get3A_295 : vector<16xf32>
        %select_n3A = arith.select %eq3A_300, %min3A, %max3A : vector<16xf32>
        %mul3A_301 = arith.constant 16 : i32
        %mul3A_302 = arith.muli %add3A_286, %mul3A_301 : i32
        %swap3A_303 = arith.index_cast %mul3A_302 : i32 to index
        %swap3A_304 = tpu.vector_load %arg4[%swap3A_303] {strides = array<i32>} : memref<4096xf32, #tpu.memory_space<vmem>>, vector<16xf32>,
        tpu.vector_store %arg4[%swap3A_303], %select_n3A {strides = array<i32>} : memref<4096xf32, #tpu.memory_space<vmem>>, vector<16xf32>,
        %select_n3A_305 = arith.select %eq3A_300, %max3A, %min3A : vector<16xf32>
        %mul3A_306 = arith.constant 16 : i32
        %mul3A_307 = arith.muli %add3A_288, %mul3A_306 : i32
        %swap3A_308 = arith.index_cast %mul3A_307 : i32 to index
        %swap3A_309 = tpu.vector_load %arg4[%swap3A_308] {strides = array<i32>} : memref<4096xf32, #tpu.memory_space<vmem>>, vector<16xf32>,
        tpu.vector_store %arg4[%swap3A_308], %select_n3A_305 {strides = array<i32>} : memref<4096xf32, #tpu.memory_space<vmem>>, vector<16xf32>,
      }
      %scan3A_159 = arith.constant 128 : i32
      %scan3A_160 = arith.constant 0 : i32
      %scan3A_161 = arith.constant 0 : i32
      %scan3A_162 = arith.constant 128 : i32
      %scan3A_163 = arith.addi %scan3A_161, %scan3A_162 : i32
      %scan3A_164 = arith.constant 1 : i32
      scf.for %scan3A_282 = %scan3A_161 to %scan3A_163 step %scan3A_164  : i32 {
        %and3A = arith.constant 0 : i32
        %and3A_283 = arith.andi %scan3A_282, %and3A : i32
        %shift_right_arithmetic3A = arith.constant 0 : i32
        %shift_right_arithmetic3A_284 = arith.shrsi %scan3A_282, %shift_right_arithmetic3A : i32
        %shift_left3A = arith.constant 1 : i32
        %shift_left3A_285 = arith.shli %shift_right_arithmetic3A_284, %shift_left3A : i32
        %add3A_286 = arith.addi %shift_left3A_285, %and3A_283 : i32
        %add3A_287 = arith.constant 1 : i32
        %add3A_288 = arith.addi %add3A_286, %add3A_287 : i32
        %mul3A_289 = arith.constant 16 : i32
        %mul3A_290 = arith.muli %add3A_286, %mul3A_289 : i32
        %get3A = arith.index_cast %mul3A_290 : i32 to index
        %get3A_291 = tpu.vector_load %arg4[%get3A] {strides = array<i32>} : memref<4096xf32, #tpu.memory_space<vmem>>, vector<16xf32>,
        %mul3A_292 = arith.constant 16 : i32
        %mul3A_293 = arith.muli %add3A_288, %mul3A_292 : i32
        %get3A_294 = arith.index_cast %mul3A_293 : i32 to index
        %get3A_295 = tpu.vector_load %arg4[%get3A_294] {strides = array<i32>} : memref<4096xf32, #tpu.memory_space<vmem>>, vector<16xf32>,
        %mul3A_296 = arith.constant 16 : i32
        %mul3A_297 = arith.muli %add3A_286, %mul3A_296 : i32
        %and3A_298 = arith.constant 1024 : i32
        %and3A_299 = arith.andi %mul3A_297, %and3A_298 : i32
        %eq3A = arith.constant 0 : i32
        %eq3A_300 = arith.cmpi eq, %and3A_299, %eq3A : i32
        %min3A = arith.minimumf %get3A_291, %get3A_295 : vector<16xf32>
        %max3A = arith.maximumf %get3A_291, %get3A_295 : vector<16xf32>
        %select_n3A = arith.select %eq3A_300, %min3A, %max3A : vector<16xf32>
        %mul3A_301 = arith.constant 16 : i32
        %mul3A_302 = arith.muli %add3A_286, %mul3A_301 : i32
        %swap3A_303 = arith.index_cast %mul3A_302 : i32 to index
        %swap3A_304 = tpu.vector_load %arg4[%swap3A_303] {strides = array<i32>} : memref<4096xf32, #tpu.memory_space<vmem>>, vector<16xf32>,
        tpu.vector_store %arg4[%swap3A_303], %select_n3A {strides = array<i32>} : memref<4096xf32, #tpu.memory_space<vmem>>, vector<16xf32>,
        %select_n3A_305 = arith.select %eq3A_300, %max3A, %min3A : vector<16xf32>
        %mul3A_306 = arith.constant 16 : i32
        %mul3A_307 = arith.muli %add3A_288, %mul3A_306 : i32
        %swap3A_308 = arith.index_cast %mul3A_307 : i32 to index
        %swap3A_309 = tpu.vector_load %arg4[%swap3A_308] {strides = array<i32>} : memref<4096xf32, #tpu.memory_space<vmem>>, vector<16xf32>,
        tpu.vector_store %arg4[%swap3A_308], %select_n3A_305 {strides = array<i32>} : memref<4096xf32, #tpu.memory_space<vmem>>, vector<16xf32>,
      }
      %scan3A_165 = arith.constant 128 : i32
      %scan3A_166 = arith.constant 0 : i32
      %scan3A_167 = arith.constant 0 : i32
      %scan3A_168 = arith.constant 256 : i32
      %scan3A_169 = arith.addi %scan3A_167, %scan3A_168 : i32
      %scan3A_170 = arith.constant 1 : i32
      scf.for %scan3A_282 = %scan3A_167 to %scan3A_169 step %scan3A_170  : i32 {
        %mul3A_283 = arith.constant 16 : i32
        %mul3A_284 = arith.muli %scan3A_282, %mul3A_283 : i32
        %get3A = arith.index_cast %mul3A_284 : i32 to index
        %get3A_285 = tpu.vector_load %arg4[%get3A] {strides = array<i32>} : memref<4096xf32, #tpu.memory_space<vmem>>, vector<16xf32>,
        %masked_sort3A = arith.constant dense<true> : vector<16xi1>
        %masked_sort3A_286, %masked_sort3A_287, %masked_sort3A_288 = tpu.sort %get3A_285, %get3A_285 masked %masked_sort3A : (vector<16xf32>, vector<16xf32>, vector<16xi1>) -> (vector<16xi1>, vector<16xf32>, vector<16xf32>)
        %mul3A_289 = arith.constant 16 : i32
        %mul3A_290 = arith.muli %scan3A_282, %mul3A_289 : i32
        %and3A = arith.constant 1024 : i32
        %and3A_291 = arith.andi %mul3A_290, %and3A : i32
        %eq3A = arith.constant 0 : i32
        %eq3A_292 = arith.cmpi eq, %and3A_291, %eq3A : i32
        %rev3A = arith.constant 15 : i32
        %rev3A_293 = vector.broadcast %rev3A : i32 to vector<16xi32>
        %rev3A_294 = tpu.iota {dimensions = array<i32: 0>} : vector<16xi32>
        %rev3A_295 = arith.subi %rev3A_293, %rev3A_294 : vector<16xi32>
        %rev3A_296 = tpu.dynamic_gather %masked_sort3A_287[%rev3A_295] in [0] : vector<16xf32>, vector<16xi32> -> vector<16xf32>
        %select_n3A = arith.select %eq3A_292, %masked_sort3A_287, %rev3A_296 : vector<16xf32>
        %mul3A_297 = arith.constant 16 : i32
        %mul3A_298 = arith.muli %scan3A_282, %mul3A_297 : i32
        %swap3A_299 = arith.index_cast %mul3A_298 : i32 to index
        %swap3A_300 = tpu.vector_load %arg4[%swap3A_299] {strides = array<i32>} : memref<4096xf32, #tpu.memory_space<vmem>>, vector<16xf32>,
        tpu.vector_store %arg4[%swap3A_299], %select_n3A {strides = array<i32>} : memref<4096xf32, #tpu.memory_space<vmem>>, vector<16xf32>,
      }
      %scan3A_171 = arith.constant 256 : i32
      %scan3A_172 = arith.constant 0 : i32
      %scan3A_173 = arith.constant 0 : i32
      %scan3A_174 = arith.constant 128 : i32
      %scan3A_175 = arith.addi %scan3A_173, %scan3A_174 : i32
      %scan3A_176 = arith.constant 1 : i32
      scf.for %scan3A_282 = %scan3A_173 to %scan3A_175 step %scan3A_176  : i32 {
        %and3A = arith.constant 63 : i32
        %and3A_283 = arith.andi %scan3A_282, %and3A : i32
        %shift_right_arithmetic3A = arith.constant 6 : i32
        %shift_right_arithmetic3A_284 = arith.shrsi %scan3A_282, %shift_right_arithmetic3A : i32
        %shift_left3A = arith.constant 7 : i32
        %shift_left3A_285 = arith.shli %shift_right_arithmetic3A_284, %shift_left3A : i32
        %add3A_286 = arith.addi %shift_left3A_285, %and3A_283 : i32
        %add3A_287 = arith.constant 64 : i32
        %add3A_288 = arith.addi %add3A_286, %add3A_287 : i32
        %mul3A_289 = arith.constant 16 : i32
        %mul3A_290 = arith.muli %add3A_286, %mul3A_289 : i32
        %get3A = arith.index_cast %mul3A_290 : i32 to index
        %get3A_291 = tpu.vector_load %arg4[%get3A] {strides = array<i32>} : memref<4096xf32, #tpu.memory_space<vmem>>, vector<16xf32>,
        %mul3A_292 = arith.constant 16 : i32
        %mul3A_293 = arith.muli %add3A_288, %mul3A_292 : i32
        %get3A_294 = arith.index_cast %mul3A_293 : i32 to index
        %get3A_295 = tpu.vector_load %arg4[%get3A_294] {strides = array<i32>} : memref<4096xf32, #tpu.memory_space<vmem>>, vector<16xf32>,
        %mul3A_296 = arith.constant 16 : i32
        %mul3A_297 = arith.muli %add3A_286, %mul3A_296 : i32
        %and3A_298 = arith.constant 2048 : i32
        %and3A_299 = arith.andi %mul3A_297, %and3A_298 : i32
        %eq3A = arith.constant 0 : i32
        %eq3A_300 = arith.cmpi eq, %and3A_299, %eq3A : i32
        %min3A = arith.minimumf %get3A_291, %get3A_295 : vector<16xf32>
        %max3A = arith.maximumf %get3A_291, %get3A_295 : vector<16xf32>
        %select_n3A = arith.select %eq3A_300, %min3A, %max3A : vector<16xf32>
        %mul3A_301 = arith.constant 16 : i32
        %mul3A_302 = arith.muli %add3A_286, %mul3A_301 : i32
        %swap3A_303 = arith.index_cast %mul3A_302 : i32 to index
        %swap3A_304 = tpu.vector_load %arg4[%swap3A_303] {strides = array<i32>} : memref<4096xf32, #tpu.memory_space<vmem>>, vector<16xf32>,
        tpu.vector_store %arg4[%swap3A_303], %select_n3A {strides = array<i32>} : memref<4096xf32, #tpu.memory_space<vmem>>, vector<16xf32>,
        %select_n3A_305 = arith.select %eq3A_300, %max3A, %min3A : vector<16xf32>
        %mul3A_306 = arith.constant 16 : i32
        %mul3A_307 = arith.muli %add3A_288, %mul3A_306 : i32
        %swap3A_308 = arith.index_cast %mul3A_307 : i32 to index
        %swap3A_309 = tpu.vector_load %arg4[%swap3A_308] {strides = array<i32>} : memref<4096xf32, #tpu.memory_space<vmem>>, vector<16xf32>,
        tpu.vector_store %arg4[%swap3A_308], %select_n3A_305 {strides = array<i32>} : memref<4096xf32, #tpu.memory_space<vmem>>, vector<16xf32>,
      }
      %scan3A_177 = arith.constant 128 : i32
      %scan3A_178 = arith.constant 0 : i32
      %scan3A_179 = arith.constant 0 : i32
      %scan3A_180 = arith.constant 128 : i32
      %scan3A_181 = arith.addi %scan3A_179, %scan3A_180 : i32
      %scan3A_182 = arith.constant 1 : i32
      scf.for %scan3A_282 = %scan3A_179 to %scan3A_181 step %scan3A_182  : i32 {
        %and3A = arith.constant 31 : i32
        %and3A_283 = arith.andi %scan3A_282, %and3A : i32
        %shift_right_arithmetic3A = arith.constant 5 : i32
        %shift_right_arithmetic3A_284 = arith.shrsi %scan3A_282, %shift_right_arithmetic3A : i32
        %shift_left3A = arith.constant 6 : i32
        %shift_left3A_285 = arith.shli %shift_right_arithmetic3A_284, %shift_left3A : i32
        %add3A_286 = arith.addi %shift_left3A_285, %and3A_283 : i32
        %add3A_287 = arith.constant 32 : i32
        %add3A_288 = arith.addi %add3A_286, %add3A_287 : i32
        %mul3A_289 = arith.constant 16 : i32
        %mul3A_290 = arith.muli %add3A_286, %mul3A_289 : i32
        %get3A = arith.index_cast %mul3A_290 : i32 to index
        %get3A_291 = tpu.vector_load %arg4[%get3A] {strides = array<i32>} : memref<4096xf32, #tpu.memory_space<vmem>>, vector<16xf32>,
        %mul3A_292 = arith.constant 16 : i32
        %mul3A_293 = arith.muli %add3A_288, %mul3A_292 : i32
        %get3A_294 = arith.index_cast %mul3A_293 : i32 to index
        %get3A_295 = tpu.vector_load %arg4[%get3A_294] {strides = array<i32>} : memref<4096xf32, #tpu.memory_space<vmem>>, vector<16xf32>,
        %mul3A_296 = arith.constant 16 : i32
        %mul3A_297 = arith.muli %add3A_286, %mul3A_296 : i32
        %and3A_298 = arith.constant 2048 : i32
        %and3A_299 = arith.andi %mul3A_297, %and3A_298 : i32
        %eq3A = arith.constant 0 : i32
        %eq3A_300 = arith.cmpi eq, %and3A_299, %eq3A : i32
        %min3A = arith.minimumf %get3A_291, %get3A_295 : vector<16xf32>
        %max3A = arith.maximumf %get3A_291, %get3A_295 : vector<16xf32>
        %select_n3A = arith.select %eq3A_300, %min3A, %max3A : vector<16xf32>
        %mul3A_301 = arith.constant 16 : i32
        %mul3A_302 = arith.muli %add3A_286, %mul3A_301 : i32
        %swap3A_303 = arith.index_cast %mul3A_302 : i32 to index
        %swap3A_304 = tpu.vector_load %arg4[%swap3A_303] {strides = array<i32>} : memref<4096xf32, #tpu.memory_space<vmem>>, vector<16xf32>,
        tpu.vector_store %arg4[%swap3A_303], %select_n3A {strides = array<i32>} : memref<4096xf32, #tpu.memory_space<vmem>>, vector<16xf32>,
        %select_n3A_305 = arith.select %eq3A_300, %max3A, %min3A : vector<16xf32>
        %mul3A_306 = arith.constant 16 : i32
        %mul3A_307 = arith.muli %add3A_288, %mul3A_306 : i32
        %swap3A_308 = arith.index_cast %mul3A_307 : i32 to index
        %swap3A_309 = tpu.vector_load %arg4[%swap3A_308] {strides = array<i32>} : memref<4096xf32, #tpu.memory_space<vmem>>, vector<16xf32>,
        tpu.vector_store %arg4[%swap3A_308], %select_n3A_305 {strides = array<i32>} : memref<4096xf32, #tpu.memory_space<vmem>>, vector<16xf32>,
      }
      %scan3A_183 = arith.constant 128 : i32
      %scan3A_184 = arith.constant 0 : i32
      %scan3A_185 = arith.constant 0 : i32
      %scan3A_186 = arith.constant 128 : i32
      %scan3A_187 = arith.addi %scan3A_185, %scan3A_186 : i32
      %scan3A_188 = arith.constant 1 : i32
      scf.for %scan3A_282 = %scan3A_185 to %scan3A_187 step %scan3A_188  : i32 {
        %and3A = arith.constant 15 : i32
        %and3A_283 = arith.andi %scan3A_282, %and3A : i32
        %shift_right_arithmetic3A = arith.constant 4 : i32
        %shift_right_arithmetic3A_284 = arith.shrsi %scan3A_282, %shift_right_arithmetic3A : i32
        %shift_left3A = arith.constant 5 : i32
        %shift_left3A_285 = arith.shli %shift_right_arithmetic3A_284, %shift_left3A : i32
        %add3A_286 = arith.addi %shift_left3A_285, %and3A_283 : i32
        %add3A_287 = arith.constant 16 : i32
        %add3A_288 = arith.addi %add3A_286, %add3A_287 : i32
        %mul3A_289 = arith.constant 16 : i32
        %mul3A_290 = arith.muli %add3A_286, %mul3A_289 : i32
        %get3A = arith.index_cast %mul3A_290 : i32 to index
        %get3A_291 = tpu.vector_load %arg4[%get3A] {strides = array<i32>} : memref<4096xf32, #tpu.memory_space<vmem>>, vector<16xf32>,
        %mul3A_292 = arith.constant 16 : i32
        %mul3A_293 = arith.muli %add3A_288, %mul3A_292 : i32
        %get3A_294 = arith.index_cast %mul3A_293 : i32 to index
        %get3A_295 = tpu.vector_load %arg4[%get3A_294] {strides = array<i32>} : memref<4096xf32, #tpu.memory_space<vmem>>, vector<16xf32>,
        %mul3A_296 = arith.constant 16 : i32
        %mul3A_297 = arith.muli %add3A_286, %mul3A_296 : i32
        %and3A_298 = arith.constant 2048 : i32
        %and3A_299 = arith.andi %mul3A_297, %and3A_298 : i32
        %eq3A = arith.constant 0 : i32
        %eq3A_300 = arith.cmpi eq, %and3A_299, %eq3A : i32
        %min3A = arith.minimumf %get3A_291, %get3A_295 : vector<16xf32>
        %max3A = arith.maximumf %get3A_291, %get3A_295 : vector<16xf32>
        %select_n3A = arith.select %eq3A_300, %min3A, %max3A : vector<16xf32>
        %mul3A_301 = arith.constant 16 : i32
        %mul3A_302 = arith.muli %add3A_286, %mul3A_301 : i32
        %swap3A_303 = arith.index_cast %mul3A_302 : i32 to index
        %swap3A_304 = tpu.vector_load %arg4[%swap3A_303] {strides = array<i32>} : memref<4096xf32, #tpu.memory_space<vmem>>, vector<16xf32>,
        tpu.vector_store %arg4[%swap3A_303], %select_n3A {strides = array<i32>} : memref<4096xf32, #tpu.memory_space<vmem>>, vector<16xf32>,
        %select_n3A_305 = arith.select %eq3A_300, %max3A, %min3A : vector<16xf32>
        %mul3A_306 = arith.constant 16 : i32
        %mul3A_307 = arith.muli %add3A_288, %mul3A_306 : i32
        %swap3A_308 = arith.index_cast %mul3A_307 : i32 to index
        %swap3A_309 = tpu.vector_load %arg4[%swap3A_308] {strides = array<i32>} : memref<4096xf32, #tpu.memory_space<vmem>>, vector<16xf32>,
        tpu.vector_store %arg4[%swap3A_308], %select_n3A_305 {strides = array<i32>} : memref<4096xf32, #tpu.memory_space<vmem>>, vector<16xf32>,
      }
      %scan3A_189 = arith.constant 128 : i32
      %scan3A_190 = arith.constant 0 : i32
      %scan3A_191 = arith.constant 0 : i32
      %scan3A_192 = arith.constant 128 : i32
      %scan3A_193 = arith.addi %scan3A_191, %scan3A_192 : i32
      %scan3A_194 = arith.constant 1 : i32
      scf.for %scan3A_282 = %scan3A_191 to %scan3A_193 step %scan3A_194  : i32 {
        %and3A = arith.constant 7 : i32
        %and3A_283 = arith.andi %scan3A_282, %and3A : i32
        %shift_right_arithmetic3A = arith.constant 3 : i32
        %shift_right_arithmetic3A_284 = arith.shrsi %scan3A_282, %shift_right_arithmetic3A : i32
        %shift_left3A = arith.constant 4 : i32
        %shift_left3A_285 = arith.shli %shift_right_arithmetic3A_284, %shift_left3A : i32
        %add3A_286 = arith.addi %shift_left3A_285, %and3A_283 : i32
        %add3A_287 = arith.constant 8 : i32
        %add3A_288 = arith.addi %add3A_286, %add3A_287 : i32
        %mul3A_289 = arith.constant 16 : i32
        %mul3A_290 = arith.muli %add3A_286, %mul3A_289 : i32
        %get3A = arith.index_cast %mul3A_290 : i32 to index
        %get3A_291 = tpu.vector_load %arg4[%get3A] {strides = array<i32>} : memref<4096xf32, #tpu.memory_space<vmem>>, vector<16xf32>,
        %mul3A_292 = arith.constant 16 : i32
        %mul3A_293 = arith.muli %add3A_288, %mul3A_292 : i32
        %get3A_294 = arith.index_cast %mul3A_293 : i32 to index
        %get3A_295 = tpu.vector_load %arg4[%get3A_294] {strides = array<i32>} : memref<4096xf32, #tpu.memory_space<vmem>>, vector<16xf32>,
        %mul3A_296 = arith.constant 16 : i32
        %mul3A_297 = arith.muli %add3A_286, %mul3A_296 : i32
        %and3A_298 = arith.constant 2048 : i32
        %and3A_299 = arith.andi %mul3A_297, %and3A_298 : i32
        %eq3A = arith.constant 0 : i32
        %eq3A_300 = arith.cmpi eq, %and3A_299, %eq3A : i32
        %min3A = arith.minimumf %get3A_291, %get3A_295 : vector<16xf32>
        %max3A = arith.maximumf %get3A_291, %get3A_295 : vector<16xf32>
        %select_n3A = arith.select %eq3A_300, %min3A, %max3A : vector<16xf32>
        %mul3A_301 = arith.constant 16 : i32
        %mul3A_302 = arith.muli %add3A_286, %mul3A_301 : i32
        %swap3A_303 = arith.index_cast %mul3A_302 : i32 to index
        %swap3A_304 = tpu.vector_load %arg4[%swap3A_303] {strides = array<i32>} : memref<4096xf32, #tpu.memory_space<vmem>>, vector<16xf32>,
        tpu.vector_store %arg4[%swap3A_303], %select_n3A {strides = array<i32>} : memref<4096xf32, #tpu.memory_space<vmem>>, vector<16xf32>,
        %select_n3A_305 = arith.select %eq3A_300, %max3A, %min3A : vector<16xf32>
        %mul3A_306 = arith.constant 16 : i32
        %mul3A_307 = arith.muli %add3A_288, %mul3A_306 : i32
        %swap3A_308 = arith.index_cast %mul3A_307 : i32 to index
        %swap3A_309 = tpu.vector_load %arg4[%swap3A_308] {strides = array<i32>} : memref<4096xf32, #tpu.memory_space<vmem>>, vector<16xf32>,
        tpu.vector_store %arg4[%swap3A_308], %select_n3A_305 {strides = array<i32>} : memref<4096xf32, #tpu.memory_space<vmem>>, vector<16xf32>,
      }
      %scan3A_195 = arith.constant 128 : i32
      %scan3A_196 = arith.constant 0 : i32
      %scan3A_197 = arith.constant 0 : i32
      %scan3A_198 = arith.constant 128 : i32
      %scan3A_199 = arith.addi %scan3A_197, %scan3A_198 : i32
      %scan3A_200 = arith.constant 1 : i32
      scf.for %scan3A_282 = %scan3A_197 to %scan3A_199 step %scan3A_200  : i32 {
        %and3A = arith.constant 3 : i32
        %and3A_283 = arith.andi %scan3A_282, %and3A : i32
        %shift_right_arithmetic3A = arith.constant 2 : i32
        %shift_right_arithmetic3A_284 = arith.shrsi %scan3A_282, %shift_right_arithmetic3A : i32
        %shift_left3A = arith.constant 3 : i32
        %shift_left3A_285 = arith.shli %shift_right_arithmetic3A_284, %shift_left3A : i32
        %add3A_286 = arith.addi %shift_left3A_285, %and3A_283 : i32
        %add3A_287 = arith.constant 4 : i32
        %add3A_288 = arith.addi %add3A_286, %add3A_287 : i32
        %mul3A_289 = arith.constant 16 : i32
        %mul3A_290 = arith.muli %add3A_286, %mul3A_289 : i32
        %get3A = arith.index_cast %mul3A_290 : i32 to index
        %get3A_291 = tpu.vector_load %arg4[%get3A] {strides = array<i32>} : memref<4096xf32, #tpu.memory_space<vmem>>, vector<16xf32>,
        %mul3A_292 = arith.constant 16 : i32
        %mul3A_293 = arith.muli %add3A_288, %mul3A_292 : i32
        %get3A_294 = arith.index_cast %mul3A_293 : i32 to index
        %get3A_295 = tpu.vector_load %arg4[%get3A_294] {strides = array<i32>} : memref<4096xf32, #tpu.memory_space<vmem>>, vector<16xf32>,
        %mul3A_296 = arith.constant 16 : i32
        %mul3A_297 = arith.muli %add3A_286, %mul3A_296 : i32
        %and3A_298 = arith.constant 2048 : i32
        %and3A_299 = arith.andi %mul3A_297, %and3A_298 : i32
        %eq3A = arith.constant 0 : i32
        %eq3A_300 = arith.cmpi eq, %and3A_299, %eq3A : i32
        %min3A = arith.minimumf %get3A_291, %get3A_295 : vector<16xf32>
        %max3A = arith.maximumf %get3A_291, %get3A_295 : vector<16xf32>
        %select_n3A = arith.select %eq3A_300, %min3A, %max3A : vector<16xf32>
        %mul3A_301 = arith.constant 16 : i32
        %mul3A_302 = arith.muli %add3A_286, %mul3A_301 : i32
        %swap3A_303 = arith.index_cast %mul3A_302 : i32 to index
        %swap3A_304 = tpu.vector_load %arg4[%swap3A_303] {strides = array<i32>} : memref<4096xf32, #tpu.memory_space<vmem>>, vector<16xf32>,
        tpu.vector_store %arg4[%swap3A_303], %select_n3A {strides = array<i32>} : memref<4096xf32, #tpu.memory_space<vmem>>, vector<16xf32>,
        %select_n3A_305 = arith.select %eq3A_300, %max3A, %min3A : vector<16xf32>
        %mul3A_306 = arith.constant 16 : i32
        %mul3A_307 = arith.muli %add3A_288, %mul3A_306 : i32
        %swap3A_308 = arith.index_cast %mul3A_307 : i32 to index
        %swap3A_309 = tpu.vector_load %arg4[%swap3A_308] {strides = array<i32>} : memref<4096xf32, #tpu.memory_space<vmem>>, vector<16xf32>,
        tpu.vector_store %arg4[%swap3A_308], %select_n3A_305 {strides = array<i32>} : memref<4096xf32, #tpu.memory_space<vmem>>, vector<16xf32>,
      }
      %scan3A_201 = arith.constant 128 : i32
      %scan3A_202 = arith.constant 0 : i32
      %scan3A_203 = arith.constant 0 : i32
      %scan3A_204 = arith.constant 128 : i32
      %scan3A_205 = arith.addi %scan3A_203, %scan3A_204 : i32
      %scan3A_206 = arith.constant 1 : i32
      scf.for %scan3A_282 = %scan3A_203 to %scan3A_205 step %scan3A_206  : i32 {
        %and3A = arith.constant 1 : i32
        %and3A_283 = arith.andi %scan3A_282, %and3A : i32
        %shift_right_arithmetic3A = arith.constant 1 : i32
        %shift_right_arithmetic3A_284 = arith.shrsi %scan3A_282, %shift_right_arithmetic3A : i32
        %shift_left3A = arith.constant 2 : i32
        %shift_left3A_285 = arith.shli %shift_right_arithmetic3A_284, %shift_left3A : i32
        %add3A_286 = arith.addi %shift_left3A_285, %and3A_283 : i32
        %add3A_287 = arith.constant 2 : i32
        %add3A_288 = arith.addi %add3A_286, %add3A_287 : i32
        %mul3A_289 = arith.constant 16 : i32
        %mul3A_290 = arith.muli %add3A_286, %mul3A_289 : i32
        %get3A = arith.index_cast %mul3A_290 : i32 to index
        %get3A_291 = tpu.vector_load %arg4[%get3A] {strides = array<i32>} : memref<4096xf32, #tpu.memory_space<vmem>>, vector<16xf32>,
        %mul3A_292 = arith.constant 16 : i32
        %mul3A_293 = arith.muli %add3A_288, %mul3A_292 : i32
        %get3A_294 = arith.index_cast %mul3A_293 : i32 to index
        %get3A_295 = tpu.vector_load %arg4[%get3A_294] {strides = array<i32>} : memref<4096xf32, #tpu.memory_space<vmem>>, vector<16xf32>,
        %mul3A_296 = arith.constant 16 : i32
        %mul3A_297 = arith.muli %add3A_286, %mul3A_296 : i32
        %and3A_298 = arith.constant 2048 : i32
        %and3A_299 = arith.andi %mul3A_297, %and3A_298 : i32
        %eq3A = arith.constant 0 : i32
        %eq3A_300 = arith.cmpi eq, %and3A_299, %eq3A : i32
        %min3A = arith.minimumf %get3A_291, %get3A_295 : vector<16xf32>
        %max3A = arith.maximumf %get3A_291, %get3A_295 : vector<16xf32>
        %select_n3A = arith.select %eq3A_300, %min3A, %max3A : vector<16xf32>
        %mul3A_301 = arith.constant 16 : i32
        %mul3A_302 = arith.muli %add3A_286, %mul3A_301 : i32
        %swap3A_303 = arith.index_cast %mul3A_302 : i32 to index
        %swap3A_304 = tpu.vector_load %arg4[%swap3A_303] {strides = array<i32>} : memref<4096xf32, #tpu.memory_space<vmem>>, vector<16xf32>,
        tpu.vector_store %arg4[%swap3A_303], %select_n3A {strides = array<i32>} : memref<4096xf32, #tpu.memory_space<vmem>>, vector<16xf32>,
        %select_n3A_305 = arith.select %eq3A_300, %max3A, %min3A : vector<16xf32>
        %mul3A_306 = arith.constant 16 : i32
        %mul3A_307 = arith.muli %add3A_288, %mul3A_306 : i32
        %swap3A_308 = arith.index_cast %mul3A_307 : i32 to index
        %swap3A_309 = tpu.vector_load %arg4[%swap3A_308] {strides = array<i32>} : memref<4096xf32, #tpu.memory_space<vmem>>, vector<16xf32>,
        tpu.vector_store %arg4[%swap3A_308], %select_n3A_305 {strides = array<i32>} : memref<4096xf32, #tpu.memory_space<vmem>>, vector<16xf32>,
      }
      %scan3A_207 = arith.constant 128 : i32
      %scan3A_208 = arith.constant 0 : i32
      %scan3A_209 = arith.constant 0 : i32
      %scan3A_210 = arith.constant 128 : i32
      %scan3A_211 = arith.addi %scan3A_209, %scan3A_210 : i32
      %scan3A_212 = arith.constant 1 : i32
      scf.for %scan3A_282 = %scan3A_209 to %scan3A_211 step %scan3A_212  : i32 {
        %and3A = arith.constant 0 : i32
        %and3A_283 = arith.andi %scan3A_282, %and3A : i32
        %shift_right_arithmetic3A = arith.constant 0 : i32
        %shift_right_arithmetic3A_284 = arith.shrsi %scan3A_282, %shift_right_arithmetic3A : i32
        %shift_left3A = arith.constant 1 : i32
        %shift_left3A_285 = arith.shli %shift_right_arithmetic3A_284, %shift_left3A : i32
        %add3A_286 = arith.addi %shift_left3A_285, %and3A_283 : i32
        %add3A_287 = arith.constant 1 : i32
        %add3A_288 = arith.addi %add3A_286, %add3A_287 : i32
        %mul3A_289 = arith.constant 16 : i32
        %mul3A_290 = arith.muli %add3A_286, %mul3A_289 : i32
        %get3A = arith.index_cast %mul3A_290 : i32 to index
        %get3A_291 = tpu.vector_load %arg4[%get3A] {strides = array<i32>} : memref<4096xf32, #tpu.memory_space<vmem>>, vector<16xf32>,
        %mul3A_292 = arith.constant 16 : i32
        %mul3A_293 = arith.muli %add3A_288, %mul3A_292 : i32
        %get3A_294 = arith.index_cast %mul3A_293 : i32 to index
        %get3A_295 = tpu.vector_load %arg4[%get3A_294] {strides = array<i32>} : memref<4096xf32, #tpu.memory_space<vmem>>, vector<16xf32>,
        %mul3A_296 = arith.constant 16 : i32
        %mul3A_297 = arith.muli %add3A_286, %mul3A_296 : i32
        %and3A_298 = arith.constant 2048 : i32
        %and3A_299 = arith.andi %mul3A_297, %and3A_298 : i32
        %eq3A = arith.constant 0 : i32
        %eq3A_300 = arith.cmpi eq, %and3A_299, %eq3A : i32
        %min3A = arith.minimumf %get3A_291, %get3A_295 : vector<16xf32>
        %max3A = arith.maximumf %get3A_291, %get3A_295 : vector<16xf32>
        %select_n3A = arith.select %eq3A_300, %min3A, %max3A : vector<16xf32>
        %mul3A_301 = arith.constant 16 : i32
        %mul3A_302 = arith.muli %add3A_286, %mul3A_301 : i32
        %swap3A_303 = arith.index_cast %mul3A_302 : i32 to index
        %swap3A_304 = tpu.vector_load %arg4[%swap3A_303] {strides = array<i32>} : memref<4096xf32, #tpu.memory_space<vmem>>, vector<16xf32>,
        tpu.vector_store %arg4[%swap3A_303], %select_n3A {strides = array<i32>} : memref<4096xf32, #tpu.memory_space<vmem>>, vector<16xf32>,
        %select_n3A_305 = arith.select %eq3A_300, %max3A, %min3A : vector<16xf32>
        %mul3A_306 = arith.constant 16 : i32
        %mul3A_307 = arith.muli %add3A_288, %mul3A_306 : i32
        %swap3A_308 = arith.index_cast %mul3A_307 : i32 to index
        %swap3A_309 = tpu.vector_load %arg4[%swap3A_308] {strides = array<i32>} : memref<4096xf32, #tpu.memory_space<vmem>>, vector<16xf32>,
        tpu.vector_store %arg4[%swap3A_308], %select_n3A_305 {strides = array<i32>} : memref<4096xf32, #tpu.memory_space<vmem>>, vector<16xf32>,
      }
      %scan3A_213 = arith.constant 128 : i32
      %scan3A_214 = arith.constant 0 : i32
      %scan3A_215 = arith.constant 0 : i32
      %scan3A_216 = arith.constant 256 : i32
      %scan3A_217 = arith.addi %scan3A_215, %scan3A_216 : i32
      %scan3A_218 = arith.constant 1 : i32
      scf.for %scan3A_282 = %scan3A_215 to %scan3A_217 step %scan3A_218  : i32 {
        %mul3A_283 = arith.constant 16 : i32
        %mul3A_284 = arith.muli %scan3A_282, %mul3A_283 : i32
        %get3A = arith.index_cast %mul3A_284 : i32 to index
        %get3A_285 = tpu.vector_load %arg4[%get3A] {strides = array<i32>} : memref<4096xf32, #tpu.memory_space<vmem>>, vector<16xf32>,
        %masked_sort3A = arith.constant dense<true> : vector<16xi1>
        %masked_sort3A_286, %masked_sort3A_287, %masked_sort3A_288 = tpu.sort %get3A_285, %get3A_285 masked %masked_sort3A : (vector<16xf32>, vector<16xf32>, vector<16xi1>) -> (vector<16xi1>, vector<16xf32>, vector<16xf32>)
        %mul3A_289 = arith.constant 16 : i32
        %mul3A_290 = arith.muli %scan3A_282, %mul3A_289 : i32
        %and3A = arith.constant 2048 : i32
        %and3A_291 = arith.andi %mul3A_290, %and3A : i32
        %eq3A = arith.constant 0 : i32
        %eq3A_292 = arith.cmpi eq, %and3A_291, %eq3A : i32
        %rev3A = arith.constant 15 : i32
        %rev3A_293 = vector.broadcast %rev3A : i32 to vector<16xi32>
        %rev3A_294 = tpu.iota {dimensions = array<i32: 0>} : vector<16xi32>
        %rev3A_295 = arith.subi %rev3A_293, %rev3A_294 : vector<16xi32>
        %rev3A_296 = tpu.dynamic_gather %masked_sort3A_287[%rev3A_295] in [0] : vector<16xf32>, vector<16xi32> -> vector<16xf32>
        %select_n3A = arith.select %eq3A_292, %masked_sort3A_287, %rev3A_296 : vector<16xf32>
        %mul3A_297 = arith.constant 16 : i32
        %mul3A_298 = arith.muli %scan3A_282, %mul3A_297 : i32
        %swap3A_299 = arith.index_cast %mul3A_298 : i32 to index
        %swap3A_300 = tpu.vector_load %arg4[%swap3A_299] {strides = array<i32>} : memref<4096xf32, #tpu.memory_space<vmem>>, vector<16xf32>,
        tpu.vector_store %arg4[%swap3A_299], %select_n3A {strides = array<i32>} : memref<4096xf32, #tpu.memory_space<vmem>>, vector<16xf32>,
      }
      %scan3A_219 = arith.constant 256 : i32
      %scan3A_220 = arith.constant 0 : i32
      %scan3A_221 = arith.constant 0 : i32
      %scan3A_222 = arith.constant 128 : i32
      %scan3A_223 = arith.addi %scan3A_221, %scan3A_222 : i32
      %scan3A_224 = arith.constant 1 : i32
      scf.for %scan3A_282 = %scan3A_221 to %scan3A_223 step %scan3A_224  : i32 {
        %and3A = arith.constant 127 : i32
        %and3A_283 = arith.andi %scan3A_282, %and3A : i32
        %shift_right_arithmetic3A = arith.constant 7 : i32
        %shift_right_arithmetic3A_284 = arith.shrsi %scan3A_282, %shift_right_arithmetic3A : i32
        %shift_left3A = arith.constant 8 : i32
        %shift_left3A_285 = arith.shli %shift_right_arithmetic3A_284, %shift_left3A : i32
        %add3A_286 = arith.addi %shift_left3A_285, %and3A_283 : i32
        %add3A_287 = arith.constant 128 : i32
        %add3A_288 = arith.addi %add3A_286, %add3A_287 : i32
        %mul3A_289 = arith.constant 16 : i32
        %mul3A_290 = arith.muli %add3A_286, %mul3A_289 : i32
        %get3A = arith.index_cast %mul3A_290 : i32 to index
        %get3A_291 = tpu.vector_load %arg4[%get3A] {strides = array<i32>} : memref<4096xf32, #tpu.memory_space<vmem>>, vector<16xf32>,
        %mul3A_292 = arith.constant 16 : i32
        %mul3A_293 = arith.muli %add3A_288, %mul3A_292 : i32
        %get3A_294 = arith.index_cast %mul3A_293 : i32 to index
        %get3A_295 = tpu.vector_load %arg4[%get3A_294] {strides = array<i32>} : memref<4096xf32, #tpu.memory_space<vmem>>, vector<16xf32>,
        %mul3A_296 = arith.constant 16 : i32
        %mul3A_297 = arith.muli %add3A_286, %mul3A_296 : i32
        %and3A_298 = arith.constant 4096 : i32
        %and3A_299 = arith.andi %mul3A_297, %and3A_298 : i32
        %eq3A = arith.constant 0 : i32
        %eq3A_300 = arith.cmpi eq, %and3A_299, %eq3A : i32
        %min3A = arith.minimumf %get3A_291, %get3A_295 : vector<16xf32>
        %max3A = arith.maximumf %get3A_291, %get3A_295 : vector<16xf32>
        %select_n3A = arith.select %eq3A_300, %min3A, %max3A : vector<16xf32>
        %mul3A_301 = arith.constant 16 : i32
        %mul3A_302 = arith.muli %add3A_286, %mul3A_301 : i32
        %swap3A_303 = arith.index_cast %mul3A_302 : i32 to index
        %swap3A_304 = tpu.vector_load %arg4[%swap3A_303] {strides = array<i32>} : memref<4096xf32, #tpu.memory_space<vmem>>, vector<16xf32>,
        tpu.vector_store %arg4[%swap3A_303], %select_n3A {strides = array<i32>} : memref<4096xf32, #tpu.memory_space<vmem>>, vector<16xf32>,
        %select_n3A_305 = arith.select %eq3A_300, %max3A, %min3A : vector<16xf32>
        %mul3A_306 = arith.constant 16 : i32
        %mul3A_307 = arith.muli %add3A_288, %mul3A_306 : i32
        %swap3A_308 = arith.index_cast %mul3A_307 : i32 to index
        %swap3A_309 = tpu.vector_load %arg4[%swap3A_308] {strides = array<i32>} : memref<4096xf32, #tpu.memory_space<vmem>>, vector<16xf32>,
        tpu.vector_store %arg4[%swap3A_308], %select_n3A_305 {strides = array<i32>} : memref<4096xf32, #tpu.memory_space<vmem>>, vector<16xf32>,
      }
      %scan3A_225 = arith.constant 128 : i32
      %scan3A_226 = arith.constant 0 : i32
      %scan3A_227 = arith.constant 0 : i32
      %scan3A_228 = arith.constant 128 : i32
      %scan3A_229 = arith.addi %scan3A_227, %scan3A_228 : i32
      %scan3A_230 = arith.constant 1 : i32
      scf.for %scan3A_282 = %scan3A_227 to %scan3A_229 step %scan3A_230  : i32 {
        %and3A = arith.constant 63 : i32
        %and3A_283 = arith.andi %scan3A_282, %and3A : i32
        %shift_right_arithmetic3A = arith.constant 6 : i32
        %shift_right_arithmetic3A_284 = arith.shrsi %scan3A_282, %shift_right_arithmetic3A : i32
        %shift_left3A = arith.constant 7 : i32
        %shift_left3A_285 = arith.shli %shift_right_arithmetic3A_284, %shift_left3A : i32
        %add3A_286 = arith.addi %shift_left3A_285, %and3A_283 : i32
        %add3A_287 = arith.constant 64 : i32
        %add3A_288 = arith.addi %add3A_286, %add3A_287 : i32
        %mul3A_289 = arith.constant 16 : i32
        %mul3A_290 = arith.muli %add3A_286, %mul3A_289 : i32
        %get3A = arith.index_cast %mul3A_290 : i32 to index
        %get3A_291 = tpu.vector_load %arg4[%get3A] {strides = array<i32>} : memref<4096xf32, #tpu.memory_space<vmem>>, vector<16xf32>,
        %mul3A_292 = arith.constant 16 : i32
        %mul3A_293 = arith.muli %add3A_288, %mul3A_292 : i32
        %get3A_294 = arith.index_cast %mul3A_293 : i32 to index
        %get3A_295 = tpu.vector_load %arg4[%get3A_294] {strides = array<i32>} : memref<4096xf32, #tpu.memory_space<vmem>>, vector<16xf32>,
        %mul3A_296 = arith.constant 16 : i32
        %mul3A_297 = arith.muli %add3A_286, %mul3A_296 : i32
        %and3A_298 = arith.constant 4096 : i32
        %and3A_299 = arith.andi %mul3A_297, %and3A_298 : i32
        %eq3A = arith.constant 0 : i32
        %eq3A_300 = arith.cmpi eq, %and3A_299, %eq3A : i32
        %min3A = arith.minimumf %get3A_291, %get3A_295 : vector<16xf32>
        %max3A = arith.maximumf %get3A_291, %get3A_295 : vector<16xf32>
        %select_n3A = arith.select %eq3A_300, %min3A, %max3A : vector<16xf32>
        %mul3A_301 = arith.constant 16 : i32
        %mul3A_302 = arith.muli %add3A_286, %mul3A_301 : i32
        %swap3A_303 = arith.index_cast %mul3A_302 : i32 to index
        %swap3A_304 = tpu.vector_load %arg4[%swap3A_303] {strides = array<i32>} : memref<4096xf32, #tpu.memory_space<vmem>>, vector<16xf32>,
        tpu.vector_store %arg4[%swap3A_303], %select_n3A {strides = array<i32>} : memref<4096xf32, #tpu.memory_space<vmem>>, vector<16xf32>,
        %select_n3A_305 = arith.select %eq3A_300, %max3A, %min3A : vector<16xf32>
        %mul3A_306 = arith.constant 16 : i32
        %mul3A_307 = arith.muli %add3A_288, %mul3A_306 : i32
        %swap3A_308 = arith.index_cast %mul3A_307 : i32 to index
        %swap3A_309 = tpu.vector_load %arg4[%swap3A_308] {strides = array<i32>} : memref<4096xf32, #tpu.memory_space<vmem>>, vector<16xf32>,
        tpu.vector_store %arg4[%swap3A_308], %select_n3A_305 {strides = array<i32>} : memref<4096xf32, #tpu.memory_space<vmem>>, vector<16xf32>,
      }
      %scan3A_231 = arith.constant 128 : i32
      %scan3A_232 = arith.constant 0 : i32
      %scan3A_233 = arith.constant 0 : i32
      %scan3A_234 = arith.constant 128 : i32
      %scan3A_235 = arith.addi %scan3A_233, %scan3A_234 : i32
      %scan3A_236 = arith.constant 1 : i32
      scf.for %scan3A_282 = %scan3A_233 to %scan3A_235 step %scan3A_236  : i32 {
        %and3A = arith.constant 31 : i32
        %and3A_283 = arith.andi %scan3A_282, %and3A : i32
        %shift_right_arithmetic3A = arith.constant 5 : i32
        %shift_right_arithmetic3A_284 = arith.shrsi %scan3A_282, %shift_right_arithmetic3A : i32
        %shift_left3A = arith.constant 6 : i32
        %shift_left3A_285 = arith.shli %shift_right_arithmetic3A_284, %shift_left3A : i32
        %add3A_286 = arith.addi %shift_left3A_285, %and3A_283 : i32
        %add3A_287 = arith.constant 32 : i32
        %add3A_288 = arith.addi %add3A_286, %add3A_287 : i32
        %mul3A_289 = arith.constant 16 : i32
        %mul3A_290 = arith.muli %add3A_286, %mul3A_289 : i32
        %get3A = arith.index_cast %mul3A_290 : i32 to index
        %get3A_291 = tpu.vector_load %arg4[%get3A] {strides = array<i32>} : memref<4096xf32, #tpu.memory_space<vmem>>, vector<16xf32>,
        %mul3A_292 = arith.constant 16 : i32
        %mul3A_293 = arith.muli %add3A_288, %mul3A_292 : i32
        %get3A_294 = arith.index_cast %mul3A_293 : i32 to index
        %get3A_295 = tpu.vector_load %arg4[%get3A_294] {strides = array<i32>} : memref<4096xf32, #tpu.memory_space<vmem>>, vector<16xf32>,
        %mul3A_296 = arith.constant 16 : i32
        %mul3A_297 = arith.muli %add3A_286, %mul3A_296 : i32
        %and3A_298 = arith.constant 4096 : i32
        %and3A_299 = arith.andi %mul3A_297, %and3A_298 : i32
        %eq3A = arith.constant 0 : i32
        %eq3A_300 = arith.cmpi eq, %and3A_299, %eq3A : i32
        %min3A = arith.minimumf %get3A_291, %get3A_295 : vector<16xf32>
        %max3A = arith.maximumf %get3A_291, %get3A_295 : vector<16xf32>
        %select_n3A = arith.select %eq3A_300, %min3A, %max3A : vector<16xf32>
        %mul3A_301 = arith.constant 16 : i32
        %mul3A_302 = arith.muli %add3A_286, %mul3A_301 : i32
        %swap3A_303 = arith.index_cast %mul3A_302 : i32 to index
        %swap3A_304 = tpu.vector_load %arg4[%swap3A_303] {strides = array<i32>} : memref<4096xf32, #tpu.memory_space<vmem>>, vector<16xf32>,
        tpu.vector_store %arg4[%swap3A_303], %select_n3A {strides = array<i32>} : memref<4096xf32, #tpu.memory_space<vmem>>, vector<16xf32>,
        %select_n3A_305 = arith.select %eq3A_300, %max3A, %min3A : vector<16xf32>
        %mul3A_306 = arith.constant 16 : i32
        %mul3A_307 = arith.muli %add3A_288, %mul3A_306 : i32
        %swap3A_308 = arith.index_cast %mul3A_307 : i32 to index
        %swap3A_309 = tpu.vector_load %arg4[%swap3A_308] {strides = array<i32>} : memref<4096xf32, #tpu.memory_space<vmem>>, vector<16xf32>,
        tpu.vector_store %arg4[%swap3A_308], %select_n3A_305 {strides = array<i32>} : memref<4096xf32, #tpu.memory_space<vmem>>, vector<16xf32>,
      }
      %scan3A_237 = arith.constant 128 : i32
      %scan3A_238 = arith.constant 0 : i32
      %scan3A_239 = arith.constant 0 : i32
      %scan3A_240 = arith.constant 128 : i32
      %scan3A_241 = arith.addi %scan3A_239, %scan3A_240 : i32
      %scan3A_242 = arith.constant 1 : i32
      scf.for %scan3A_282 = %scan3A_239 to %scan3A_241 step %scan3A_242  : i32 {
        %and3A = arith.constant 15 : i32
        %and3A_283 = arith.andi %scan3A_282, %and3A : i32
        %shift_right_arithmetic3A = arith.constant 4 : i32
        %shift_right_arithmetic3A_284 = arith.shrsi %scan3A_282, %shift_right_arithmetic3A : i32
        %shift_left3A = arith.constant 5 : i32
        %shift_left3A_285 = arith.shli %shift_right_arithmetic3A_284, %shift_left3A : i32
        %add3A_286 = arith.addi %shift_left3A_285, %and3A_283 : i32
        %add3A_287 = arith.constant 16 : i32
        %add3A_288 = arith.addi %add3A_286, %add3A_287 : i32
        %mul3A_289 = arith.constant 16 : i32
        %mul3A_290 = arith.muli %add3A_286, %mul3A_289 : i32
        %get3A = arith.index_cast %mul3A_290 : i32 to index
        %get3A_291 = tpu.vector_load %arg4[%get3A] {strides = array<i32>} : memref<4096xf32, #tpu.memory_space<vmem>>, vector<16xf32>,
        %mul3A_292 = arith.constant 16 : i32
        %mul3A_293 = arith.muli %add3A_288, %mul3A_292 : i32
        %get3A_294 = arith.index_cast %mul3A_293 : i32 to index
        %get3A_295 = tpu.vector_load %arg4[%get3A_294] {strides = array<i32>} : memref<4096xf32, #tpu.memory_space<vmem>>, vector<16xf32>,
        %mul3A_296 = arith.constant 16 : i32
        %mul3A_297 = arith.muli %add3A_286, %mul3A_296 : i32
        %and3A_298 = arith.constant 4096 : i32
        %and3A_299 = arith.andi %mul3A_297, %and3A_298 : i32
        %eq3A = arith.constant 0 : i32
        %eq3A_300 = arith.cmpi eq, %and3A_299, %eq3A : i32
        %min3A = arith.minimumf %get3A_291, %get3A_295 : vector<16xf32>
        %max3A = arith.maximumf %get3A_291, %get3A_295 : vector<16xf32>
        %select_n3A = arith.select %eq3A_300, %min3A, %max3A : vector<16xf32>
        %mul3A_301 = arith.constant 16 : i32
        %mul3A_302 = arith.muli %add3A_286, %mul3A_301 : i32
        %swap3A_303 = arith.index_cast %mul3A_302 : i32 to index
        %swap3A_304 = tpu.vector_load %arg4[%swap3A_303] {strides = array<i32>} : memref<4096xf32, #tpu.memory_space<vmem>>, vector<16xf32>,
        tpu.vector_store %arg4[%swap3A_303], %select_n3A {strides = array<i32>} : memref<4096xf32, #tpu.memory_space<vmem>>, vector<16xf32>,
        %select_n3A_305 = arith.select %eq3A_300, %max3A, %min3A : vector<16xf32>
        %mul3A_306 = arith.constant 16 : i32
        %mul3A_307 = arith.muli %add3A_288, %mul3A_306 : i32
        %swap3A_308 = arith.index_cast %mul3A_307 : i32 to index
        %swap3A_309 = tpu.vector_load %arg4[%swap3A_308] {strides = array<i32>} : memref<4096xf32, #tpu.memory_space<vmem>>, vector<16xf32>,
        tpu.vector_store %arg4[%swap3A_308], %select_n3A_305 {strides = array<i32>} : memref<4096xf32, #tpu.memory_space<vmem>>, vector<16xf32>,
      }
      %scan3A_243 = arith.constant 128 : i32
      %scan3A_244 = arith.constant 0 : i32
      %scan3A_245 = arith.constant 0 : i32
      %scan3A_246 = arith.constant 128 : i32
      %scan3A_247 = arith.addi %scan3A_245, %scan3A_246 : i32
      %scan3A_248 = arith.constant 1 : i32
      scf.for %scan3A_282 = %scan3A_245 to %scan3A_247 step %scan3A_248  : i32 {
        %and3A = arith.constant 7 : i32
        %and3A_283 = arith.andi %scan3A_282, %and3A : i32
        %shift_right_arithmetic3A = arith.constant 3 : i32
        %shift_right_arithmetic3A_284 = arith.shrsi %scan3A_282, %shift_right_arithmetic3A : i32
        %shift_left3A = arith.constant 4 : i32
        %shift_left3A_285 = arith.shli %shift_right_arithmetic3A_284, %shift_left3A : i32
        %add3A_286 = arith.addi %shift_left3A_285, %and3A_283 : i32
        %add3A_287 = arith.constant 8 : i32
        %add3A_288 = arith.addi %add3A_286, %add3A_287 : i32
        %mul3A_289 = arith.constant 16 : i32
        %mul3A_290 = arith.muli %add3A_286, %mul3A_289 : i32
        %get3A = arith.index_cast %mul3A_290 : i32 to index
        %get3A_291 = tpu.vector_load %arg4[%get3A] {strides = array<i32>} : memref<4096xf32, #tpu.memory_space<vmem>>, vector<16xf32>,
        %mul3A_292 = arith.constant 16 : i32
        %mul3A_293 = arith.muli %add3A_288, %mul3A_292 : i32
        %get3A_294 = arith.index_cast %mul3A_293 : i32 to index
        %get3A_295 = tpu.vector_load %arg4[%get3A_294] {strides = array<i32>} : memref<4096xf32, #tpu.memory_space<vmem>>, vector<16xf32>,
        %mul3A_296 = arith.constant 16 : i32
        %mul3A_297 = arith.muli %add3A_286, %mul3A_296 : i32
        %and3A_298 = arith.constant 4096 : i32
        %and3A_299 = arith.andi %mul3A_297, %and3A_298 : i32
        %eq3A = arith.constant 0 : i32
        %eq3A_300 = arith.cmpi eq, %and3A_299, %eq3A : i32
        %min3A = arith.minimumf %get3A_291, %get3A_295 : vector<16xf32>
        %max3A = arith.maximumf %get3A_291, %get3A_295 : vector<16xf32>
        %select_n3A = arith.select %eq3A_300, %min3A, %max3A : vector<16xf32>
        %mul3A_301 = arith.constant 16 : i32
        %mul3A_302 = arith.muli %add3A_286, %mul3A_301 : i32
        %swap3A_303 = arith.index_cast %mul3A_302 : i32 to index
        %swap3A_304 = tpu.vector_load %arg4[%swap3A_303] {strides = array<i32>} : memref<4096xf32, #tpu.memory_space<vmem>>, vector<16xf32>,
        tpu.vector_store %arg4[%swap3A_303], %select_n3A {strides = array<i32>} : memref<4096xf32, #tpu.memory_space<vmem>>, vector<16xf32>,
        %select_n3A_305 = arith.select %eq3A_300, %max3A, %min3A : vector<16xf32>
        %mul3A_306 = arith.constant 16 : i32
        %mul3A_307 = arith.muli %add3A_288, %mul3A_306 : i32
        %swap3A_308 = arith.index_cast %mul3A_307 : i32 to index
        %swap3A_309 = tpu.vector_load %arg4[%swap3A_308] {strides = array<i32>} : memref<4096xf32, #tpu.memory_space<vmem>>, vector<16xf32>,
        tpu.vector_store %arg4[%swap3A_308], %select_n3A_305 {strides = array<i32>} : memref<4096xf32, #tpu.memory_space<vmem>>, vector<16xf32>,
      }
      %scan3A_249 = arith.constant 128 : i32
      %scan3A_250 = arith.constant 0 : i32
      %scan3A_251 = arith.constant 0 : i32
      %scan3A_252 = arith.constant 128 : i32
      %scan3A_253 = arith.addi %scan3A_251, %scan3A_252 : i32
      %scan3A_254 = arith.constant 1 : i32
      scf.for %scan3A_282 = %scan3A_251 to %scan3A_253 step %scan3A_254  : i32 {
        %and3A = arith.constant 3 : i32
        %and3A_283 = arith.andi %scan3A_282, %and3A : i32
        %shift_right_arithmetic3A = arith.constant 2 : i32
        %shift_right_arithmetic3A_284 = arith.shrsi %scan3A_282, %shift_right_arithmetic3A : i32
        %shift_left3A = arith.constant 3 : i32
        %shift_left3A_285 = arith.shli %shift_right_arithmetic3A_284, %shift_left3A : i32
        %add3A_286 = arith.addi %shift_left3A_285, %and3A_283 : i32
        %add3A_287 = arith.constant 4 : i32
        %add3A_288 = arith.addi %add3A_286, %add3A_287 : i32
        %mul3A_289 = arith.constant 16 : i32
        %mul3A_290 = arith.muli %add3A_286, %mul3A_289 : i32
        %get3A = arith.index_cast %mul3A_290 : i32 to index
        %get3A_291 = tpu.vector_load %arg4[%get3A] {strides = array<i32>} : memref<4096xf32, #tpu.memory_space<vmem>>, vector<16xf32>,
        %mul3A_292 = arith.constant 16 : i32
        %mul3A_293 = arith.muli %add3A_288, %mul3A_292 : i32
        %get3A_294 = arith.index_cast %mul3A_293 : i32 to index
        %get3A_295 = tpu.vector_load %arg4[%get3A_294] {strides = array<i32>} : memref<4096xf32, #tpu.memory_space<vmem>>, vector<16xf32>,
        %mul3A_296 = arith.constant 16 : i32
        %mul3A_297 = arith.muli %add3A_286, %mul3A_296 : i32
        %and3A_298 = arith.constant 4096 : i32
        %and3A_299 = arith.andi %mul3A_297, %and3A_298 : i32
        %eq3A = arith.constant 0 : i32
        %eq3A_300 = arith.cmpi eq, %and3A_299, %eq3A : i32
        %min3A = arith.minimumf %get3A_291, %get3A_295 : vector<16xf32>
        %max3A = arith.maximumf %get3A_291, %get3A_295 : vector<16xf32>
        %select_n3A = arith.select %eq3A_300, %min3A, %max3A : vector<16xf32>
        %mul3A_301 = arith.constant 16 : i32
        %mul3A_302 = arith.muli %add3A_286, %mul3A_301 : i32
        %swap3A_303 = arith.index_cast %mul3A_302 : i32 to index
        %swap3A_304 = tpu.vector_load %arg4[%swap3A_303] {strides = array<i32>} : memref<4096xf32, #tpu.memory_space<vmem>>, vector<16xf32>,
        tpu.vector_store %arg4[%swap3A_303], %select_n3A {strides = array<i32>} : memref<4096xf32, #tpu.memory_space<vmem>>, vector<16xf32>,
        %select_n3A_305 = arith.select %eq3A_300, %max3A, %min3A : vector<16xf32>
        %mul3A_306 = arith.constant 16 : i32
        %mul3A_307 = arith.muli %add3A_288, %mul3A_306 : i32
        %swap3A_308 = arith.index_cast %mul3A_307 : i32 to index
        %swap3A_309 = tpu.vector_load %arg4[%swap3A_308] {strides = array<i32>} : memref<4096xf32, #tpu.memory_space<vmem>>, vector<16xf32>,
        tpu.vector_store %arg4[%swap3A_308], %select_n3A_305 {strides = array<i32>} : memref<4096xf32, #tpu.memory_space<vmem>>, vector<16xf32>,
      }
      %scan3A_255 = arith.constant 128 : i32
      %scan3A_256 = arith.constant 0 : i32
      %scan3A_257 = arith.constant 0 : i32
      %scan3A_258 = arith.constant 128 : i32
      %scan3A_259 = arith.addi %scan3A_257, %scan3A_258 : i32
      %scan3A_260 = arith.constant 1 : i32
      scf.for %scan3A_282 = %scan3A_257 to %scan3A_259 step %scan3A_260  : i32 {
        %and3A = arith.constant 1 : i32
        %and3A_283 = arith.andi %scan3A_282, %and3A : i32
        %shift_right_arithmetic3A = arith.constant 1 : i32
        %shift_right_arithmetic3A_284 = arith.shrsi %scan3A_282, %shift_right_arithmetic3A : i32
        %shift_left3A = arith.constant 2 : i32
        %shift_left3A_285 = arith.shli %shift_right_arithmetic3A_284, %shift_left3A : i32
        %add3A_286 = arith.addi %shift_left3A_285, %and3A_283 : i32
        %add3A_287 = arith.constant 2 : i32
        %add3A_288 = arith.addi %add3A_286, %add3A_287 : i32
        %mul3A_289 = arith.constant 16 : i32
        %mul3A_290 = arith.muli %add3A_286, %mul3A_289 : i32
        %get3A = arith.index_cast %mul3A_290 : i32 to index
        %get3A_291 = tpu.vector_load %arg4[%get3A] {strides = array<i32>} : memref<4096xf32, #tpu.memory_space<vmem>>, vector<16xf32>,
        %mul3A_292 = arith.constant 16 : i32
        %mul3A_293 = arith.muli %add3A_288, %mul3A_292 : i32
        %get3A_294 = arith.index_cast %mul3A_293 : i32 to index
        %get3A_295 = tpu.vector_load %arg4[%get3A_294] {strides = array<i32>} : memref<4096xf32, #tpu.memory_space<vmem>>, vector<16xf32>,
        %mul3A_296 = arith.constant 16 : i32
        %mul3A_297 = arith.muli %add3A_286, %mul3A_296 : i32
        %and3A_298 = arith.constant 4096 : i32
        %and3A_299 = arith.andi %mul3A_297, %and3A_298 : i32
        %eq3A = arith.constant 0 : i32
        %eq3A_300 = arith.cmpi eq, %and3A_299, %eq3A : i32
        %min3A = arith.minimumf %get3A_291, %get3A_295 : vector<16xf32>
        %max3A = arith.maximumf %get3A_291, %get3A_295 : vector<16xf32>
        %select_n3A = arith.select %eq3A_300, %min3A, %max3A : vector<16xf32>
        %mul3A_301 = arith.constant 16 : i32
        %mul3A_302 = arith.muli %add3A_286, %mul3A_301 : i32
        %swap3A_303 = arith.index_cast %mul3A_302 : i32 to index
        %swap3A_304 = tpu.vector_load %arg4[%swap3A_303] {strides = array<i32>} : memref<4096xf32, #tpu.memory_space<vmem>>, vector<16xf32>,
        tpu.vector_store %arg4[%swap3A_303], %select_n3A {strides = array<i32>} : memref<4096xf32, #tpu.memory_space<vmem>>, vector<16xf32>,
        %select_n3A_305 = arith.select %eq3A_300, %max3A, %min3A : vector<16xf32>
        %mul3A_306 = arith.constant 16 : i32
        %mul3A_307 = arith.muli %add3A_288, %mul3A_306 : i32
        %swap3A_308 = arith.index_cast %mul3A_307 : i32 to index
        %swap3A_309 = tpu.vector_load %arg4[%swap3A_308] {strides = array<i32>} : memref<4096xf32, #tpu.memory_space<vmem>>, vector<16xf32>,
        tpu.vector_store %arg4[%swap3A_308], %select_n3A_305 {strides = array<i32>} : memref<4096xf32, #tpu.memory_space<vmem>>, vector<16xf32>,
      }
      %scan3A_261 = arith.constant 128 : i32
      %scan3A_262 = arith.constant 0 : i32
      %scan3A_263 = arith.constant 0 : i32
      %scan3A_264 = arith.constant 128 : i32
      %scan3A_265 = arith.addi %scan3A_263, %scan3A_264 : i32
      %scan3A_266 = arith.constant 1 : i32
      scf.for %scan3A_282 = %scan3A_263 to %scan3A_265 step %scan3A_266  : i32 {
        %and3A = arith.constant 0 : i32
        %and3A_283 = arith.andi %scan3A_282, %and3A : i32
        %shift_right_arithmetic3A = arith.constant 0 : i32
        %shift_right_arithmetic3A_284 = arith.shrsi %scan3A_282, %shift_right_arithmetic3A : i32
        %shift_left3A = arith.constant 1 : i32
        %shift_left3A_285 = arith.shli %shift_right_arithmetic3A_284, %shift_left3A : i32
        %add3A_286 = arith.addi %shift_left3A_285, %and3A_283 : i32
        %add3A_287 = arith.constant 1 : i32
        %add3A_288 = arith.addi %add3A_286, %add3A_287 : i32
        %mul3A_289 = arith.constant 16 : i32
        %mul3A_290 = arith.muli %add3A_286, %mul3A_289 : i32
        %get3A = arith.index_cast %mul3A_290 : i32 to index
        %get3A_291 = tpu.vector_load %arg4[%get3A] {strides = array<i32>} : memref<4096xf32, #tpu.memory_space<vmem>>, vector<16xf32>,
        %mul3A_292 = arith.constant 16 : i32
        %mul3A_293 = arith.muli %add3A_288, %mul3A_292 : i32
        %get3A_294 = arith.index_cast %mul3A_293 : i32 to index
        %get3A_295 = tpu.vector_load %arg4[%get3A_294] {strides = array<i32>} : memref<4096xf32, #tpu.memory_space<vmem>>, vector<16xf32>,
        %mul3A_296 = arith.constant 16 : i32
        %mul3A_297 = arith.muli %add3A_286, %mul3A_296 : i32
        %and3A_298 = arith.constant 4096 : i32
        %and3A_299 = arith.andi %mul3A_297, %and3A_298 : i32
        %eq3A = arith.constant 0 : i32
        %eq3A_300 = arith.cmpi eq, %and3A_299, %eq3A : i32
        %min3A = arith.minimumf %get3A_291, %get3A_295 : vector<16xf32>
        %max3A = arith.maximumf %get3A_291, %get3A_295 : vector<16xf32>
        %select_n3A = arith.select %eq3A_300, %min3A, %max3A : vector<16xf32>
        %mul3A_301 = arith.constant 16 : i32
        %mul3A_302 = arith.muli %add3A_286, %mul3A_301 : i32
        %swap3A_303 = arith.index_cast %mul3A_302 : i32 to index
        %swap3A_304 = tpu.vector_load %arg4[%swap3A_303] {strides = array<i32>} : memref<4096xf32, #tpu.memory_space<vmem>>, vector<16xf32>,
        tpu.vector_store %arg4[%swap3A_303], %select_n3A {strides = array<i32>} : memref<4096xf32, #tpu.memory_space<vmem>>, vector<16xf32>,
        %select_n3A_305 = arith.select %eq3A_300, %max3A, %min3A : vector<16xf32>
        %mul3A_306 = arith.constant 16 : i32
        %mul3A_307 = arith.muli %add3A_288, %mul3A_306 : i32
        %swap3A_308 = arith.index_cast %mul3A_307 : i32 to index
        %swap3A_309 = tpu.vector_load %arg4[%swap3A_308] {strides = array<i32>} : memref<4096xf32, #tpu.memory_space<vmem>>, vector<16xf32>,
        tpu.vector_store %arg4[%swap3A_308], %select_n3A_305 {strides = array<i32>} : memref<4096xf32, #tpu.memory_space<vmem>>, vector<16xf32>,
      }
      %scan3A_267 = arith.constant 128 : i32
      %scan3A_268 = arith.constant 0 : i32
      %scan3A_269 = arith.constant 0 : i32
      %scan3A_270 = arith.constant 256 : i32
      %scan3A_271 = arith.addi %scan3A_269, %scan3A_270 : i32
      %scan3A_272 = arith.constant 1 : i32
      scf.for %scan3A_282 = %scan3A_269 to %scan3A_271 step %scan3A_272  : i32 {
        %mul3A_283 = arith.constant 16 : i32
        %mul3A_284 = arith.muli %scan3A_282, %mul3A_283 : i32
        %get3A = arith.index_cast %mul3A_284 : i32 to index
        %get3A_285 = tpu.vector_load %arg4[%get3A] {strides = array<i32>} : memref<4096xf32, #tpu.memory_space<vmem>>, vector<16xf32>,
        %masked_sort3A = arith.constant dense<true> : vector<16xi1>
        %masked_sort3A_286, %masked_sort3A_287, %masked_sort3A_288 = tpu.sort %get3A_285, %get3A_285 masked %masked_sort3A : (vector<16xf32>, vector<16xf32>, vector<16xi1>) -> (vector<16xi1>, vector<16xf32>, vector<16xf32>)
        %mul3A_289 = arith.constant 16 : i32
        %mul3A_290 = arith.muli %scan3A_282, %mul3A_289 : i32
        %and3A = arith.constant 4096 : i32
        %and3A_291 = arith.andi %mul3A_290, %and3A : i32
        %eq3A = arith.constant 0 : i32
        %eq3A_292 = arith.cmpi eq, %and3A_291, %eq3A : i32
        %rev3A = arith.constant 15 : i32
        %rev3A_293 = vector.broadcast %rev3A : i32 to vector<16xi32>
        %rev3A_294 = tpu.iota {dimensions = array<i32: 0>} : vector<16xi32>
        %rev3A_295 = arith.subi %rev3A_293, %rev3A_294 : vector<16xi32>
        %rev3A_296 = tpu.dynamic_gather %masked_sort3A_287[%rev3A_295] in [0] : vector<16xf32>, vector<16xi32> -> vector<16xf32>
        %select_n3A = arith.select %eq3A_292, %masked_sort3A_287, %rev3A_296 : vector<16xf32>
        %mul3A_297 = arith.constant 16 : i32
        %mul3A_298 = arith.muli %scan3A_282, %mul3A_297 : i32
        %swap3A_299 = arith.index_cast %mul3A_298 : i32 to index
        %swap3A_300 = tpu.vector_load %arg4[%swap3A_299] {strides = array<i32>} : memref<4096xf32, #tpu.memory_space<vmem>>, vector<16xf32>,
        tpu.vector_store %arg4[%swap3A_299], %select_n3A {strides = array<i32>} : memref<4096xf32, #tpu.memory_space<vmem>>, vector<16xf32>,
      }
      %scan3A_273 = arith.constant 256 : i32
      %broadcast_in_dim3A = arith.constant 0.000000e+00 : f32
      %broadcast_in_dim3A_274 = vector.broadcast %broadcast_in_dim3A : f32 to vector<16xf32>
      %scan3A_275 = arith.constant 0 : i32
      %scan3A_276 = arith.constant 256 : i32
      %scan3A_277 = arith.addi %scan3A_275, %scan3A_276 : i32
      %scan3A_278 = arith.constant 1 : i32
      %scan3A_279 = scf.for %scan3A_282 = %scan3A_275 to %scan3A_277 step %scan3A_278 iter_args(%scan3A_283 = %broadcast_in_dim3A_274) -> (vector<16xf32>)  : i32 {
        %mul3A_284 = arith.constant 16 : i32
        %mul3A_285 = arith.muli %scan3A_282, %mul3A_284 : i32
        %get3A = arith.index_cast %mul3A_285 : i32 to index
        %get3A_286 = tpu.vector_load %arg4[%get3A] {strides = array<i32>} : memref<4096xf32, #tpu.memory_space<vmem>>, vector<16xf32>,
        %iota3A = tpu.iota {dimensions = array<i32: 0>} : vector<16xi32>
        %mul3A_287 = arith.constant 16 : i32
        %mul3A_288 = arith.muli %scan3A_282, %mul3A_287 : i32
        %add3A_289 = vector.broadcast %mul3A_288 : i32 to vector<16xi32>
        %add3A_290 = arith.addi %iota3A, %add3A_289 : vector<16xi32>
        %convert_element_type3A_291 = arith.sitofp %add3A_290 : vector<16xi32> to vector<16xf32>
        %mul3A_292 = arith.constant 2.44200259E-4 : f32
        %mul3A_293 = vector.broadcast %mul3A_292 : f32 to vector<16xf32>
        %mul3A_294 = arith.mulf %convert_element_type3A_291, %mul3A_293 : vector<16xf32>
        %sub3A = arith.subf %get3A_286, %mul3A_294 : vector<16xf32>
        %abs3A = math.absf %sub3A : vector<16xf32>
        %add3A_295 = arith.addf %scan3A_283, %abs3A : vector<16xf32>
        scf.yield %add3A_295 : vector<16xf32>
      }
      %scan3A_280 = arith.constant 256 : i32
      %swap3A = arith.constant 0 : index
      %swap3A_281 = tpu.vector_load %arg5[%swap3A] {strides = array<i32>} : memref<16xf32, #tpu.memory_space<vmem>>, vector<16xf32>,
      tpu.vector_store %arg5[%swap3A], %scan3A_279 {strides = array<i32>} : memref<16xf32, #tpu.memory_space<vmem>>, vector<16xf32>,
      "tpu.region"() ({
        %run_scoped3A = tpu.sem_alloc : memref<!tpu.dma_semaphore, #tpu.memory_space<semaphore_mem>>
        %dma_start3A = arith.constant 0 : i32
        %dma_start3A_282 = tpu.memref_slice %arg3[%add3A, %dma_start3A] : memref<4x16xf32, #tpu.memory_space<hbm>> -> memref<1x16xf32, #tpu.memory_space<hbm>>
        %dma_start3A_283 = tpu.memref_squeeze %dma_start3A_282 : memref<1x16xf32, #tpu.memory_space<hbm>> -> memref<16xf32, #tpu.memory_space<hbm>>
        %dma_start3A_284 = arith.constant 0 : i32
        %dma_start3A_285 = tpu.memref_slice %arg3[%add3A, %dma_start3A_284] : memref<4x16xf32, #tpu.memory_space<hbm>> -> memref<1x16xf32, #tpu.memory_space<hbm>>
        %dma_start3A_286 = tpu.memref_squeeze %dma_start3A_285 : memref<1x16xf32, #tpu.memory_space<hbm>> -> memref<16xf32, #tpu.memory_space<hbm>>
        tpu.enqueue_dma source(%arg5 : memref<16xf32, #tpu.memory_space<vmem>>) target(%dma_start3A_286 : memref<16xf32, #tpu.memory_space<hbm>>) target_semaphore(%run_scoped3A : memref<!tpu.dma_semaphore, #tpu.memory_space<semaphore_mem>>)
        %dma_wait3A = arith.constant 0 : i32
        %dma_wait3A_287 = tpu.memref_slice %arg3[%add3A, %dma_wait3A] : memref<4x16xf32, #tpu.memory_space<hbm>> -> memref<1x16xf32, #tpu.memory_space<hbm>>
        %dma_wait3A_288 = tpu.memref_squeeze %dma_wait3A_287 : memref<1x16xf32, #tpu.memory_space<hbm>> -> memref<16xf32, #tpu.memory_space<hbm>>
        %dma_wait3A_289 = arith.constant 0 : i32
        %dma_wait3A_290 = tpu.memref_slice %arg3[%add3A, %dma_wait3A_289] : memref<4x16xf32, #tpu.memory_space<hbm>> -> memref<1x16xf32, #tpu.memory_space<hbm>>
        %dma_wait3A_291 = tpu.memref_squeeze %dma_wait3A_290 : memref<1x16xf32, #tpu.memory_space<hbm>> -> memref<16xf32, #tpu.memory_space<hbm>>
        tpu.wait_dma2 semaphore(%run_scoped3A : memref<!tpu.dma_semaphore, #tpu.memory_space<semaphore_mem>>) src(%arg5 : memref<16xf32, #tpu.memory_space<vmem>>) dst(%dma_wait3A_291 : memref<16xf32, #tpu.memory_space<hbm>>)
        tpu.yield
      }) : () -> ()
    } else {
    }
    return
  }
}

module attributes {stable_mosaic.version = 14 : i64} {
  func.func @_tc_body(%arg0: i32, %arg1: i32, %arg2: memref<1x2048x1xf32, #tpu.memory_space<vmem>>, %arg3: memref<1x2048x1xf32, #tpu.memory_space<vmem>>, %arg4: memref<1x2048x1xf32, #tpu.memory_space<vmem>>, %arg5: memref<1x2048x1xf32, #tpu.memory_space<vmem>>, %arg6: memref<1x1x4096xf32, #tpu.memory_space<vmem>>, %arg7: memref<1x1x4096xf32, #tpu.memory_space<vmem>>, %arg8: memref<1x1x4096xf32, #tpu.memory_space<vmem>>, %arg9: memref<1x1x4096xf32, #tpu.memory_space<vmem>>, %arg10: memref<1x1xf32, #tpu.memory_space<smem>>, %arg11: memref<1x1xf32, #tpu.memory_space<smem>>, %arg12: memref<1x1xf32, #tpu.memory_space<smem>>) attributes {dimension_semantics = [#tpu.dimension_semantics<arbitrary>, #tpu.dimension_semantics<arbitrary>], iteration_bounds = array<i64: 4, 2>, scalar_prefetch = 0 : i64, scratch_operands = 0 : i64, tpu.core_type = #tpu.core_type<tc>, window_params = [{transform_indices = @transform_0, window_bounds = array<i64: 1, 2048, 1>}, {transform_indices = @transform_1, window_bounds = array<i64: 1, 2048, 1>}, {transform_indices = @transform_2, window_bounds = array<i64: 1, 2048, 1>}, {transform_indices = @transform_3, window_bounds = array<i64: 1, 2048, 1>}, {transform_indices = @transform_4, window_bounds = array<i64: 1, 1, 4096>}, {transform_indices = @transform_5, window_bounds = array<i64: 1, 1, 4096>}, {transform_indices = @transform_6, window_bounds = array<i64: 1, 1, 4096>}, {transform_indices = @transform_7, window_bounds = array<i64: 1, 1, 4096>}, {transform_indices = @transform_8, window_bounds = array<i64: 1, 1>}, {transform_indices = @transform_9, window_bounds = array<i64: 1, 1>}, {transform_indices = @transform_10, window_bounds = array<i64: 1, 1>}]} {
    %eq3A = arith.constant 0 : i32
    %eq3A_0 = arith.cmpi eq, %arg0, %eq3A : i32
    %eq3A_1 = arith.constant 0 : i32
    %eq3A_2 = arith.cmpi eq, %arg1, %eq3A_1 : i32
    %and3A = arith.andi %eq3A_0, %eq3A_2 : i1
    %convert_element_type3A = arith.extui %and3A : i1 to i32
    %cond3A = arith.constant 0 : i32
    %cond3A_3 = arith.cmpi ne, %convert_element_type3A, %cond3A : i32
    scf.if %cond3A_3 {
      %swap3A_471 = arith.constant 0.000000e+00 : f32
      %swap3A_472 = arith.constant 0 : index
      %swap3A_473 = arith.constant 0 : index
      %swap3A_474 = memref.load %arg10[%swap3A_472, %swap3A_473] : memref<1x1xf32, #tpu.memory_space<smem>>
      memref.store %swap3A_471, %arg10[%swap3A_472, %swap3A_473] : memref<1x1xf32, #tpu.memory_space<smem>>
      %swap3A_475 = arith.constant 0.000000e+00 : f32
      %swap3A_476 = arith.constant 0 : index
      %swap3A_477 = arith.constant 0 : index
      %swap3A_478 = memref.load %arg11[%swap3A_476, %swap3A_477] : memref<1x1xf32, #tpu.memory_space<smem>>
      memref.store %swap3A_475, %arg11[%swap3A_476, %swap3A_477] : memref<1x1xf32, #tpu.memory_space<smem>>
      %swap3A_479 = arith.constant 0.000000e+00 : f32
      %swap3A_480 = arith.constant 0 : index
      %swap3A_481 = arith.constant 0 : index
      %swap3A_482 = memref.load %arg12[%swap3A_480, %swap3A_481] : memref<1x1xf32, #tpu.memory_space<smem>>
      memref.store %swap3A_479, %arg12[%swap3A_480, %swap3A_481] : memref<1x1xf32, #tpu.memory_space<smem>>
    } else {
    }
    %get3A = arith.constant 0 : index
    %get3A_4 = arith.constant 0 : index
    %get3A_5 = arith.constant 0 : index
    %get3A_6 = vector.load %arg2[%get3A, %get3A_4, %get3A_5] : memref<1x2048x1xf32, #tpu.memory_space<vmem>>, vector<1x2048x1xf32>
    %get3A_7 = vector.shape_cast %get3A_6 : vector<1x2048x1xf32> to vector<2048x1xf32>
    %get3A_8 = arith.constant 0 : index
    %get3A_9 = arith.constant 0 : index
    %get3A_10 = arith.constant 0 : index
    %get3A_11 = vector.load %arg3[%get3A_8, %get3A_9, %get3A_10] : memref<1x2048x1xf32, #tpu.memory_space<vmem>>, vector<1x2048x1xf32>
    %get3A_12 = vector.shape_cast %get3A_11 : vector<1x2048x1xf32> to vector<2048x1xf32>
    %get3A_13 = arith.constant 0 : index
    %get3A_14 = arith.constant 0 : index
    %get3A_15 = arith.constant 0 : index
    %get3A_16 = vector.load %arg4[%get3A_13, %get3A_14, %get3A_15] : memref<1x2048x1xf32, #tpu.memory_space<vmem>>, vector<1x2048x1xf32>
    %get3A_17 = vector.shape_cast %get3A_16 : vector<1x2048x1xf32> to vector<2048x1xf32>
    %get3A_18 = arith.constant 0 : index
    %get3A_19 = arith.constant 0 : index
    %get3A_20 = arith.constant 0 : index
    %get3A_21 = vector.load %arg5[%get3A_18, %get3A_19, %get3A_20] : memref<1x2048x1xf32, #tpu.memory_space<vmem>>, vector<1x2048x1xf32>
    %get3A_22 = vector.shape_cast %get3A_21 : vector<1x2048x1xf32> to vector<2048x1xf32>
    %get3A_23 = arith.constant 0 : index
    %get3A_24 = arith.constant 0 : index
    %get3A_25 = arith.constant 0 : index
    %get3A_26 = vector.load %arg9[%get3A_23, %get3A_24, %get3A_25] : memref<1x1x4096xf32, #tpu.memory_space<vmem>>, vector<1x1x4096xf32>
    %get3A_27 = vector.shape_cast %get3A_26 : vector<1x1x4096xf32> to vector<1x4096xf32>
    %ne3A = arith.cmpf one, %get3A_22, %get3A_22 : vector<2048x1xf32>
    %jit3A = arith.constant 5.000000e-01 : f32
    %broadcast_in_dim3A = vector.broadcast %jit3A : f32 to vector<2048x1xf32>
    %select_n3A = arith.select %ne3A, %broadcast_in_dim3A, %get3A_22 : vector<2048x1xi1>, vector<2048x1xf32>
    %ne3A_28 = arith.cmpf one, %get3A_27, %get3A_27 : vector<1x4096xf32>
    %jit3A_29 = arith.constant 5.000000e-01 : f32
    %broadcast_in_dim3A_30 = vector.broadcast %jit3A_29 : f32 to vector<1x4096xf32>
    %select_n3A_31 = arith.select %ne3A_28, %broadcast_in_dim3A_30, %get3A_27 : vector<1x4096xi1>, vector<1x4096xf32>
    %convert_element_type3A_32 = arith.truncf %get3A_7 : vector<2048x1xf32> to vector<2048x1xbf16>
    %get3A_33 = arith.constant 0 : index
    %get3A_34 = arith.constant 0 : index
    %get3A_35 = arith.constant 0 : index
    %get3A_36 = vector.load %arg6[%get3A_33, %get3A_34, %get3A_35] : memref<1x1x4096xf32, #tpu.memory_space<vmem>>, vector<1x1x4096xf32>
    %get3A_37 = vector.shape_cast %get3A_36 : vector<1x1x4096xf32> to vector<1x4096xf32>
    %convert_element_type3A_38 = arith.truncf %get3A_37 : vector<1x4096xf32> to vector<1x4096xbf16>
    %sub3A = vector.broadcast %convert_element_type3A_32 : vector<2048x1xbf16> to vector<2048x4096xbf16>
    %sub3A_39 = vector.broadcast %convert_element_type3A_38 : vector<1x4096xbf16> to vector<2048x4096xbf16>
    %sub3A_40 = arith.subf %sub3A, %sub3A_39 : vector<2048x4096xbf16>
    %convert_element_type3A_41 = arith.truncf %get3A_12 : vector<2048x1xf32> to vector<2048x1xbf16>
    %get3A_42 = arith.constant 0 : index
    %get3A_43 = arith.constant 0 : index
    %get3A_44 = arith.constant 0 : index
    %get3A_45 = vector.load %arg7[%get3A_42, %get3A_43, %get3A_44] : memref<1x1x4096xf32, #tpu.memory_space<vmem>>, vector<1x1x4096xf32>
    %get3A_46 = vector.shape_cast %get3A_45 : vector<1x1x4096xf32> to vector<1x4096xf32>
    %convert_element_type3A_47 = arith.truncf %get3A_46 : vector<1x4096xf32> to vector<1x4096xbf16>
    %sub3A_48 = vector.broadcast %convert_element_type3A_41 : vector<2048x1xbf16> to vector<2048x4096xbf16>
    %sub3A_49 = vector.broadcast %convert_element_type3A_47 : vector<1x4096xbf16> to vector<2048x4096xbf16>
    %sub3A_50 = arith.subf %sub3A_48, %sub3A_49 : vector<2048x4096xbf16>
    %convert_element_type3A_51 = arith.truncf %get3A_17 : vector<2048x1xf32> to vector<2048x1xbf16>
    %get3A_52 = arith.constant 0 : index
    %get3A_53 = arith.constant 0 : index
    %get3A_54 = arith.constant 0 : index
    %get3A_55 = vector.load %arg8[%get3A_52, %get3A_53, %get3A_54] : memref<1x1x4096xf32, #tpu.memory_space<vmem>>, vector<1x1x4096xf32>
    %get3A_56 = vector.shape_cast %get3A_55 : vector<1x1x4096xf32> to vector<1x4096xf32>
    %convert_element_type3A_57 = arith.truncf %get3A_56 : vector<1x4096xf32> to vector<1x4096xbf16>
    %sub3A_58 = vector.broadcast %convert_element_type3A_51 : vector<2048x1xbf16> to vector<2048x4096xbf16>
    %sub3A_59 = vector.broadcast %convert_element_type3A_57 : vector<1x4096xbf16> to vector<2048x4096xbf16>
    %sub3A_60 = arith.subf %sub3A_58, %sub3A_59 : vector<2048x4096xbf16>
    %mul3A = arith.mulf %sub3A_40, %sub3A_40 : vector<2048x4096xbf16>
    %mul3A_61 = arith.mulf %sub3A_50, %sub3A_50 : vector<2048x4096xbf16>
    %add3A = arith.addf %mul3A, %mul3A_61 : vector<2048x4096xbf16>
    %mul3A_62 = arith.mulf %sub3A_60, %sub3A_60 : vector<2048x4096xbf16>
    %add3A_63 = arith.addf %add3A, %mul3A_62 : vector<2048x4096xbf16>
    %broadcast_in_dim3A_64 = arith.constant 1.000260e+30 : bf16
    %broadcast_in_dim3A_65 = vector.broadcast %broadcast_in_dim3A_64 : bf16 to vector<2048x256xbf16>
    %slice3A = vector.extract_strided_slice %add3A_63 {offsets = [0, 0], sizes = [2048, 256], strides = [1, 1]} : vector<2048x4096xbf16> to vector<2048x256xbf16>
    %min3A = arith.minimumf %broadcast_in_dim3A_65, %slice3A : vector<2048x256xbf16>
    %max3A = arith.maximumf %broadcast_in_dim3A_65, %slice3A : vector<2048x256xbf16>
    %min3A_66 = arith.minimumf %broadcast_in_dim3A_65, %max3A : vector<2048x256xbf16>
    %slice3A_67 = vector.extract_strided_slice %add3A_63 {offsets = [0, 256], sizes = [2048, 256], strides = [1, 1]} : vector<2048x4096xbf16> to vector<2048x256xbf16>
    %min3A_68 = arith.minimumf %min3A, %slice3A_67 : vector<2048x256xbf16>
    %max3A_69 = arith.maximumf %min3A, %slice3A_67 : vector<2048x256xbf16>
    %min3A_70 = arith.minimumf %min3A_66, %max3A_69 : vector<2048x256xbf16>
    %slice3A_71 = vector.extract_strided_slice %add3A_63 {offsets = [0, 512], sizes = [2048, 256], strides = [1, 1]} : vector<2048x4096xbf16> to vector<2048x256xbf16>
    %min3A_72 = arith.minimumf %min3A_68, %slice3A_71 : vector<2048x256xbf16>
    %max3A_73 = arith.maximumf %min3A_68, %slice3A_71 : vector<2048x256xbf16>
    %min3A_74 = arith.minimumf %min3A_70, %max3A_73 : vector<2048x256xbf16>
    %slice3A_75 = vector.extract_strided_slice %add3A_63 {offsets = [0, 768], sizes = [2048, 256], strides = [1, 1]} : vector<2048x4096xbf16> to vector<2048x256xbf16>
    %min3A_76 = arith.minimumf %min3A_72, %slice3A_75 : vector<2048x256xbf16>
    %max3A_77 = arith.maximumf %min3A_72, %slice3A_75 : vector<2048x256xbf16>
    %min3A_78 = arith.minimumf %min3A_74, %max3A_77 : vector<2048x256xbf16>
    %slice3A_79 = vector.extract_strided_slice %add3A_63 {offsets = [0, 1024], sizes = [2048, 256], strides = [1, 1]} : vector<2048x4096xbf16> to vector<2048x256xbf16>
    %min3A_80 = arith.minimumf %min3A_76, %slice3A_79 : vector<2048x256xbf16>
    %max3A_81 = arith.maximumf %min3A_76, %slice3A_79 : vector<2048x256xbf16>
    %min3A_82 = arith.minimumf %min3A_78, %max3A_81 : vector<2048x256xbf16>
    %slice3A_83 = vector.extract_strided_slice %add3A_63 {offsets = [0, 1280], sizes = [2048, 256], strides = [1, 1]} : vector<2048x4096xbf16> to vector<2048x256xbf16>
    %min3A_84 = arith.minimumf %min3A_80, %slice3A_83 : vector<2048x256xbf16>
    %max3A_85 = arith.maximumf %min3A_80, %slice3A_83 : vector<2048x256xbf16>
    %min3A_86 = arith.minimumf %min3A_82, %max3A_85 : vector<2048x256xbf16>
    %slice3A_87 = vector.extract_strided_slice %add3A_63 {offsets = [0, 1536], sizes = [2048, 256], strides = [1, 1]} : vector<2048x4096xbf16> to vector<2048x256xbf16>
    %min3A_88 = arith.minimumf %min3A_84, %slice3A_87 : vector<2048x256xbf16>
    %max3A_89 = arith.maximumf %min3A_84, %slice3A_87 : vector<2048x256xbf16>
    %min3A_90 = arith.minimumf %min3A_86, %max3A_89 : vector<2048x256xbf16>
    %slice3A_91 = vector.extract_strided_slice %add3A_63 {offsets = [0, 1792], sizes = [2048, 256], strides = [1, 1]} : vector<2048x4096xbf16> to vector<2048x256xbf16>
    %min3A_92 = arith.minimumf %min3A_88, %slice3A_91 : vector<2048x256xbf16>
    %max3A_93 = arith.maximumf %min3A_88, %slice3A_91 : vector<2048x256xbf16>
    %min3A_94 = arith.minimumf %min3A_90, %max3A_93 : vector<2048x256xbf16>
    %slice3A_95 = vector.extract_strided_slice %add3A_63 {offsets = [0, 2048], sizes = [2048, 256], strides = [1, 1]} : vector<2048x4096xbf16> to vector<2048x256xbf16>
    %min3A_96 = arith.minimumf %min3A_92, %slice3A_95 : vector<2048x256xbf16>
    %max3A_97 = arith.maximumf %min3A_92, %slice3A_95 : vector<2048x256xbf16>
    %min3A_98 = arith.minimumf %min3A_94, %max3A_97 : vector<2048x256xbf16>
    %slice3A_99 = vector.extract_strided_slice %add3A_63 {offsets = [0, 2304], sizes = [2048, 256], strides = [1, 1]} : vector<2048x4096xbf16> to vector<2048x256xbf16>
    %min3A_100 = arith.minimumf %min3A_96, %slice3A_99 : vector<2048x256xbf16>
    %max3A_101 = arith.maximumf %min3A_96, %slice3A_99 : vector<2048x256xbf16>
    %min3A_102 = arith.minimumf %min3A_98, %max3A_101 : vector<2048x256xbf16>
    %slice3A_103 = vector.extract_strided_slice %add3A_63 {offsets = [0, 2560], sizes = [2048, 256], strides = [1, 1]} : vector<2048x4096xbf16> to vector<2048x256xbf16>
    %min3A_104 = arith.minimumf %min3A_100, %slice3A_103 : vector<2048x256xbf16>
    %max3A_105 = arith.maximumf %min3A_100, %slice3A_103 : vector<2048x256xbf16>
    %min3A_106 = arith.minimumf %min3A_102, %max3A_105 : vector<2048x256xbf16>
    %slice3A_107 = vector.extract_strided_slice %add3A_63 {offsets = [0, 2816], sizes = [2048, 256], strides = [1, 1]} : vector<2048x4096xbf16> to vector<2048x256xbf16>
    %min3A_108 = arith.minimumf %min3A_104, %slice3A_107 : vector<2048x256xbf16>
    %max3A_109 = arith.maximumf %min3A_104, %slice3A_107 : vector<2048x256xbf16>
    %min3A_110 = arith.minimumf %min3A_106, %max3A_109 : vector<2048x256xbf16>
    %slice3A_111 = vector.extract_strided_slice %add3A_63 {offsets = [0, 3072], sizes = [2048, 256], strides = [1, 1]} : vector<2048x4096xbf16> to vector<2048x256xbf16>
    %min3A_112 = arith.minimumf %min3A_108, %slice3A_111 : vector<2048x256xbf16>
    %max3A_113 = arith.maximumf %min3A_108, %slice3A_111 : vector<2048x256xbf16>
    %min3A_114 = arith.minimumf %min3A_110, %max3A_113 : vector<2048x256xbf16>
    %slice3A_115 = vector.extract_strided_slice %add3A_63 {offsets = [0, 3328], sizes = [2048, 256], strides = [1, 1]} : vector<2048x4096xbf16> to vector<2048x256xbf16>
    %min3A_116 = arith.minimumf %min3A_112, %slice3A_115 : vector<2048x256xbf16>
    %max3A_117 = arith.maximumf %min3A_112, %slice3A_115 : vector<2048x256xbf16>
    %min3A_118 = arith.minimumf %min3A_114, %max3A_117 : vector<2048x256xbf16>
    %slice3A_119 = vector.extract_strided_slice %add3A_63 {offsets = [0, 3584], sizes = [2048, 256], strides = [1, 1]} : vector<2048x4096xbf16> to vector<2048x256xbf16>
    %min3A_120 = arith.minimumf %min3A_116, %slice3A_119 : vector<2048x256xbf16>
    %max3A_121 = arith.maximumf %min3A_116, %slice3A_119 : vector<2048x256xbf16>
    %min3A_122 = arith.minimumf %min3A_118, %max3A_121 : vector<2048x256xbf16>
    %slice3A_123 = vector.extract_strided_slice %add3A_63 {offsets = [0, 3840], sizes = [2048, 256], strides = [1, 1]} : vector<2048x4096xbf16> to vector<2048x256xbf16>
    %min3A_124 = arith.minimumf %min3A_120, %slice3A_123 : vector<2048x256xbf16>
    %max3A_125 = arith.maximumf %min3A_120, %slice3A_123 : vector<2048x256xbf16>
    %min3A_126 = arith.minimumf %min3A_122, %max3A_125 : vector<2048x256xbf16>
    %min3A_127 = arith.minimumf %min3A_124, %min3A_126 : vector<2048x256xbf16>
    %reduce_min3A = arith.constant dense<0x7F80> : vector<2048xbf16>
    %reduce_min3A_128 = vector.multi_reduction <minimumf>, %min3A_127, %reduce_min3A [1] : vector<2048x256xbf16> to vector<2048xbf16>
    %broadcast_in_dim3A_129 = vector.shape_cast %reduce_min3A_128 : vector<2048xbf16> to vector<2048x1xbf16>
    %eq3A_130 = vector.broadcast %broadcast_in_dim3A_129 : vector<2048x1xbf16> to vector<2048x256xbf16>
    %eq3A_131 = arith.cmpf oeq, %min3A_124, %eq3A_130 : vector<2048x256xbf16>
    %jit3A_132 = arith.constant 1.000000e+30 : f32
    %convert_element_type3A_133 = arith.truncf %jit3A_132 : f32 to bf16
    %broadcast_in_dim3A_134 = vector.broadcast %convert_element_type3A_133 : bf16 to vector<2048x256xbf16>
    %select_n3A_135 = arith.select %eq3A_131, %broadcast_in_dim3A_134, %min3A_124 : vector<2048x256xi1>, vector<2048x256xbf16>
    %eq3A_136 = vector.broadcast %broadcast_in_dim3A_129 : vector<2048x1xbf16> to vector<2048x256xbf16>
    %eq3A_137 = arith.cmpf oeq, %min3A_126, %eq3A_136 : vector<2048x256xbf16>
    %jit3A_138 = arith.constant 1.000000e+30 : f32
    %convert_element_type3A_139 = arith.truncf %jit3A_138 : f32 to bf16
    %broadcast_in_dim3A_140 = vector.broadcast %convert_element_type3A_139 : bf16 to vector<2048x256xbf16>
    %select_n3A_141 = arith.select %eq3A_137, %broadcast_in_dim3A_140, %min3A_126 : vector<2048x256xi1>, vector<2048x256xbf16>
    %min3A_142 = arith.minimumf %select_n3A_135, %select_n3A_141 : vector<2048x256xbf16>
    %reduce_min3A_143 = arith.constant dense<0x7F80> : vector<2048xbf16>
    %reduce_min3A_144 = vector.multi_reduction <minimumf>, %min3A_142, %reduce_min3A_143 [1] : vector<2048x256xbf16> to vector<2048xbf16>
    %broadcast_in_dim3A_145 = vector.shape_cast %reduce_min3A_144 : vector<2048xbf16> to vector<2048x1xbf16>
    %eq3A_146 = vector.broadcast %broadcast_in_dim3A_145 : vector<2048x1xbf16> to vector<2048x256xbf16>
    %eq3A_147 = arith.cmpf oeq, %select_n3A_135, %eq3A_146 : vector<2048x256xbf16>
    %jit3A_148 = arith.constant 1.000000e+30 : f32
    %convert_element_type3A_149 = arith.truncf %jit3A_148 : f32 to bf16
    %broadcast_in_dim3A_150 = vector.broadcast %convert_element_type3A_149 : bf16 to vector<2048x256xbf16>
    %select_n3A_151 = arith.select %eq3A_147, %broadcast_in_dim3A_150, %select_n3A_135 : vector<2048x256xi1>, vector<2048x256xbf16>
    %eq3A_152 = vector.broadcast %broadcast_in_dim3A_145 : vector<2048x1xbf16> to vector<2048x256xbf16>
    %eq3A_153 = arith.cmpf oeq, %select_n3A_141, %eq3A_152 : vector<2048x256xbf16>
    %jit3A_154 = arith.constant 1.000000e+30 : f32
    %convert_element_type3A_155 = arith.truncf %jit3A_154 : f32 to bf16
    %broadcast_in_dim3A_156 = vector.broadcast %convert_element_type3A_155 : bf16 to vector<2048x256xbf16>
    %select_n3A_157 = arith.select %eq3A_153, %broadcast_in_dim3A_156, %select_n3A_141 : vector<2048x256xi1>, vector<2048x256xbf16>
    %min3A_158 = arith.minimumf %select_n3A_151, %select_n3A_157 : vector<2048x256xbf16>
    %reduce_min3A_159 = arith.constant dense<0x7F80> : vector<2048xbf16>
    %reduce_min3A_160 = vector.multi_reduction <minimumf>, %min3A_158, %reduce_min3A_159 [1] : vector<2048x256xbf16> to vector<2048xbf16>
    %broadcast_in_dim3A_161 = vector.shape_cast %reduce_min3A_160 : vector<2048xbf16> to vector<2048x1xbf16>
    %eq3A_162 = vector.broadcast %broadcast_in_dim3A_161 : vector<2048x1xbf16> to vector<2048x256xbf16>
    %eq3A_163 = arith.cmpf oeq, %select_n3A_151, %eq3A_162 : vector<2048x256xbf16>
    %jit3A_164 = arith.constant 1.000000e+30 : f32
    %convert_element_type3A_165 = arith.truncf %jit3A_164 : f32 to bf16
    %broadcast_in_dim3A_166 = vector.broadcast %convert_element_type3A_165 : bf16 to vector<2048x256xbf16>
    %select_n3A_167 = arith.select %eq3A_163, %broadcast_in_dim3A_166, %select_n3A_151 : vector<2048x256xi1>, vector<2048x256xbf16>
    %eq3A_168 = vector.broadcast %broadcast_in_dim3A_161 : vector<2048x1xbf16> to vector<2048x256xbf16>
    %eq3A_169 = arith.cmpf oeq, %select_n3A_157, %eq3A_168 : vector<2048x256xbf16>
    %jit3A_170 = arith.constant 1.000000e+30 : f32
    %convert_element_type3A_171 = arith.truncf %jit3A_170 : f32 to bf16
    %broadcast_in_dim3A_172 = vector.broadcast %convert_element_type3A_171 : bf16 to vector<2048x256xbf16>
    %select_n3A_173 = arith.select %eq3A_169, %broadcast_in_dim3A_172, %select_n3A_157 : vector<2048x256xi1>, vector<2048x256xbf16>
    %min3A_174 = arith.minimumf %select_n3A_167, %select_n3A_173 : vector<2048x256xbf16>
    %reduce_min3A_175 = arith.constant dense<0x7F80> : vector<2048xbf16>
    %reduce_min3A_176 = vector.multi_reduction <minimumf>, %min3A_174, %reduce_min3A_175 [1] : vector<2048x256xbf16> to vector<2048xbf16>
    %broadcast_in_dim3A_177 = vector.shape_cast %reduce_min3A_176 : vector<2048xbf16> to vector<2048x1xbf16>
    %eq3A_178 = vector.broadcast %broadcast_in_dim3A_177 : vector<2048x1xbf16> to vector<2048x256xbf16>
    %eq3A_179 = arith.cmpf oeq, %select_n3A_167, %eq3A_178 : vector<2048x256xbf16>
    %jit3A_180 = arith.constant 1.000000e+30 : f32
    %convert_element_type3A_181 = arith.truncf %jit3A_180 : f32 to bf16
    %broadcast_in_dim3A_182 = vector.broadcast %convert_element_type3A_181 : bf16 to vector<2048x256xbf16>
    %select_n3A_183 = arith.select %eq3A_179, %broadcast_in_dim3A_182, %select_n3A_167 : vector<2048x256xi1>, vector<2048x256xbf16>
    %eq3A_184 = vector.broadcast %broadcast_in_dim3A_177 : vector<2048x1xbf16> to vector<2048x256xbf16>
    %eq3A_185 = arith.cmpf oeq, %select_n3A_173, %eq3A_184 : vector<2048x256xbf16>
    %jit3A_186 = arith.constant 1.000000e+30 : f32
    %convert_element_type3A_187 = arith.truncf %jit3A_186 : f32 to bf16
    %broadcast_in_dim3A_188 = vector.broadcast %convert_element_type3A_187 : bf16 to vector<2048x256xbf16>
    %select_n3A_189 = arith.select %eq3A_185, %broadcast_in_dim3A_188, %select_n3A_173 : vector<2048x256xi1>, vector<2048x256xbf16>
    %min3A_190 = arith.minimumf %select_n3A_183, %select_n3A_189 : vector<2048x256xbf16>
    %reduce_min3A_191 = arith.constant dense<0x7F80> : vector<2048xbf16>
    %reduce_min3A_192 = vector.multi_reduction <minimumf>, %min3A_190, %reduce_min3A_191 [1] : vector<2048x256xbf16> to vector<2048xbf16>
    %broadcast_in_dim3A_193 = vector.shape_cast %reduce_min3A_192 : vector<2048xbf16> to vector<2048x1xbf16>
    %eq3A_194 = vector.broadcast %broadcast_in_dim3A_193 : vector<2048x1xbf16> to vector<2048x256xbf16>
    %eq3A_195 = arith.cmpf oeq, %select_n3A_183, %eq3A_194 : vector<2048x256xbf16>
    %jit3A_196 = arith.constant 1.000000e+30 : f32
    %convert_element_type3A_197 = arith.truncf %jit3A_196 : f32 to bf16
    %broadcast_in_dim3A_198 = vector.broadcast %convert_element_type3A_197 : bf16 to vector<2048x256xbf16>
    %select_n3A_199 = arith.select %eq3A_195, %broadcast_in_dim3A_198, %select_n3A_183 : vector<2048x256xi1>, vector<2048x256xbf16>
    %eq3A_200 = vector.broadcast %broadcast_in_dim3A_193 : vector<2048x1xbf16> to vector<2048x256xbf16>
    %eq3A_201 = arith.cmpf oeq, %select_n3A_189, %eq3A_200 : vector<2048x256xbf16>
    %jit3A_202 = arith.constant 1.000000e+30 : f32
    %convert_element_type3A_203 = arith.truncf %jit3A_202 : f32 to bf16
    %broadcast_in_dim3A_204 = vector.broadcast %convert_element_type3A_203 : bf16 to vector<2048x256xbf16>
    %select_n3A_205 = arith.select %eq3A_201, %broadcast_in_dim3A_204, %select_n3A_189 : vector<2048x256xi1>, vector<2048x256xbf16>
    %min3A_206 = arith.minimumf %select_n3A_199, %select_n3A_205 : vector<2048x256xbf16>
    %reduce_min3A_207 = arith.constant dense<0x7F80> : vector<2048xbf16>
    %reduce_min3A_208 = vector.multi_reduction <minimumf>, %min3A_206, %reduce_min3A_207 [1] : vector<2048x256xbf16> to vector<2048xbf16>
    %broadcast_in_dim3A_209 = vector.shape_cast %reduce_min3A_208 : vector<2048xbf16> to vector<2048x1xbf16>
    %eq3A_210 = vector.broadcast %broadcast_in_dim3A_209 : vector<2048x1xbf16> to vector<2048x256xbf16>
    %eq3A_211 = arith.cmpf oeq, %select_n3A_199, %eq3A_210 : vector<2048x256xbf16>
    %jit3A_212 = arith.constant 1.000000e+30 : f32
    %convert_element_type3A_213 = arith.truncf %jit3A_212 : f32 to bf16
    %broadcast_in_dim3A_214 = vector.broadcast %convert_element_type3A_213 : bf16 to vector<2048x256xbf16>
    %select_n3A_215 = arith.select %eq3A_211, %broadcast_in_dim3A_214, %select_n3A_199 : vector<2048x256xi1>, vector<2048x256xbf16>
    %eq3A_216 = vector.broadcast %broadcast_in_dim3A_209 : vector<2048x1xbf16> to vector<2048x256xbf16>
    %eq3A_217 = arith.cmpf oeq, %select_n3A_205, %eq3A_216 : vector<2048x256xbf16>
    %jit3A_218 = arith.constant 1.000000e+30 : f32
    %convert_element_type3A_219 = arith.truncf %jit3A_218 : f32 to bf16
    %broadcast_in_dim3A_220 = vector.broadcast %convert_element_type3A_219 : bf16 to vector<2048x256xbf16>
    %select_n3A_221 = arith.select %eq3A_217, %broadcast_in_dim3A_220, %select_n3A_205 : vector<2048x256xi1>, vector<2048x256xbf16>
    %min3A_222 = arith.minimumf %select_n3A_215, %select_n3A_221 : vector<2048x256xbf16>
    %reduce_min3A_223 = arith.constant dense<0x7F80> : vector<2048xbf16>
    %reduce_min3A_224 = vector.multi_reduction <minimumf>, %min3A_222, %reduce_min3A_223 [1] : vector<2048x256xbf16> to vector<2048xbf16>
    %broadcast_in_dim3A_225 = vector.shape_cast %reduce_min3A_224 : vector<2048xbf16> to vector<2048x1xbf16>
    %eq3A_226 = vector.broadcast %broadcast_in_dim3A_225 : vector<2048x1xbf16> to vector<2048x256xbf16>
    %eq3A_227 = arith.cmpf oeq, %select_n3A_215, %eq3A_226 : vector<2048x256xbf16>
    %jit3A_228 = arith.constant 1.000000e+30 : f32
    %convert_element_type3A_229 = arith.truncf %jit3A_228 : f32 to bf16
    %broadcast_in_dim3A_230 = vector.broadcast %convert_element_type3A_229 : bf16 to vector<2048x256xbf16>
    %select_n3A_231 = arith.select %eq3A_227, %broadcast_in_dim3A_230, %select_n3A_215 : vector<2048x256xi1>, vector<2048x256xbf16>
    %eq3A_232 = vector.broadcast %broadcast_in_dim3A_225 : vector<2048x1xbf16> to vector<2048x256xbf16>
    %eq3A_233 = arith.cmpf oeq, %select_n3A_221, %eq3A_232 : vector<2048x256xbf16>
    %jit3A_234 = arith.constant 1.000000e+30 : f32
    %convert_element_type3A_235 = arith.truncf %jit3A_234 : f32 to bf16
    %broadcast_in_dim3A_236 = vector.broadcast %convert_element_type3A_235 : bf16 to vector<2048x256xbf16>
    %select_n3A_237 = arith.select %eq3A_233, %broadcast_in_dim3A_236, %select_n3A_221 : vector<2048x256xi1>, vector<2048x256xbf16>
    %min3A_238 = arith.minimumf %select_n3A_231, %select_n3A_237 : vector<2048x256xbf16>
    %reduce_min3A_239 = arith.constant dense<0x7F80> : vector<2048xbf16>
    %reduce_min3A_240 = vector.multi_reduction <minimumf>, %min3A_238, %reduce_min3A_239 [1] : vector<2048x256xbf16> to vector<2048xbf16>
    %broadcast_in_dim3A_241 = vector.shape_cast %reduce_min3A_240 : vector<2048xbf16> to vector<2048x1xbf16>
    %eq3A_242 = vector.broadcast %broadcast_in_dim3A_241 : vector<2048x1xbf16> to vector<2048x256xbf16>
    %eq3A_243 = arith.cmpf oeq, %select_n3A_231, %eq3A_242 : vector<2048x256xbf16>
    %jit3A_244 = arith.constant 1.000000e+30 : f32
    %convert_element_type3A_245 = arith.truncf %jit3A_244 : f32 to bf16
    %broadcast_in_dim3A_246 = vector.broadcast %convert_element_type3A_245 : bf16 to vector<2048x256xbf16>
    %select_n3A_247 = arith.select %eq3A_243, %broadcast_in_dim3A_246, %select_n3A_231 : vector<2048x256xi1>, vector<2048x256xbf16>
    %eq3A_248 = vector.broadcast %broadcast_in_dim3A_241 : vector<2048x1xbf16> to vector<2048x256xbf16>
    %eq3A_249 = arith.cmpf oeq, %select_n3A_237, %eq3A_248 : vector<2048x256xbf16>
    %jit3A_250 = arith.constant 1.000000e+30 : f32
    %convert_element_type3A_251 = arith.truncf %jit3A_250 : f32 to bf16
    %broadcast_in_dim3A_252 = vector.broadcast %convert_element_type3A_251 : bf16 to vector<2048x256xbf16>
    %select_n3A_253 = arith.select %eq3A_249, %broadcast_in_dim3A_252, %select_n3A_237 : vector<2048x256xi1>, vector<2048x256xbf16>
    %min3A_254 = arith.minimumf %select_n3A_247, %select_n3A_253 : vector<2048x256xbf16>
    %reduce_min3A_255 = arith.constant dense<0x7F80> : vector<2048xbf16>
    %reduce_min3A_256 = vector.multi_reduction <minimumf>, %min3A_254, %reduce_min3A_255 [1] : vector<2048x256xbf16> to vector<2048xbf16>
    %broadcast_in_dim3A_257 = vector.shape_cast %reduce_min3A_256 : vector<2048xbf16> to vector<2048x1xbf16>
    %eq3A_258 = vector.broadcast %broadcast_in_dim3A_257 : vector<2048x1xbf16> to vector<2048x256xbf16>
    %eq3A_259 = arith.cmpf oeq, %select_n3A_247, %eq3A_258 : vector<2048x256xbf16>
    %jit3A_260 = arith.constant 1.000000e+30 : f32
    %convert_element_type3A_261 = arith.truncf %jit3A_260 : f32 to bf16
    %broadcast_in_dim3A_262 = vector.broadcast %convert_element_type3A_261 : bf16 to vector<2048x256xbf16>
    %select_n3A_263 = arith.select %eq3A_259, %broadcast_in_dim3A_262, %select_n3A_247 : vector<2048x256xi1>, vector<2048x256xbf16>
    %eq3A_264 = vector.broadcast %broadcast_in_dim3A_257 : vector<2048x1xbf16> to vector<2048x256xbf16>
    %eq3A_265 = arith.cmpf oeq, %select_n3A_253, %eq3A_264 : vector<2048x256xbf16>
    %jit3A_266 = arith.constant 1.000000e+30 : f32
    %convert_element_type3A_267 = arith.truncf %jit3A_266 : f32 to bf16
    %broadcast_in_dim3A_268 = vector.broadcast %convert_element_type3A_267 : bf16 to vector<2048x256xbf16>
    %select_n3A_269 = arith.select %eq3A_265, %broadcast_in_dim3A_268, %select_n3A_253 : vector<2048x256xi1>, vector<2048x256xbf16>
    %min3A_270 = arith.minimumf %select_n3A_263, %select_n3A_269 : vector<2048x256xbf16>
    %reduce_min3A_271 = arith.constant dense<0x7F80> : vector<2048xbf16>
    %reduce_min3A_272 = vector.multi_reduction <minimumf>, %min3A_270, %reduce_min3A_271 [1] : vector<2048x256xbf16> to vector<2048xbf16>
    %broadcast_in_dim3A_273 = vector.shape_cast %reduce_min3A_272 : vector<2048xbf16> to vector<2048x1xbf16>
    %eq3A_274 = vector.broadcast %broadcast_in_dim3A_273 : vector<2048x1xbf16> to vector<2048x256xbf16>
    %eq3A_275 = arith.cmpf oeq, %select_n3A_263, %eq3A_274 : vector<2048x256xbf16>
    %jit3A_276 = arith.constant 1.000000e+30 : f32
    %convert_element_type3A_277 = arith.truncf %jit3A_276 : f32 to bf16
    %broadcast_in_dim3A_278 = vector.broadcast %convert_element_type3A_277 : bf16 to vector<2048x256xbf16>
    %select_n3A_279 = arith.select %eq3A_275, %broadcast_in_dim3A_278, %select_n3A_263 : vector<2048x256xi1>, vector<2048x256xbf16>
    %eq3A_280 = vector.broadcast %broadcast_in_dim3A_273 : vector<2048x1xbf16> to vector<2048x256xbf16>
    %eq3A_281 = arith.cmpf oeq, %select_n3A_269, %eq3A_280 : vector<2048x256xbf16>
    %jit3A_282 = arith.constant 1.000000e+30 : f32
    %convert_element_type3A_283 = arith.truncf %jit3A_282 : f32 to bf16
    %broadcast_in_dim3A_284 = vector.broadcast %convert_element_type3A_283 : bf16 to vector<2048x256xbf16>
    %select_n3A_285 = arith.select %eq3A_281, %broadcast_in_dim3A_284, %select_n3A_269 : vector<2048x256xi1>, vector<2048x256xbf16>
    %min3A_286 = arith.minimumf %select_n3A_279, %select_n3A_285 : vector<2048x256xbf16>
    %reduce_min3A_287 = arith.constant dense<0x7F80> : vector<2048xbf16>
    %reduce_min3A_288 = vector.multi_reduction <minimumf>, %min3A_286, %reduce_min3A_287 [1] : vector<2048x256xbf16> to vector<2048xbf16>
    %broadcast_in_dim3A_289 = vector.shape_cast %reduce_min3A_288 : vector<2048xbf16> to vector<2048x1xbf16>
    %eq3A_290 = vector.broadcast %broadcast_in_dim3A_289 : vector<2048x1xbf16> to vector<2048x256xbf16>
    %eq3A_291 = arith.cmpf oeq, %select_n3A_279, %eq3A_290 : vector<2048x256xbf16>
    %jit3A_292 = arith.constant 1.000000e+30 : f32
    %convert_element_type3A_293 = arith.truncf %jit3A_292 : f32 to bf16
    %broadcast_in_dim3A_294 = vector.broadcast %convert_element_type3A_293 : bf16 to vector<2048x256xbf16>
    %select_n3A_295 = arith.select %eq3A_291, %broadcast_in_dim3A_294, %select_n3A_279 : vector<2048x256xi1>, vector<2048x256xbf16>
    %eq3A_296 = vector.broadcast %broadcast_in_dim3A_289 : vector<2048x1xbf16> to vector<2048x256xbf16>
    %eq3A_297 = arith.cmpf oeq, %select_n3A_285, %eq3A_296 : vector<2048x256xbf16>
    %jit3A_298 = arith.constant 1.000000e+30 : f32
    %convert_element_type3A_299 = arith.truncf %jit3A_298 : f32 to bf16
    %broadcast_in_dim3A_300 = vector.broadcast %convert_element_type3A_299 : bf16 to vector<2048x256xbf16>
    %select_n3A_301 = arith.select %eq3A_297, %broadcast_in_dim3A_300, %select_n3A_285 : vector<2048x256xi1>, vector<2048x256xbf16>
    %min3A_302 = arith.minimumf %select_n3A_295, %select_n3A_301 : vector<2048x256xbf16>
    %reduce_min3A_303 = arith.constant dense<0x7F80> : vector<2048xbf16>
    %reduce_min3A_304 = vector.multi_reduction <minimumf>, %min3A_302, %reduce_min3A_303 [1] : vector<2048x256xbf16> to vector<2048xbf16>
    %broadcast_in_dim3A_305 = vector.shape_cast %reduce_min3A_304 : vector<2048xbf16> to vector<2048x1xbf16>
    %eq3A_306 = vector.broadcast %broadcast_in_dim3A_305 : vector<2048x1xbf16> to vector<2048x256xbf16>
    %eq3A_307 = arith.cmpf oeq, %select_n3A_295, %eq3A_306 : vector<2048x256xbf16>
    %jit3A_308 = arith.constant 1.000000e+30 : f32
    %convert_element_type3A_309 = arith.truncf %jit3A_308 : f32 to bf16
    %broadcast_in_dim3A_310 = vector.broadcast %convert_element_type3A_309 : bf16 to vector<2048x256xbf16>
    %select_n3A_311 = arith.select %eq3A_307, %broadcast_in_dim3A_310, %select_n3A_295 : vector<2048x256xi1>, vector<2048x256xbf16>
    %eq3A_312 = vector.broadcast %broadcast_in_dim3A_305 : vector<2048x1xbf16> to vector<2048x256xbf16>
    %eq3A_313 = arith.cmpf oeq, %select_n3A_301, %eq3A_312 : vector<2048x256xbf16>
    %jit3A_314 = arith.constant 1.000000e+30 : f32
    %convert_element_type3A_315 = arith.truncf %jit3A_314 : f32 to bf16
    %broadcast_in_dim3A_316 = vector.broadcast %convert_element_type3A_315 : bf16 to vector<2048x256xbf16>
    %select_n3A_317 = arith.select %eq3A_313, %broadcast_in_dim3A_316, %select_n3A_301 : vector<2048x256xi1>, vector<2048x256xbf16>
    %min3A_318 = arith.minimumf %select_n3A_311, %select_n3A_317 : vector<2048x256xbf16>
    %reduce_min3A_319 = arith.constant dense<0x7F80> : vector<2048xbf16>
    %reduce_min3A_320 = vector.multi_reduction <minimumf>, %min3A_318, %reduce_min3A_319 [1] : vector<2048x256xbf16> to vector<2048xbf16>
    %broadcast_in_dim3A_321 = vector.shape_cast %reduce_min3A_320 : vector<2048xbf16> to vector<2048x1xbf16>
    %eq3A_322 = vector.broadcast %broadcast_in_dim3A_321 : vector<2048x1xbf16> to vector<2048x256xbf16>
    %eq3A_323 = arith.cmpf oeq, %select_n3A_311, %eq3A_322 : vector<2048x256xbf16>
    %jit3A_324 = arith.constant 1.000000e+30 : f32
    %convert_element_type3A_325 = arith.truncf %jit3A_324 : f32 to bf16
    %broadcast_in_dim3A_326 = vector.broadcast %convert_element_type3A_325 : bf16 to vector<2048x256xbf16>
    %select_n3A_327 = arith.select %eq3A_323, %broadcast_in_dim3A_326, %select_n3A_311 : vector<2048x256xi1>, vector<2048x256xbf16>
    %eq3A_328 = vector.broadcast %broadcast_in_dim3A_321 : vector<2048x1xbf16> to vector<2048x256xbf16>
    %eq3A_329 = arith.cmpf oeq, %select_n3A_317, %eq3A_328 : vector<2048x256xbf16>
    %jit3A_330 = arith.constant 1.000000e+30 : f32
    %convert_element_type3A_331 = arith.truncf %jit3A_330 : f32 to bf16
    %broadcast_in_dim3A_332 = vector.broadcast %convert_element_type3A_331 : bf16 to vector<2048x256xbf16>
    %select_n3A_333 = arith.select %eq3A_329, %broadcast_in_dim3A_332, %select_n3A_317 : vector<2048x256xi1>, vector<2048x256xbf16>
    %min3A_334 = arith.minimumf %select_n3A_327, %select_n3A_333 : vector<2048x256xbf16>
    %reduce_min3A_335 = arith.constant dense<0x7F80> : vector<2048xbf16>
    %reduce_min3A_336 = vector.multi_reduction <minimumf>, %min3A_334, %reduce_min3A_335 [1] : vector<2048x256xbf16> to vector<2048xbf16>
    %broadcast_in_dim3A_337 = vector.shape_cast %reduce_min3A_336 : vector<2048xbf16> to vector<2048x1xbf16>
    %eq3A_338 = vector.broadcast %broadcast_in_dim3A_337 : vector<2048x1xbf16> to vector<2048x256xbf16>
    %eq3A_339 = arith.cmpf oeq, %select_n3A_327, %eq3A_338 : vector<2048x256xbf16>
    %jit3A_340 = arith.constant 1.000000e+30 : f32
    %convert_element_type3A_341 = arith.truncf %jit3A_340 : f32 to bf16
    %broadcast_in_dim3A_342 = vector.broadcast %convert_element_type3A_341 : bf16 to vector<2048x256xbf16>
    %select_n3A_343 = arith.select %eq3A_339, %broadcast_in_dim3A_342, %select_n3A_327 : vector<2048x256xi1>, vector<2048x256xbf16>
    %eq3A_344 = vector.broadcast %broadcast_in_dim3A_337 : vector<2048x1xbf16> to vector<2048x256xbf16>
    %eq3A_345 = arith.cmpf oeq, %select_n3A_333, %eq3A_344 : vector<2048x256xbf16>
    %jit3A_346 = arith.constant 1.000000e+30 : f32
    %convert_element_type3A_347 = arith.truncf %jit3A_346 : f32 to bf16
    %broadcast_in_dim3A_348 = vector.broadcast %convert_element_type3A_347 : bf16 to vector<2048x256xbf16>
    %select_n3A_349 = arith.select %eq3A_345, %broadcast_in_dim3A_348, %select_n3A_333 : vector<2048x256xi1>, vector<2048x256xbf16>
    %min3A_350 = arith.minimumf %select_n3A_343, %select_n3A_349 : vector<2048x256xbf16>
    %reduce_min3A_351 = arith.constant dense<0x7F80> : vector<2048xbf16>
    %reduce_min3A_352 = vector.multi_reduction <minimumf>, %min3A_350, %reduce_min3A_351 [1] : vector<2048x256xbf16> to vector<2048xbf16>
    %broadcast_in_dim3A_353 = vector.shape_cast %reduce_min3A_352 : vector<2048xbf16> to vector<2048x1xbf16>
    %eq3A_354 = vector.broadcast %broadcast_in_dim3A_353 : vector<2048x1xbf16> to vector<2048x256xbf16>
    %eq3A_355 = arith.cmpf oeq, %select_n3A_343, %eq3A_354 : vector<2048x256xbf16>
    %jit3A_356 = arith.constant 1.000000e+30 : f32
    %convert_element_type3A_357 = arith.truncf %jit3A_356 : f32 to bf16
    %broadcast_in_dim3A_358 = vector.broadcast %convert_element_type3A_357 : bf16 to vector<2048x256xbf16>
    %select_n3A_359 = arith.select %eq3A_355, %broadcast_in_dim3A_358, %select_n3A_343 : vector<2048x256xi1>, vector<2048x256xbf16>
    %eq3A_360 = vector.broadcast %broadcast_in_dim3A_353 : vector<2048x1xbf16> to vector<2048x256xbf16>
    %eq3A_361 = arith.cmpf oeq, %select_n3A_349, %eq3A_360 : vector<2048x256xbf16>
    %jit3A_362 = arith.constant 1.000000e+30 : f32
    %convert_element_type3A_363 = arith.truncf %jit3A_362 : f32 to bf16
    %broadcast_in_dim3A_364 = vector.broadcast %convert_element_type3A_363 : bf16 to vector<2048x256xbf16>
    %select_n3A_365 = arith.select %eq3A_361, %broadcast_in_dim3A_364, %select_n3A_349 : vector<2048x256xi1>, vector<2048x256xbf16>
    %min3A_366 = arith.minimumf %select_n3A_359, %select_n3A_365 : vector<2048x256xbf16>
    %reduce_min3A_367 = arith.constant dense<0x7F80> : vector<2048xbf16>
    %reduce_min3A_368 = vector.multi_reduction <minimumf>, %min3A_366, %reduce_min3A_367 [1] : vector<2048x256xbf16> to vector<2048xbf16>
    %broadcast_in_dim3A_369 = vector.shape_cast %reduce_min3A_368 : vector<2048xbf16> to vector<2048x1xbf16>
    %le3A = vector.broadcast %broadcast_in_dim3A_369 : vector<2048x1xbf16> to vector<2048x4096xbf16>
    %le3A_370 = arith.cmpf ole, %add3A_63, %le3A : vector<2048x4096xbf16>
    %convert_element_type3A_371 = arith.truncf %select_n3A_31 : vector<1x4096xf32> to vector<1x4096xbf16>
    %mul3A_372 = arith.mulf %select_n3A_31, %select_n3A_31 : vector<1x4096xf32>
    %convert_element_type3A_373 = arith.truncf %mul3A_372 : vector<1x4096xf32> to vector<1x4096xbf16>
    %broadcast_in_dim3A_374 = arith.constant 1.000000e+00 : bf16
    %broadcast_in_dim3A_375 = vector.broadcast %broadcast_in_dim3A_374 : bf16 to vector<1x4096xbf16>
    %broadcast_in_dim3A_376 = arith.constant 0.000000e+00 : bf16
    %broadcast_in_dim3A_377 = vector.broadcast %broadcast_in_dim3A_376 : bf16 to vector<1x4096xbf16>
    %broadcast_in_dim3A_378 = vector.shape_cast %broadcast_in_dim3A_375 : vector<1x4096xbf16> to vector<1x4096xbf16>
    %broadcast_in_dim3A_379 = vector.broadcast %broadcast_in_dim3A_378 : vector<1x4096xbf16> to vector<2048x4096xbf16>
    %broadcast_in_dim3A_380 = vector.shape_cast %broadcast_in_dim3A_377 : vector<1x4096xbf16> to vector<1x4096xbf16>
    %broadcast_in_dim3A_381 = vector.broadcast %broadcast_in_dim3A_380 : vector<1x4096xbf16> to vector<2048x4096xbf16>
    %select_n3A_382 = arith.select %le3A_370, %broadcast_in_dim3A_379, %broadcast_in_dim3A_381 : vector<2048x4096xi1>, vector<2048x4096xbf16>
    %convert_element_type3A_383 = arith.extf %select_n3A_382 : vector<2048x4096xbf16> to vector<2048x4096xf32>
    %reduce_sum3A = arith.constant dense<0.000000e+00> : vector<2048xf32>
    %reduce_sum3A_384 = vector.multi_reduction <add>, %convert_element_type3A_383, %reduce_sum3A [1] : vector<2048x4096xf32> to vector<2048xf32>
    %broadcast_in_dim3A_385 = vector.shape_cast %reduce_sum3A_384 : vector<2048xf32> to vector<2048x1xf32>
    %convert_element_type3A_386 = arith.truncf %broadcast_in_dim3A_385 : vector<2048x1xf32> to vector<2048x1xbf16>
    %convert_element_type3A_387 = arith.extf %convert_element_type3A_386 : vector<2048x1xbf16> to vector<2048x1xf32>
    %broadcast_in_dim3A_388 = vector.shape_cast %convert_element_type3A_371 : vector<1x4096xbf16> to vector<1x4096xbf16>
    %broadcast_in_dim3A_389 = vector.broadcast %broadcast_in_dim3A_388 : vector<1x4096xbf16> to vector<2048x4096xbf16>
    %broadcast_in_dim3A_390 = vector.shape_cast %broadcast_in_dim3A_377 : vector<1x4096xbf16> to vector<1x4096xbf16>
    %broadcast_in_dim3A_391 = vector.broadcast %broadcast_in_dim3A_390 : vector<1x4096xbf16> to vector<2048x4096xbf16>
    %select_n3A_392 = arith.select %le3A_370, %broadcast_in_dim3A_389, %broadcast_in_dim3A_391 : vector<2048x4096xi1>, vector<2048x4096xbf16>
    %convert_element_type3A_393 = arith.extf %select_n3A_392 : vector<2048x4096xbf16> to vector<2048x4096xf32>
    %reduce_sum3A_394 = arith.constant dense<0.000000e+00> : vector<2048xf32>
    %reduce_sum3A_395 = vector.multi_reduction <add>, %convert_element_type3A_393, %reduce_sum3A_394 [1] : vector<2048x4096xf32> to vector<2048xf32>
    %broadcast_in_dim3A_396 = vector.shape_cast %reduce_sum3A_395 : vector<2048xf32> to vector<2048x1xf32>
    %convert_element_type3A_397 = arith.truncf %broadcast_in_dim3A_396 : vector<2048x1xf32> to vector<2048x1xbf16>
    %convert_element_type3A_398 = arith.extf %convert_element_type3A_397 : vector<2048x1xbf16> to vector<2048x1xf32>
    %broadcast_in_dim3A_399 = vector.shape_cast %convert_element_type3A_373 : vector<1x4096xbf16> to vector<1x4096xbf16>
    %broadcast_in_dim3A_400 = vector.broadcast %broadcast_in_dim3A_399 : vector<1x4096xbf16> to vector<2048x4096xbf16>
    %broadcast_in_dim3A_401 = vector.shape_cast %broadcast_in_dim3A_377 : vector<1x4096xbf16> to vector<1x4096xbf16>
    %broadcast_in_dim3A_402 = vector.broadcast %broadcast_in_dim3A_401 : vector<1x4096xbf16> to vector<2048x4096xbf16>
    %select_n3A_403 = arith.select %le3A_370, %broadcast_in_dim3A_400, %broadcast_in_dim3A_402 : vector<2048x4096xi1>, vector<2048x4096xbf16>
    %convert_element_type3A_404 = arith.extf %select_n3A_403 : vector<2048x4096xbf16> to vector<2048x4096xf32>
    %reduce_sum3A_405 = arith.constant dense<0.000000e+00> : vector<2048xf32>
    %reduce_sum3A_406 = vector.multi_reduction <add>, %convert_element_type3A_404, %reduce_sum3A_405 [1] : vector<2048x4096xf32> to vector<2048xf32>
    %broadcast_in_dim3A_407 = vector.shape_cast %reduce_sum3A_406 : vector<2048xf32> to vector<2048x1xf32>
    %convert_element_type3A_408 = arith.truncf %broadcast_in_dim3A_407 : vector<2048x1xf32> to vector<2048x1xbf16>
    %convert_element_type3A_409 = arith.extf %convert_element_type3A_408 : vector<2048x1xbf16> to vector<2048x1xf32>
    %div3A = arith.constant 1.600000e+01 : f32
    %div3A_410 = vector.broadcast %div3A : f32 to vector<2048x1xf32>
    %div3A_411 = arith.divf %div3A_410, %convert_element_type3A_387 : vector<2048x1xf32>
    %mul3A_412 = arith.constant 1.600000e+01 : f32
    %mul3A_413 = vector.broadcast %mul3A_412 : f32 to vector<2048x1xf32>
    %mul3A_414 = arith.mulf %mul3A_413, %select_n3A : vector<2048x1xf32>
    %mul3A_415 = arith.mulf %mul3A_414, %select_n3A : vector<2048x1xf32>
    %mul3A_416 = arith.constant 2.000000e+00 : f32
    %mul3A_417 = vector.broadcast %mul3A_416 : f32 to vector<2048x1xf32>
    %mul3A_418 = arith.mulf %mul3A_417, %select_n3A : vector<2048x1xf32>
    %mul3A_419 = arith.mulf %div3A_411, %convert_element_type3A_398 : vector<2048x1xf32>
    %mul3A_420 = arith.mulf %mul3A_418, %mul3A_419 : vector<2048x1xf32>
    %sub3A_421 = arith.subf %mul3A_415, %mul3A_420 : vector<2048x1xf32>
    %mul3A_422 = arith.mulf %div3A_411, %convert_element_type3A_409 : vector<2048x1xf32>
    %add3A_423 = arith.addf %sub3A_421, %mul3A_422 : vector<2048x1xf32>
    %reduce_sum3A_424 = vector.shape_cast %add3A_423 : vector<2048x1xf32> to vector<1x2048x1xf32>
    %reduce_sum3A_425 = arith.constant dense<0.000000e+00> : vector<1xf32>
    %reduce_sum3A_426 = vector.multi_reduction <add>, %reduce_sum3A_424, %reduce_sum3A_425 [1, 2] : vector<1x2048x1xf32> to vector<1xf32>
    %reduce_sum3A_427 = vector.shape_cast %reduce_sum3A_426 : vector<1xf32> to vector<1x1x1xf32>
    %reduce_sum3A_428 = vector.extract %reduce_sum3A_427[0, 0, 0] : f32 from vector<1x1x1xf32>
    %sub3A_429 = arith.constant 5.000000e-01 : f32
    %sub3A_430 = vector.broadcast %sub3A_429 : f32 to vector<2048x1xf32>
    %sub3A_431 = arith.subf %select_n3A, %sub3A_430 : vector<2048x1xf32>
    %get3A_432 = arith.constant 0 : index
    %get3A_433 = arith.constant 0 : index
    %get3A_434 = memref.load %arg10[%get3A_432, %get3A_433] : memref<1x1xf32, #tpu.memory_space<smem>>
    %add3A_435 = arith.addf %get3A_434, %reduce_sum3A_428 : f32
    %swap3A = arith.constant 0 : index
    %swap3A_436 = arith.constant 0 : index
    %swap3A_437 = memref.load %arg10[%swap3A, %swap3A_436] : memref<1x1xf32, #tpu.memory_space<smem>>
    memref.store %add3A_435, %arg10[%swap3A, %swap3A_436] : memref<1x1xf32, #tpu.memory_space<smem>>
    %get3A_438 = arith.constant 0 : index
    %get3A_439 = arith.constant 0 : index
    %get3A_440 = memref.load %arg11[%get3A_438, %get3A_439] : memref<1x1xf32, #tpu.memory_space<smem>>
    %reduce_sum3A_441 = vector.shape_cast %sub3A_431 : vector<2048x1xf32> to vector<1x2048x1xf32>
    %reduce_sum3A_442 = arith.constant dense<0.000000e+00> : vector<1xf32>
    %reduce_sum3A_443 = vector.multi_reduction <add>, %reduce_sum3A_441, %reduce_sum3A_442 [1, 2] : vector<1x2048x1xf32> to vector<1xf32>
    %reduce_sum3A_444 = vector.shape_cast %reduce_sum3A_443 : vector<1xf32> to vector<1x1x1xf32>
    %reduce_sum3A_445 = vector.extract %reduce_sum3A_444[0, 0, 0] : f32 from vector<1x1x1xf32>
    %add3A_446 = arith.addf %get3A_440, %reduce_sum3A_445 : f32
    %swap3A_447 = arith.constant 0 : index
    %swap3A_448 = arith.constant 0 : index
    %swap3A_449 = memref.load %arg11[%swap3A_447, %swap3A_448] : memref<1x1xf32, #tpu.memory_space<smem>>
    memref.store %add3A_446, %arg11[%swap3A_447, %swap3A_448] : memref<1x1xf32, #tpu.memory_space<smem>>
    %get3A_450 = arith.constant 0 : index
    %get3A_451 = arith.constant 0 : index
    %get3A_452 = memref.load %arg12[%get3A_450, %get3A_451] : memref<1x1xf32, #tpu.memory_space<smem>>
    %mul3A_453 = arith.mulf %sub3A_431, %sub3A_431 : vector<2048x1xf32>
    %reduce_sum3A_454 = vector.shape_cast %mul3A_453 : vector<2048x1xf32> to vector<1x2048x1xf32>
    %reduce_sum3A_455 = arith.constant dense<0.000000e+00> : vector<1xf32>
    %reduce_sum3A_456 = vector.multi_reduction <add>, %reduce_sum3A_454, %reduce_sum3A_455 [1, 2] : vector<1x2048x1xf32> to vector<1xf32>
    %reduce_sum3A_457 = vector.shape_cast %reduce_sum3A_456 : vector<1xf32> to vector<1x1x1xf32>
    %reduce_sum3A_458 = vector.extract %reduce_sum3A_457[0, 0, 0] : f32 from vector<1x1x1xf32>
    %add3A_459 = arith.addf %get3A_452, %reduce_sum3A_458 : f32
    %swap3A_460 = arith.constant 0 : index
    %swap3A_461 = arith.constant 0 : index
    %swap3A_462 = memref.load %arg12[%swap3A_460, %swap3A_461] : memref<1x1xf32, #tpu.memory_space<smem>>
    memref.store %add3A_459, %arg12[%swap3A_460, %swap3A_461] : memref<1x1xf32, #tpu.memory_space<smem>>
    %eq3A_463 = arith.constant 3 : i32
    %eq3A_464 = arith.cmpi eq, %arg0, %eq3A_463 : i32
    %eq3A_465 = arith.constant 1 : i32
    %eq3A_466 = arith.cmpi eq, %arg1, %eq3A_465 : i32
    %and3A_467 = arith.andi %eq3A_464, %eq3A_466 : i1
    %convert_element_type3A_468 = arith.extui %and3A_467 : i1 to i32
    %cond3A_469 = arith.constant 0 : i32
    %cond3A_470 = arith.cmpi ne, %convert_element_type3A_468, %cond3A_469 : i32
    scf.if %cond3A_470 {
      %get3A_471 = arith.constant 0 : index
      %get3A_472 = arith.constant 0 : index
      %get3A_473 = memref.load %arg11[%get3A_471, %get3A_472] : memref<1x1xf32, #tpu.memory_space<smem>>
      %get3A_474 = arith.constant 0 : index
      %get3A_475 = arith.constant 0 : index
      %get3A_476 = memref.load %arg12[%get3A_474, %get3A_475] : memref<1x1xf32, #tpu.memory_space<smem>>
      %mul3A_477 = arith.mulf %get3A_473, %get3A_473 : f32
      %div3A_478 = arith.constant 1.638400e+04 : f32
      %div3A_479 = arith.divf %mul3A_477, %div3A_478 : f32
      %sub3A_480 = arith.subf %get3A_476, %div3A_479 : f32
      %div3A_481 = arith.constant 1.638300e+04 : f32
      %div3A_482 = arith.divf %sub3A_480, %div3A_481 : f32
      %sub3A_483 = arith.constant 8.000000e-02 : f32
      %sub3A_484 = arith.subf %sub3A_483, %div3A_482 : f32
      %add3A_485 = arith.constant 9.99999997E-7 : f32
      %add3A_486 = arith.addf %sub3A_484, %add3A_485 : f32
      %max3A_487 = arith.constant 0.000000e+00 : f32
      %max3A_488 = arith.maximumf %add3A_486, %max3A_487 : f32
      %swap3A_489 = arith.constant 0 : index
      %swap3A_490 = arith.constant 0 : index
      %swap3A_491 = memref.load %arg12[%swap3A_489, %swap3A_490] : memref<1x1xf32, #tpu.memory_space<smem>>
      memref.store %max3A_488, %arg12[%swap3A_489, %swap3A_490] : memref<1x1xf32, #tpu.memory_space<smem>>
      %get3A_492 = arith.constant 0 : index
      %get3A_493 = arith.constant 0 : index
      %get3A_494 = memref.load %arg10[%get3A_492, %get3A_493] : memref<1x1xf32, #tpu.memory_space<smem>>
      %div3A_495 = arith.constant 2.621440e+05 : f32
      %div3A_496 = arith.divf %get3A_494, %div3A_495 : f32
      %swap3A_497 = arith.constant 0 : index
      %swap3A_498 = arith.constant 0 : index
      %swap3A_499 = memref.load %arg10[%swap3A_497, %swap3A_498] : memref<1x1xf32, #tpu.memory_space<smem>>
      memref.store %div3A_496, %arg10[%swap3A_497, %swap3A_498] : memref<1x1xf32, #tpu.memory_space<smem>>
    } else {
    }
    return
  }
  func.func @transform_0(%arg0: i32, %arg1: i32) -> (i32, i32, i32) {
    %c0_i32 = arith.constant 0 : i32
    %c0_i32_0 = arith.constant 0 : i32
    return %arg0, %arg1, %c0_i32 : i32, i32, i32
  }
  func.func @transform_1(%arg0: i32, %arg1: i32) -> (i32, i32, i32) {
    %c0_i32 = arith.constant 0 : i32
    %c0_i32_0 = arith.constant 0 : i32
    return %arg0, %arg1, %c0_i32 : i32, i32, i32
  }
  func.func @transform_2(%arg0: i32, %arg1: i32) -> (i32, i32, i32) {
    %c0_i32 = arith.constant 0 : i32
    %c0_i32_0 = arith.constant 0 : i32
    return %arg0, %arg1, %c0_i32 : i32, i32, i32
  }
  func.func @transform_3(%arg0: i32, %arg1: i32) -> (i32, i32, i32) {
    %c0_i32 = arith.constant 0 : i32
    %c0_i32_0 = arith.constant 0 : i32
    return %arg0, %arg1, %c0_i32 : i32, i32, i32
  }
  func.func @transform_4(%arg0: i32, %arg1: i32) -> (i32, i32, i32) {
    %c0_i32 = arith.constant 0 : i32
    %c0_i32_0 = arith.constant 0 : i32
    %c0_i32_1 = arith.constant 0 : i32
    return %arg0, %c0_i32, %c0_i32_0 : i32, i32, i32
  }
  func.func @transform_5(%arg0: i32, %arg1: i32) -> (i32, i32, i32) {
    %c0_i32 = arith.constant 0 : i32
    %c0_i32_0 = arith.constant 0 : i32
    %c0_i32_1 = arith.constant 0 : i32
    return %arg0, %c0_i32, %c0_i32_0 : i32, i32, i32
  }
  func.func @transform_6(%arg0: i32, %arg1: i32) -> (i32, i32, i32) {
    %c0_i32 = arith.constant 0 : i32
    %c0_i32_0 = arith.constant 0 : i32
    %c0_i32_1 = arith.constant 0 : i32
    return %arg0, %c0_i32, %c0_i32_0 : i32, i32, i32
  }
  func.func @transform_7(%arg0: i32, %arg1: i32) -> (i32, i32, i32) {
    %c0_i32 = arith.constant 0 : i32
    %c0_i32_0 = arith.constant 0 : i32
    %c0_i32_1 = arith.constant 0 : i32
    return %arg0, %c0_i32, %c0_i32_0 : i32, i32, i32
  }
  func.func @transform_8(%arg0: i32, %arg1: i32) -> (i32, i32) {
    %c0_i32 = arith.constant 0 : i32
    %c0_i32_0 = arith.constant 0 : i32
    %c0_i32_1 = arith.constant 0 : i32
    return %c0_i32, %c0_i32_0 : i32, i32
  }
  func.func @transform_9(%arg0: i32, %arg1: i32) -> (i32, i32) {
    %c0_i32 = arith.constant 0 : i32
    %c0_i32_0 = arith.constant 0 : i32
    %c0_i32_1 = arith.constant 0 : i32
    return %c0_i32, %c0_i32_0 : i32, i32
  }
  func.func @transform_10(%arg0: i32, %arg1: i32) -> (i32, i32) {
    %c0_i32 = arith.constant 0 : i32
    %c0_i32_0 = arith.constant 0 : i32
    %c0_i32_1 = arith.constant 0 : i32
    return %c0_i32, %c0_i32_0 : i32, i32
  }
}

</mosaic_0001>

<sc_bundles>
// kernel: _run.4.cloned.1.call-start
scs
__scs_entry_jumppad:
0x0: {  	(pc) =	sbr.rel $0x88, $3  }
0x1: {  	(tag) =	ssettag $0x0;
	lr =	simm.s32 $0x1  }
0x2: {  	[smem:$0x3F9F] =	sst lr;
	_ =	strace $0xD0000000  }
0x3: {  	_ = 	snop  }
0x4: {  	_ = 	snop  }
0x5: {  	_ = 	snop  }
0x6: {  	_ = 	snop  }
0x7: {  	_ = 	snop  }
__scs_overlays_trampoline_lowered:
0x8: {  	[smem:$0x3FAE] =	sst s0  }
0x9: {  	[smem:$0x3FAF] =	sst s1  }
0xa: {  	[smem:$0x3FB0] =	sst s2  }
0xb: {  	[smem:$0x3FB1] =	sst s3  }
0xc: {  	[smem:$0x3FB2] =	sst s4  }
0xd: {  	[smem:$0x3FB3] =	sst s5  }
0xe: {  	[smem:$0x3FB4] =	sst s6  }
0xf: {  	[smem:$0x3FB5] =	sst s7  }
0x10: {  	[smem:$0x3FB6] =	sst s8  }
0x11: {  	[smem:$0x3FB7] =	sst s9;
	s0 =	simm.s32 @!p0 $0x0  }
0x12: {  	s1 =	sld [smem:$0x3F9D];
	s0 =	simm.s32 @p0 $0x1  }
0x13: {  	[smem:$0x3FB8] =	sst s0;
	s0 =	simm.s32 @!p1 $0x0  }
0x14: {  	s2 =	sld [smem:$0x3F9C];
	s0 =	simm.s32 @p1 $0x1  }
0x15: {  	[smem:$0x3FB9] =	sst s0;
	s0 =	simm.s32 @!p2 $0x0  }
0x16: {  	s3 =	sld [smem:$0x3FDB];
	s0 =	simm.s32 @p2 $0x1  }
0x17: {  	s4 =	simm.s32 $0x1BF5;
	[smem:$0x3FBB] =	sst s0  }
0x18: {  	s0 =	sld [smem:$0x3F9E];
	_ =	swait.ge [sflag:s4], $0x0  }
0x19: {  	s7 =	sld [smem:$0x3F9F]  }
0x1a: {  	s8 =	sadd.s32 $0xFFFFE003, lr  }
0x1b: {  	s9 =	sadd.s32 $0xFFFFFEF7, lr;
	s5 =	simm.s32 $0xFFFFFFFF;
	p2 =	slt.u32 s8, $0xFFFFF086  }
0x1c: {  	p1 =	slt.u32 s9, $0xF7A;
	s5 =	simm.s32 @!p2 $0x0  }
0x1d: {  	s5 =	simm.s32 @p1 $0x1;
	p0 =	seq.s32 s7, s2  }
0x1e: {  	s7 =	smul.u32 @!p0 $0xF7A, s2;
	p2 =	seq.s32 @!p0 s5, $0x0  }
0x1f: {  	s9 =	smul.u32 $0xF7A, s1;
	s8 =	simm.s32 @!p0 $0x1BF5;
	p2 =	por !p2, p0  }
0x20: {  	[sflag:s8] =	ssyncset.s32 @!p0 $0xFFFFF086;
	s6 =	sadd.s32 @!p0 s3, s7;
	s7 =	simm.s32 @!p0 $0x108  }
0x21: {  	s3 =	sadd.s32 s3, s9;
	s6 =	sadd.s32 @!p0 $0x88, s6;
	s7 =	simm.s32 @p2 $0x1082  }
0x22: {  	[simem:s7], [sflag:s8] =	dma.local @!p0 [hbm:s6], $0xF7A  }
0x23: {  	s9 =	sor.u32 $0xD0000000, s2;
	s6 =	simm.s32 $0x108;
	_ =	swait.ge @!p0 [sflag:s8], $0x0  }
0x24: {  	s3 =	sadd.s32 $0x88, s3;
	s6 =	simm.s32 @!p1 $0x1082;
	[sflag:s4] =	ssyncset.s32 $0xFFFFF086  }
0x25: {  	[simem:s6], [sflag:s4] =	dma.local [hbm:s3], $0xF7A  }
0x26: {  	[smem:$0x3F9F] =	sst s1;
	(tag) =	ssettag s2;
	_ =	strace s9  }
0x27: {  	s1 =	sld [smem:$0x3FAF]  }
0x28: {  	s2 =	sld [smem:$0x3FB0]  }
0x29: {  	s4 =	sld [smem:$0x3FB2]  }
0x2a: {  	p0 =	seq.s32 s5, $0x0;
	s5 =	sld [smem:$0x3FB3]  }
0x2b: {  	s6 =	sld [smem:$0x3FB4]  }
0x2c: {  	s7 =	sld [smem:$0x3FB5]  }
0x2d: {  	s3 =	simm.s32 $0x108;
	s8 =	sld [smem:$0x3FB6]  }
0x2e: {  	s3 =	simm.s32 @!p0 $0x1082;
	s9 =	sld [smem:$0x3FB7]  }
0x2f: {  	lr =	sadd.s32 s0, s3;
	s0 =	sld [smem:$0x3FAE]  }
0x30: {  	s3 =	sld [smem:$0x3FB1]  }
0x31: {  	[smem:$0x3FBA] =	sst s10  }
0x32: {  	s10 =	sld [smem:$0x3FB8];
	_ =	sdelay $0x3  }
0x33: {  	p0 =	seq.s32 s10, $0x1;
	s10 =	sld [smem:$0x3FBA];
	_ =	sdelay $0x3  }
0x34: {  	[smem:$0x3FBA] =	sst s10  }
0x35: {  	s10 =	sld [smem:$0x3FB9];
	_ =	sdelay $0x3  }
0x36: {  	p1 =	seq.s32 s10, $0x1;
	s10 =	sld [smem:$0x3FBA];
	_ =	sdelay $0x3  }
0x37: {  	[smem:$0x3FBA] =	sst s10  }
0x38: {  	s10 =	sld [smem:$0x3FBB]  }
0x39: {  	_ = 	snop;
	(pc) =	sbr.ind lr, $3  }
0x3a: {  	_ = 	snop  }
0x3b: {  	_ = 	snop  }
0x3c: {  	p2 =	seq.s32 s10, $0x1;
	s10 =	sld [smem:$0x3FBA]  }
0x3d: {  	_ =	shalt  }
0x3e: {  	_ =	shalt  }
0x3f: {  	_ =	shalt  }
0x40: {  	_ =	shalt  }
0x41: {  	_ =	shalt  }
0x42: {  	_ =	shalt  }
0x43: {  	_ =	shalt  }
0x44: {  	_ =	shalt  }
0x45: {  	_ =	shalt  }
0x46: {  	_ =	shalt  }
0x47: {  	_ =	shalt  }
0x48: {  	_ =	shalt  }
0x49: {  	_ =	shalt  }
0x4a: {  	_ =	shalt  }
0x4b: {  	_ =	shalt  }
0x4c: {  	_ =	shalt  }
0x4d: {  	_ =	shalt  }
0x4e: {  	_ =	shalt  }
0x4f: {  	_ =	shalt  }
0x50: {  	_ =	shalt  }
0x51: {  	_ =	shalt  }
0x52: {  	_ =	shalt  }
0x53: {  	_ =	shalt  }
0x54: {  	_ =	shalt  }
0x55: {  	_ =	shalt  }
0x56: {  	_ =	shalt  }
0x57: {  	_ =	shalt  }
0x58: {  	_ =	shalt  }
0x59: {  	_ =	shalt  }
0x5a: {  	_ =	shalt  }
0x5b: {  	_ =	shalt  }
0x5c: {  	_ =	shalt  }
0x5d: {  	_ =	shalt  }
0x5e: {  	_ =	shalt  }
0x5f: {  	_ =	shalt  }
0x60: {  	_ =	shalt  }
0x61: {  	_ =	shalt  }
0x62: {  	_ =	shalt  }
0x63: {  	_ =	shalt  }
0x64: {  	_ =	shalt  }
0x65: {  	_ =	shalt  }
0x66: {  	_ =	shalt  }
0x67: {  	_ =	shalt  }
0x68: {  	_ =	shalt  }
0x69: {  	_ =	shalt  }
0x6a: {  	_ =	shalt  }
0x6b: {  	_ =	shalt  }
0x6c: {  	_ =	shalt  }
0x6d: {  	_ =	shalt  }
0x6e: {  	_ =	shalt  }
0x6f: {  	_ =	shalt  }
0x70: {  	_ =	shalt  }
0x71: {  	_ =	shalt  }
0x72: {  	_ =	shalt  }
0x73: {  	_ =	shalt  }
0x74: {  	_ =	shalt  }
0x75: {  	_ =	shalt  }
0x76: {  	_ =	shalt  }
0x77: {  	_ =	shalt  }
0x78: {  	_ =	shalt  }
0x79: {  	_ =	shalt  }
0x7a: {  	_ =	shalt  }
0x7b: {  	_ =	shalt  }
0x7c: {  	_ =	shalt  }
0x7d: {  	_ =	shalt  }
0x7e: {  	_ =	shalt  }
0x7f: {  	_ =	shalt  }
0x80: {  	_ =	shalt  }
0x81: {  	_ =	shalt  }
0x82: {  	_ =	shalt  }
0x83: {  	_ =	shalt  }
0x84: {  	_ =	shalt  }
0x85: {  	_ =	shalt  }
0x86: {  	_ =	shalt  }
0x87: {  	_ =	shalt  }
.Lfunc_end0:
.L_simem_size_0:
called_computation_lowered:
.L_overlay_start_0:
0x88: {  	s2 =	sld [smem:$0x3FD9]  }
0x89: {  	s3 =	sld [smem:$0x3FFE];
	_ =	sdelay $0x1  }
0x8a: {  	s1 =	srdreg.scid  }
0x8b: {  	s0 =	sand.u32 $0x1, s1  }
0x8c: {  	s17 =	sshll.u32 s0, $0xA;
	s2 =	sadd.s32 s3, s2  }
0x8d: {  	s2 =	sadd.s32 s2, s17  }
0x8e: {  	[smem:$0x3FC6] =	sst s2  }
0x8f: {  	_ = 	snop  }
0x90: {  	s2 =	sld [smem:$0x3FC9];
	(tm) =	ssettm $0x1  }
0x91: {  	s18 =	sld [smem:$0x3FFB];
	_ =	sdelay $0x3  }
0x92: {  	_ =	strace s18  }
0x93: {  	s3 =	sld [smem:$0x3FFC];
	_ =	sdelay $0x3  }
0x94: {  	_ =	strace s3  }
0x95: {  	s3 =	sld [smem:$0x3FFD];
	_ =	sdelay $0x3  }
0x96: {  	_ =	strace s3  }
0x97: {  	_ =	strace $0x8FFFFFFF  }
0x98: {  	s19 =	sld [smem:$0x3FDB];
	_ =	sdelay $0x1  }
0x99: {  	s4 =	simm.s32 $_scs_section_size  }
0x9a: {  	s5 =	simm.s32 $_size__tile_overlayer_lowered;
	s6 =	simm.s32 $_tile_overlayer_lowered  }
0x9b: {  	s22 =	simm.s32 $0x1BFF;
	s21 =	sshll.u32 s6, $0x1;
	s3 =	sadd.s32 s4, s19  }
0x9c: {  	s7 =	simm.s32 $0x0;
	s20 =	sshll.u32 s5, $0x1;
	s5 =	sadd.s32 s21, s3  }
0x9d: {  	[timem:s7], [sflag:s22] =	dma.local [hbm:s5], s20  }
0x9e: {  	_ =	swait.ge [sflag:s22], s20  }
0x9f: {  	s4 =	ssub.s32 $0x0, s20;
	[sflag:s22] =	ssyncset.done $0x0  }
0xa0: {  	[sflag:s22] =	ssyncadd.s32 s4;
	_ =	sdelay $0x1  }
0xa1: {  	s23 =	simm.s32 $0x1B8B  }
0xa2: {  	_ =	swait.ge [sflag:s23], $0x1  }
0xa3: {  	[sflag:s23] =	ssyncset.done $0x0  }
0xa4: {  	s25 =	simm.s32 $0x1B8E;
	s24 =	sld [smem:$0x3FFE];
	[sflag:s23] =	ssyncadd.s32 $0xFFFFFFFF  }
0xa5: {  	s26 =	simm.s32 $execute0_lowered;
	[smem:$0x3FD2] =	sst s25  }
0xa6: {  	s5 =	sshll.u32 s26, $0x1;
	_ =	strace $0x80000046;
	[dreg:$0x1] =	wrdreg $0xFFFFFFFF  }
0xa7: {  	s28 =	simm.s32 $_size_execute0_lowered;
	s3 =	sadd.s32 s3, s5;
	[dreg:$0x0] =	wrdreg $0x0  }
0xa8: {  	s5 =	sshll.u32 s28, $0x1;
	[dreg:$0x2] =	wrdreg s3  }
0xa9: {  	[dreg:$0x3] =	wrdreg s5  }
0xaa: {  	[dreg:$0x4] =	wrdreg $0xC0  }
0xab: {  	_ =	task [dreg:s7], $0x5FFFF  }
0xac: {  	[dreg:$0x1] =	wrdreg $0xFFFFFFFF  }
0xad: {  	[dreg:$0x0] =	wrdreg $0x60  }
0xae: {  	[dreg:$0x2] =	wrdreg s2  }
0xaf: {  	[dreg:$0x3] =	wrdreg s24  }
0xb0: {  	[dreg:$0x4] =	wrdreg $0x9  }
0xb1: {  	_ =	task.clear_ibuf [dreg:s7], $0x5FFFF;
	_ =	strace $0x90000046  }
0xb2: {  	s29 =	simm.s32 $0x9;
	_ =	strace $0x80000048  }
0xb3: {  	_ =	swait.ge [sflag:s29], $0x1  }
0xb4: {  	[sflag:s29] =	ssyncadd.s32 $0xFFFFFFFF  }
0xb5: {  	_ =	strace $0x90000048  }
0xb6: {  	_ =	sfence  }
0xb7: {  	s30 =	sld [smem:$0x0];
	_ =	sdelay $0x2  }
0xb8: {  	s31 =	sshll.u32 s1, $0xD;
	s1 =	sshrl.u32 s1, $0x2  }
0xb9: {  	s3 =	sand.u32 $0x4000, s31;
	s1 =	sadd.s32 s1, s30  }
0xba: {  	s0 =	sor.u32 s3, s0;
	s1 =	sshll.u32 s1, $0x11  }
0xbb: {  	s0 =	sor.u32 s1, s0  }
0xbc: {  	s0 =	sadd.s32 $0x8F2B, s0  }
0xbd: {  	[sflag:s0] =	ssyncadd.remote.s32 $0x1  }
0xbe: {  	_ =	sfence.sel $0xFFFF  }
0xbf: {  	[dreg:$0x0] =	wrdreg $0xFFFFFFFF;
	(pc) =	sbr.abs _section_cstart, $3  }
0xc0: {  	[dreg:$0x1] =	wrdreg $0xFFFFFFFF  }
0xc1: {  	_ =	task.clear_ibuf [dreg:s7], $0x2FFFF;
	_ =	strace $0x9FFFFFFF  }
0xc2: {  	(tm) =	ssettm $0x7FFFFFFF  }
0xc3: {  	_ =	shalt  }
tec
execute0_lowered:
.L_overlay_start_1:
0x0: {  	(tag) =	ssettag $0x1  }
0x1: {  	s1 =	stileid.u32  }
0x2: {  	p0 =	sgt.u32 s1, $0x1  }
.Ltmp0:
0x3: {  	_ = 	snop;
	(pc) =	sbr.rel @p0 .LBB2_146-.Ltmp0, $4  }
0x4: {  	s4 =	rddreg [dreg:$0x0]  }
0x5: {  	s3 =	rddreg [dreg:$0x1];
	s2 =	simm.s32 $0x0  }
0x6: {  	[smem:$0x7FF] =	sst s2  }
0x7: {  	s0 =	rddreg [dreg:$0x2];
	_ =	strace $0x80000047  }
0x8: {  	s5 =	srdreg.scid  }
0x9: {  	s5 =	sand.u32 $0x1, s5  }
0xa: {  	s6 =	sshll.u32 s1, $0x1;
	s7 =	ssub.s32 $0x2, s5  }
0xb: {  	v0 =	vlaneseq.u32;
	s5 =	sor.u32 s5, s6;
	s31 =	sshrl.u32 s7, $0x1  }
0xc: {  	v1 =	vmul.u32 $0xFFFFFFFF, v0;
	s8 =	sshll.u32 s5, $0x4;
	s5 =	sshll.u32 s5, $0x9;
	s6 =	ssub.s32 s7, s31  }
0xd: {  	s3 =	sadd.s32 s3, s8;
	s4 =	sadd.s32 s4, s5;
	s7 =	simm.s32 $0x1000  }
0xe: {  	v1 =	vadd.s32 $0xF, v1;
	s8 =	simm.s32 $0x0;
	s5 =	smax.u32 s6, $0x1;
	s6 =	simm.s32 $0x1  }
.LBB2_2:
0xf: {  	s9 =	simm.s32 $0x0  }
0x10: {  	[tilespmem:s9], [sflag:$0x1] =	stream.linear.gather [hbm4b:s4+s9], $0x1000, $0x38;
	[tilespmem:$0x1080] =	vst v63  }
0x11: {  	_ =	swait.ge [sflag:s6], $0x1000  }
0x12: {  	[sflag:s6] =	ssyncset.done $0x0  }
0x13: {  	[sflag:s6] =	ssyncadd.s32 $0xFFFFF000  }
0x14: {  	s12 =	simm.s32 $0x1;
	s11 =	simm.s32 $0x0;
	s10 =	simm.s32 $0x0;
	v2 =	vld [tilespmem:s9+$0x0]  }
.LBB2_3:
0x15: {  	p0 =	sne.s32 s12, $0xFF;
	_ =	sdelay $0x3  }
0x16: {  	(xrf1) =	vsort.ascd.msk.f32 $0xffff, v2, v2;
	_ =	sdelay $0xd  }
0x17: {  	v2, _, _ =	vpop (xrf1)  }
.Ltmp1:
0x18: {  	s13 =	sand.u32 $0x1, s11;
	s11 =	smov.u32 s12;
	v3 =	vperm.xlane v2, v1;
	(pc) =	sbr.rel @p0 .LBB2_3-.Ltmp1, $4  }
0x19: {  	p1 =	seq.s32 s13, $0x1  }
0x1a: {  	v2 =	vpsel p1, v3, v2  }
0x1b: {  	[tilespmem:s10+$0x0] =	vst v2;
	s10 =	sadd.s32 $0x10, s10  }
0x1c: {  	s12 =	sadd.s32 $0x1, s12;
	v2 =	vld [tilespmem:s10+$0x0]  }
0x1d: {  	_ =	sdelay $0x3  }
0x1e: {  	(xrf1) =	vsort.ascd.msk.f32 $0xffff, v2, v2;
	_ =	sdelay $0xd  }
0x1f: {  	v2, _, _ =	vpop (xrf1)  }
0x20: {  	s11 =	sand.u32 $0x1, s11;
	v3 =	vperm.xlane v2, v1  }
0x21: {  	p0 =	seq.s32 s11, $0x1  }
0x22: {  	v2 =	vpsel p0, v3, v2  }
0x23: {  	s11 =	simm.s32 $0x10;
	[tilespmem:s10+$0x0] =	vst v2  }
0x24: {  	v2 =	vld [tilespmem:s11+$0xFFFFFFF0]  }
0x25: {  	s12 =	simm.s32 $0x1;
	s10 =	simm.s32 $0x10;
	v3 =	vld [tilespmem:s11+$0x0]  }
.LBB2_5:
0x26: {  	p0 =	sne.s32 s12, $0x7F;
	_ =	sdelay $0x2  }
.Ltmp2:
0x27: {  	s13 =	sand.u32 $0x1, s9;
	s9 =	smov.u32 s12;
	(pc) =	sbr.rel @p0 .LBB2_5-.Ltmp2, $4  }
0x28: {  	p1 =	seq.s32 s13, $0x1;
	v4 =	vmin.f32 v2, v3;
	v2 =	vmax.f32 v2, v3  }
0x29: {  	s11 =	sadd.s32 $0x20, s11;
	v5 =	vpsel p1, v2, v4;
	v3 =	vpsel p1, v4, v2  }
0x2a: {  	v2 =	vld [tilespmem:s11+$0xFFFFFFF0];
	[tilespmem:s10+$0x0] =	vst v3  }
0x2b: {  	s12 =	sadd.s32 $0x1, s12;
	v3 =	vld [tilespmem:s11+$0x0];
	[tilespmem:s10+$0xFFFFFFF0] =	vst v5;
	s10 =	smov.u32 s11  }
0x2c: {  	_ =	sdelay $0x2  }
0x2d: {  	s9 =	sand.u32 $0x1, s9  }
0x2e: {  	p0 =	seq.s32 s9, $0x1;
	v4 =	vmin.f32 v2, v3;
	v2 =	vmax.f32 v2, v3  }
0x2f: {  	v3 =	vpsel p0, v4, v2  }
0x30: {  	v2 =	vpsel p0, v2, v4;
	[tilespmem:s10+$0x0] =	vst v3  }
0x31: {  	s9 =	simm.s32 $0x0;
	[tilespmem:s10+$0xFFFFFFF0] =	vst v2  }
0x32: {  	s12 =	simm.s32 $0x1;
	s11 =	simm.s32 $0x0;
	s10 =	simm.s32 $0x0;
	v2 =	vld [tilespmem:s9+$0x0]  }
.LBB2_7:
0x33: {  	p0 =	sne.s32 s12, $0xFF;
	_ =	sdelay $0x3  }
0x34: {  	(xrf1) =	vsort.ascd.msk.f32 $0xffff, v2, v2;
	_ =	sdelay $0xd  }
0x35: {  	v2, _, _ =	vpop (xrf1)  }
.Ltmp3:
0x36: {  	s13 =	sand.u32 $0x2, s11;
	s11 =	smov.u32 s12;
	v3 =	vperm.xlane v2, v1;
	(pc) =	sbr.rel @p0 .LBB2_7-.Ltmp3, $4  }
0x37: {  	p1 =	seq.s32 s13, $0x0  }
0x38: {  	v2 =	vpsel p1, v2, v3  }
0x39: {  	[tilespmem:s10+$0x0] =	vst v2;
	s10 =	sadd.s32 $0x10, s10  }
0x3a: {  	s12 =	sadd.s32 $0x1, s12;
	v2 =	vld [tilespmem:s10+$0x0]  }
0x3b: {  	_ =	sdelay $0x3  }
0x3c: {  	(xrf1) =	vsort.ascd.msk.f32 $0xffff, v2, v2;
	_ =	sdelay $0xd  }
0x3d: {  	v2, _, _ =	vpop (xrf1)  }
0x3e: {  	s11 =	sand.u32 $0x2, s11;
	v3 =	vperm.xlane v2, v1  }
0x3f: {  	s31 =	sand.u32 $0x1, s9;
	s12 =	sand.u32 $0xFC, s9;
	p0 =	seq.s32 s11, $0x0  }
0x40: {  	s11 =	sor.u32 s31, s12;
	v2 =	vpsel p0, v2, v3  }
0x41: {  	[tilespmem:s10+$0x0] =	vst v2;
	s10 =	sshll.u32 s11, $0x4  }
0x42: {  	v3 =	vld [tilespmem:s10+$0x0]  }
0x43: {  	v4 =	vld [tilespmem:s10+$0x20];
	_ =	sdelay $0x2  }
0x44: {  	s13 =	sand.u32 $0x2, s9  }
0x45: {  	s9 =	simm.s32 $0x2;
	s12 =	simm.s32 $0x2;
	s11 =	simm.s32 $0x1  }
0x46: {  	p1 =	seq.s32 s13, $0x0;
	s14 =	sand.u32 $0xFC, s9;
	s13 =	sand.u32 $0x1, s11;
	v2 =	vmin.f32 v3, v4;
	v3 =	vmax.f32 v3, v4  }
.LBB2_9:
0x47: {  	p0 =	sne.s32 s12, $0x7F  }
0x48: {  	s13 =	sor.u32 s13, s14;
	v4 =	vpsel p1, v2, v3;
	v2 =	vpsel p1, v3, v2;
	s14 =	smov.u32 s12;
	s12 =	sadd.s32 $0x1, s12  }
0x49: {  	s13 =	sshll.u32 s13, $0x4;
	[tilespmem:s10+$0x0] =	vst v4  }
0x4a: {  	v3 =	vld [tilespmem:s13+$0x0];
	[tilespmem:s10+$0x20] =	vst v2;
	s10 =	smov.u32 s13  }
0x4b: {  	v4 =	vld [tilespmem:s10+$0x20]  }
.Ltmp4:
0x4c: {  	(pc) =	sbr.rel @p0 .LBB2_9-.Ltmp4, $4  }
0x4d: {  	_ = 	snop  }
0x4e: {  	s13 =	sand.u32 $0x2, s11;
	s11 =	smov.u32 s14  }
0x4f: {  	s9 =	sadd.s32 $0x2, s9;
	p1 =	seq.s32 s13, $0x0  }
0x50: {  	s14 =	sand.u32 $0xFC, s9;
	s13 =	sand.u32 $0x1, s11;
	v2 =	vmin.f32 v3, v4;
	v3 =	vmax.f32 v3, v4  }
0x51: {  	s9 =	sor.u32 s13, s14;
	v4 =	vpsel p1, v2, v3  }
0x52: {  	v2 =	vpsel p1, v3, v2;
	s9 =	sshll.u32 s9, $0x4;
	[tilespmem:s10+$0x0] =	vst v4  }
0x53: {  	v3 =	vld [tilespmem:s9+$0x0];
	[tilespmem:s10+$0x20] =	vst v2  }
0x54: {  	v2 =	vld [tilespmem:s9+$0x20];
	_ =	sdelay $0x3  }
0x55: {  	s31 =	sand.u32 $0x2, s11  }
0x56: {  	p0 =	seq.s32 s31, $0x0;
	v4 =	vmin.f32 v3, v2;
	v2 =	vmax.f32 v3, v2  }
0x57: {  	v3 =	vpsel p0, v4, v2  }
0x58: {  	v2 =	vpsel p0, v2, v4;
	[tilespmem:s9+$0x0] =	vst v3  }
0x59: {  	s11 =	simm.s32 $0x10;
	[tilespmem:s9+$0x20] =	vst v2  }
0x5a: {  	s12 =	simm.s32 $0x1;
	v2 =	vld [tilespmem:s11+$0xFFFFFFF0]  }
0x5b: {  	s13 =	simm.s32 $0x0;
	s10 =	simm.s32 $0x10;
	s9 =	simm.s32 $0x0;
	v3 =	vld [tilespmem:s11+$0x0]  }
.LBB2_11:
0x5c: {  	p0 =	sne.s32 s12, $0x7F;
	_ =	sdelay $0x2  }
.Ltmp5:
0x5d: {  	s14 =	sand.u32 $0x2, s13;
	s13 =	smov.u32 s12;
	(pc) =	sbr.rel @p0 .LBB2_11-.Ltmp5, $4  }
0x5e: {  	p1 =	seq.s32 s14, $0x0;
	v4 =	vmin.f32 v2, v3;
	v2 =	vmax.f32 v2, v3  }
0x5f: {  	s11 =	sadd.s32 $0x20, s11;
	v5 =	vpsel p1, v4, v2;
	v3 =	vpsel p1, v2, v4  }
0x60: {  	v2 =	vld [tilespmem:s11+$0xFFFFFFF0];
	[tilespmem:s10+$0x0] =	vst v3  }
0x61: {  	s12 =	sadd.s32 $0x1, s12;
	v3 =	vld [tilespmem:s11+$0x0];
	[tilespmem:s10+$0xFFFFFFF0] =	vst v5;
	s10 =	smov.u32 s11  }
0x62: {  	_ =	sdelay $0x2  }
0x63: {  	s11 =	sand.u32 $0x2, s13  }
0x64: {  	p0 =	seq.s32 s11, $0x0;
	v4 =	vmin.f32 v2, v3;
	v2 =	vmax.f32 v2, v3  }
0x65: {  	v3 =	vpsel p0, v2, v4  }
0x66: {  	v2 =	vpsel p0, v4, v2;
	[tilespmem:s10+$0x0] =	vst v3  }
0x67: {  	[tilespmem:s10+$0xFFFFFFF0] =	vst v2  }
0x68: {  	s11 =	simm.s32 $0x0;
	s10 =	simm.s32 $0x1;
	v2 =	vld [tilespmem:s9+$0x0]  }
.LBB2_13:
0x69: {  	p0 =	sne.s32 s10, $0xFF;
	_ =	sdelay $0x3  }
0x6a: {  	(xrf1) =	vsort.ascd.msk.f32 $0xffff, v2, v2;
	_ =	sdelay $0xd  }
0x6b: {  	v2, _, _ =	vpop (xrf1)  }
.Ltmp6:
0x6c: {  	s12 =	sand.u32 $0x4, s9;
	s9 =	smov.u32 s10;
	v3 =	vperm.xlane v2, v1;
	(pc) =	sbr.rel @p0 .LBB2_13-.Ltmp6, $4  }
0x6d: {  	p1 =	seq.s32 s12, $0x0  }
0x6e: {  	v2 =	vpsel p1, v2, v3  }
0x6f: {  	[tilespmem:s11+$0x0] =	vst v2;
	s11 =	sadd.s32 $0x10, s11  }
0x70: {  	s10 =	sadd.s32 $0x1, s10;
	v2 =	vld [tilespmem:s11+$0x0]  }
0x71: {  	_ =	sdelay $0x3  }
0x72: {  	(xrf1) =	vsort.ascd.msk.f32 $0xffff, v2, v2;
	_ =	sdelay $0xd  }
0x73: {  	v2, _, _ =	vpop (xrf1)  }
0x74: {  	s9 =	sand.u32 $0x4, s9;
	s10 =	simm.s32 $0x0;
	v3 =	vperm.xlane v2, v1  }
0x75: {  	p0 =	seq.s32 s9, $0x0;
	s31 =	sand.u32 $0x3, s10;
	s12 =	sand.u32 $0xF8, s10  }
0x76: {  	s9 =	sor.u32 s31, s12;
	v2 =	vpsel p0, v2, v3  }
0x77: {  	s12 =	sshll.u32 s9, $0x4;
	[tilespmem:s11+$0x0] =	vst v2  }
0x78: {  	v3 =	vld [tilespmem:s12+$0x0]  }
0x79: {  	v4 =	vld [tilespmem:s12+$0x40];
	_ =	sdelay $0x2  }
0x7a: {  	s14 =	simm.s32 $0x2;
	s15 =	simm.s32 $0x2  }
0x7b: {  	s13 =	simm.s32 $0x1;
	s9 =	simm.s32 $0x1;
	s11 =	sand.u32 $0x4, s10  }
0x7c: {  	s17 =	sand.u32 $0xF8, s15;
	s16 =	sand.u32 $0x3, s9;
	p1 =	seq.s32 s11, $0x0;
	v2 =	vmin.f32 v3, v4;
	v3 =	vmax.f32 v3, v4  }
.LBB2_15:
0x7d: {  	p0 =	sne.s32 s14, $0x7F  }
0x7e: {  	s16 =	sor.u32 s16, s17;
	v4 =	vpsel p1, v2, v3;
	v2 =	vpsel p1, v3, v2;
	s17 =	smov.u32 s14;
	s14 =	sadd.s32 $0x1, s14  }
0x7f: {  	s16 =	sshll.u32 s16, $0x4;
	[tilespmem:s12+$0x0] =	vst v4  }
0x80: {  	v3 =	vld [tilespmem:s16+$0x0];
	[tilespmem:s12+$0x40] =	vst v2;
	s12 =	smov.u32 s16  }
0x81: {  	v4 =	vld [tilespmem:s12+$0x40]  }
.Ltmp7:
0x82: {  	(pc) =	sbr.rel @p0 .LBB2_15-.Ltmp7, $4  }
0x83: {  	_ = 	snop  }
0x84: {  	s16 =	sand.u32 $0x4, s13;
	s13 =	smov.u32 s17  }
0x85: {  	s15 =	sadd.s32 $0x2, s15;
	p1 =	seq.s32 s16, $0x0  }
0x86: {  	s17 =	sand.u32 $0xF8, s15;
	s16 =	sand.u32 $0x3, s13;
	v2 =	vmin.f32 v3, v4;
	v3 =	vmax.f32 v3, v4  }
0x87: {  	s14 =	sor.u32 s16, s17;
	v4 =	vpsel p1, v2, v3  }
0x88: {  	v2 =	vpsel p1, v3, v2;
	s14 =	sshll.u32 s14, $0x4;
	[tilespmem:s12+$0x0] =	vst v4  }
0x89: {  	v3 =	vld [tilespmem:s14+$0x0];
	[tilespmem:s12+$0x40] =	vst v2  }
0x8a: {  	v2 =	vld [tilespmem:s14+$0x40];
	_ =	sdelay $0x3  }
0x8b: {  	s29 =	sand.u32 $0x4, s13  }
0x8c: {  	p0 =	seq.s32 s29, $0x0;
	v4 =	vmin.f32 v3, v2;
	v2 =	vmax.f32 v3, v2  }
0x8d: {  	s30 =	sand.u32 $0x1, s10;
	s31 =	sand.u32 $0xFC, s10;
	v3 =	vpsel p0, v4, v2  }
0x8e: {  	s10 =	sor.u32 s30, s31;
	v2 =	vpsel p0, v2, v4;
	[tilespmem:s14+$0x0] =	vst v3  }
0x8f: {  	s10 =	sshll.u32 s10, $0x4;
	[tilespmem:s14+$0x40] =	vst v2  }
0x90: {  	v3 =	vld [tilespmem:s10+$0x0]  }
0x91: {  	v4 =	vld [tilespmem:s10+$0x20];
	_ =	sdelay $0x3  }
0x92: {  	s13 =	simm.s32 $0x2;
	p1 =	seq.s32 s11, $0x0  }
0x93: {  	s11 =	sand.u32 $0x1, s9;
	s12 =	simm.s32 $0x2;
	s14 =	sand.u32 $0xFC, s13;
	v2 =	vmin.f32 v3, v4;
	v3 =	vmax.f32 v3, v4  }
.LBB2_17:
0x94: {  	p0 =	sne.s32 s12, $0x7F  }
0x95: {  	s11 =	sor.u32 s11, s14;
	v4 =	vpsel p1, v2, v3;
	v2 =	vpsel p1, v3, v2;
	s14 =	smov.u32 s12;
	s12 =	sadd.s32 $0x1, s12  }
0x96: {  	s11 =	sshll.u32 s11, $0x4;
	[tilespmem:s10+$0x0] =	vst v4  }
0x97: {  	v3 =	vld [tilespmem:s11+$0x0];
	[tilespmem:s10+$0x20] =	vst v2;
	s10 =	smov.u32 s11  }
0x98: {  	v4 =	vld [tilespmem:s10+$0x20]  }
.Ltmp8:
0x99: {  	(pc) =	sbr.rel @p0 .LBB2_17-.Ltmp8, $4  }
0x9a: {  	_ = 	snop  }
0x9b: {  	s11 =	sand.u32 $0x4, s9;
	s9 =	smov.u32 s14  }
0x9c: {  	s13 =	sadd.s32 $0x2, s13;
	p1 =	seq.s32 s11, $0x0  }
0x9d: {  	s14 =	sand.u32 $0xFC, s13;
	s11 =	sand.u32 $0x1, s9;
	v2 =	vmin.f32 v3, v4;
	v3 =	vmax.f32 v3, v4  }
0x9e: {  	s11 =	sor.u32 s11, s14;
	v4 =	vpsel p1, v2, v3  }
0x9f: {  	v2 =	vpsel p1, v3, v2;
	s11 =	sshll.u32 s11, $0x4;
	[tilespmem:s10+$0x0] =	vst v4  }
0xa0: {  	v3 =	vld [tilespmem:s11+$0x0];
	[tilespmem:s10+$0x20] =	vst v2  }
0xa1: {  	v2 =	vld [tilespmem:s11+$0x20];
	_ =	sdelay $0x3  }
0xa2: {  	s9 =	sand.u32 $0x4, s9  }
0xa3: {  	p0 =	seq.s32 s9, $0x0;
	v4 =	vmin.f32 v3, v2;
	v2 =	vmax.f32 v3, v2  }
0xa4: {  	v3 =	vpsel p0, v4, v2  }
0xa5: {  	v2 =	vpsel p0, v2, v4;
	[tilespmem:s11+$0x0] =	vst v3  }
0xa6: {  	[tilespmem:s11+$0x20] =	vst v2;
	s11 =	simm.s32 $0x10  }
0xa7: {  	s12 =	simm.s32 $0x1;
	v2 =	vld [tilespmem:s11+$0xFFFFFFF0]  }
0xa8: {  	s13 =	simm.s32 $0x0;
	s9 =	simm.s32 $0x0;
	s10 =	simm.s32 $0x10;
	v3 =	vld [tilespmem:s11+$0x0]  }
.LBB2_19:
0xa9: {  	p0 =	sne.s32 s12, $0x7F;
	_ =	sdelay $0x2  }
.Ltmp9:
0xaa: {  	s14 =	sand.u32 $0x4, s13;
	s13 =	smov.u32 s12;
	(pc) =	sbr.rel @p0 .LBB2_19-.Ltmp9, $4  }
0xab: {  	p1 =	seq.s32 s14, $0x0;
	v4 =	vmin.f32 v2, v3;
	v2 =	vmax.f32 v2, v3  }
0xac: {  	s11 =	sadd.s32 $0x20, s11;
	v5 =	vpsel p1, v4, v2;
	v3 =	vpsel p1, v2, v4  }
0xad: {  	v2 =	vld [tilespmem:s11+$0xFFFFFFF0];
	[tilespmem:s10+$0x0] =	vst v3  }
0xae: {  	s12 =	sadd.s32 $0x1, s12;
	v3 =	vld [tilespmem:s11+$0x0];
	[tilespmem:s10+$0xFFFFFFF0] =	vst v5;
	s10 =	smov.u32 s11  }
0xaf: {  	_ =	sdelay $0x2  }
0xb0: {  	s11 =	sand.u32 $0x4, s13  }
0xb1: {  	p0 =	seq.s32 s11, $0x0;
	v4 =	vmin.f32 v2, v3;
	v2 =	vmax.f32 v2, v3  }
0xb2: {  	v3 =	vpsel p0, v2, v4  }
0xb3: {  	v2 =	vpsel p0, v4, v2;
	[tilespmem:s10+$0x0] =	vst v3  }
0xb4: {  	[tilespmem:s10+$0xFFFFFFF0] =	vst v2  }
0xb5: {  	s11 =	simm.s32 $0x0;
	s10 =	simm.s32 $0x1;
	v2 =	vld [tilespmem:s9+$0x0]  }
.LBB2_21:
0xb6: {  	p0 =	sne.s32 s10, $0xFF;
	_ =	sdelay $0x3  }
0xb7: {  	(xrf1) =	vsort.ascd.msk.f32 $0xffff, v2, v2;
	_ =	sdelay $0xd  }
0xb8: {  	v2, _, _ =	vpop (xrf1)  }
.Ltmp10:
0xb9: {  	s12 =	sand.u32 $0x8, s9;
	s9 =	smov.u32 s10;
	v3 =	vperm.xlane v2, v1;
	(pc) =	sbr.rel @p0 .LBB2_21-.Ltmp10, $4  }
0xba: {  	p1 =	seq.s32 s12, $0x0  }
0xbb: {  	v2 =	vpsel p1, v2, v3  }
0xbc: {  	[tilespmem:s11+$0x0] =	vst v2;
	s11 =	sadd.s32 $0x10, s11  }
0xbd: {  	s10 =	sadd.s32 $0x1, s10;
	v2 =	vld [tilespmem:s11+$0x0]  }
0xbe: {  	_ =	sdelay $0x3  }
0xbf: {  	(xrf1) =	vsort.ascd.msk.f32 $0xffff, v2, v2;
	_ =	sdelay $0xd  }
0xc0: {  	v2, _, _ =	vpop (xrf1)  }
0xc1: {  	s9 =	sand.u32 $0x8, s9;
	s10 =	simm.s32 $0x0;
	v3 =	vperm.xlane v2, v1  }
0xc2: {  	p0 =	seq.s32 s9, $0x0;
	s31 =	sand.u32 $0x7, s10;
	s12 =	sand.u32 $0xF0, s10  }
0xc3: {  	s9 =	sor.u32 s31, s12;
	v2 =	vpsel p0, v2, v3  }
0xc4: {  	s12 =	sshll.u32 s9, $0x4;
	[tilespmem:s11+$0x0] =	vst v2  }
0xc5: {  	v3 =	vld [tilespmem:s12+$0x0]  }
0xc6: {  	v4 =	vld [tilespmem:s12+$0x80];
	_ =	sdelay $0x2  }
0xc7: {  	s14 =	simm.s32 $0x2;
	s15 =	simm.s32 $0x2  }
0xc8: {  	s13 =	simm.s32 $0x1;
	s9 =	simm.s32 $0x1;
	s11 =	sand.u32 $0x8, s10  }
0xc9: {  	s17 =	sand.u32 $0xF0, s15;
	s16 =	sand.u32 $0x7, s9;
	p1 =	seq.s32 s11, $0x0;
	v2 =	vmin.f32 v3, v4;
	v3 =	vmax.f32 v3, v4  }
.LBB2_23:
0xca: {  	p0 =	sne.s32 s14, $0x7F  }
0xcb: {  	s16 =	sor.u32 s16, s17;
	v4 =	vpsel p1, v2, v3;
	v2 =	vpsel p1, v3, v2;
	s17 =	smov.u32 s14;
	s14 =	sadd.s32 $0x1, s14  }
0xcc: {  	s16 =	sshll.u32 s16, $0x4;
	[tilespmem:s12+$0x0] =	vst v4  }
0xcd: {  	v3 =	vld [tilespmem:s16+$0x0];
	[tilespmem:s12+$0x80] =	vst v2;
	s12 =	smov.u32 s16  }
0xce: {  	v4 =	vld [tilespmem:s12+$0x80]  }
.Ltmp11:
0xcf: {  	(pc) =	sbr.rel @p0 .LBB2_23-.Ltmp11, $4  }
0xd0: {  	_ = 	snop  }
0xd1: {  	s16 =	sand.u32 $0x8, s13;
	s13 =	smov.u32 s17  }
0xd2: {  	s15 =	sadd.s32 $0x2, s15;
	p1 =	seq.s32 s16, $0x0  }
0xd3: {  	s17 =	sand.u32 $0xF0, s15;
	s16 =	sand.u32 $0x7, s13;
	v2 =	vmin.f32 v3, v4;
	v3 =	vmax.f32 v3, v4  }
0xd4: {  	s14 =	sor.u32 s16, s17;
	v4 =	vpsel p1, v2, v3  }
0xd5: {  	v2 =	vpsel p1, v3, v2;
	s14 =	sshll.u32 s14, $0x4;
	[tilespmem:s12+$0x0] =	vst v4  }
0xd6: {  	v3 =	vld [tilespmem:s14+$0x0];
	[tilespmem:s12+$0x80] =	vst v2  }
0xd7: {  	v2 =	vld [tilespmem:s14+$0x80];
	_ =	sdelay $0x3  }
0xd8: {  	s29 =	sand.u32 $0x8, s13  }
0xd9: {  	p0 =	seq.s32 s29, $0x0;
	v4 =	vmin.f32 v3, v2;
	v2 =	vmax.f32 v3, v2  }
0xda: {  	s30 =	sand.u32 $0x3, s10;
	s31 =	sand.u32 $0xF8, s10;
	v3 =	vpsel p0, v4, v2  }
0xdb: {  	s10 =	sor.u32 s30, s31;
	v2 =	vpsel p0, v2, v4;
	[tilespmem:s14+$0x0] =	vst v3  }
0xdc: {  	s10 =	sshll.u32 s10, $0x4;
	[tilespmem:s14+$0x80] =	vst v2  }
0xdd: {  	v3 =	vld [tilespmem:s10+$0x0]  }
0xde: {  	v4 =	vld [tilespmem:s10+$0x40];
	_ =	sdelay $0x3  }
0xdf: {  	s13 =	simm.s32 $0x2;
	p1 =	seq.s32 s11, $0x0  }
0xe0: {  	s11 =	sand.u32 $0x3, s9;
	s12 =	simm.s32 $0x2;
	s14 =	sand.u32 $0xF8, s13;
	v2 =	vmin.f32 v3, v4;
	v3 =	vmax.f32 v3, v4  }
.LBB2_25:
0xe1: {  	p0 =	sne.s32 s12, $0x7F  }
0xe2: {  	s11 =	sor.u32 s11, s14;
	v4 =	vpsel p1, v2, v3;
	v2 =	vpsel p1, v3, v2;
	s14 =	smov.u32 s12;
	s12 =	sadd.s32 $0x1, s12  }
0xe3: {  	s11 =	sshll.u32 s11, $0x4;
	[tilespmem:s10+$0x0] =	vst v4  }
0xe4: {  	v3 =	vld [tilespmem:s11+$0x0];
	[tilespmem:s10+$0x40] =	vst v2;
	s10 =	smov.u32 s11  }
0xe5: {  	v4 =	vld [tilespmem:s10+$0x40]  }
.Ltmp12:
0xe6: {  	(pc) =	sbr.rel @p0 .LBB2_25-.Ltmp12, $4  }
0xe7: {  	_ = 	snop  }
0xe8: {  	s11 =	sand.u32 $0x8, s9;
	s9 =	smov.u32 s14  }
0xe9: {  	s13 =	sadd.s32 $0x2, s13;
	p1 =	seq.s32 s11, $0x0  }
0xea: {  	s14 =	sand.u32 $0xF8, s13;
	s11 =	sand.u32 $0x3, s9;
	v2 =	vmin.f32 v3, v4;
	v3 =	vmax.f32 v3, v4  }
0xeb: {  	s11 =	sor.u32 s11, s14;
	v4 =	vpsel p1, v2, v3  }
0xec: {  	v2 =	vpsel p1, v3, v2;
	s11 =	sshll.u32 s11, $0x4;
	[tilespmem:s10+$0x0] =	vst v4  }
0xed: {  	v3 =	vld [tilespmem:s11+$0x0];
	[tilespmem:s10+$0x40] =	vst v2  }
0xee: {  	v2 =	vld [tilespmem:s11+$0x40];
	_ =	sdelay $0x3  }
0xef: {  	s9 =	sand.u32 $0x8, s9  }
0xf0: {  	p0 =	seq.s32 s9, $0x0;
	v63 =	vmin.f32 v3, v2;
	v2 =	vmax.f32 v3, v2  }
0xf1: {  	v3 =	vpsel p0, v63, v2;
	v2 =	vpsel p0, v2, v63;
	p0 =	por $0x1, $0x1  }
.Ltmp13:
0xf2: {  	_ = 	snop;
	(pc) =	sbr.rel @!p0 .LBB2_27-.Ltmp13, $3  }
0xf3: {  	_ =	sdelay $0x1  }
0xf4: {  	p1 =	por $0x0, $0x0;
	s9 =	simm.s32 $0x0;
	[tilespmem:s11+$0x0] =	vst v3  }
0xf5: {  	s10 =	simm.s32 $0x1;
	s15 =	sand.u32 $0x1, s9;
	s16 =	sand.u32 $0xFC, s9;
	[tilespmem:s11+$0x40] =	vst v2  }
0xf6: {  	s11 =	sor.u32 s15, s16  }
0xf7: {  	s11 =	sshll.u32 s11, $0x4  }
0xf8: {  	v3 =	vld [tilespmem:s11+$0x0]  }
0xf9: {  	p3 =	por $0x1, $0x1;
	v4 =	vld [tilespmem:s11+$0x20]  }
.Ltmp14:
0xfa: {  	_ = 	snop;
	(pc) =	sbr.rel @!p3 .LBB2_29-.Ltmp14, $4  }
0xfb: {  	_ = 	snop  }
0xfc: {  	s13 =	simm.s32 $0x2;
	s12 =	sand.u32 $0x8, s9  }
0xfd: {  	s14 =	simm.s32 $0x2;
	s15 =	sand.u32 $0x1, s10;
	p1 =	por $0x1, $0x1  }
0xfe: {  	p2 =	seq.s32 s12, $0x0;
	s16 =	sand.u32 $0xFC, s14;
	s12 =	simm.s32 $0x1;
	v2 =	vmin.f32 v3, v4;
	v3 =	vmax.f32 v3, v4  }
.LBB2_30:
0xff: {  	p3 =	sne.s32 s13, $0x7F  }
0x100: {  	s15 =	sor.u32 s15, s16;
	v4 =	vpsel p2, v2, v3;
	v2 =	vpsel p2, v3, v2;
	s16 =	smov.u32 s13;
	s13 =	sadd.s32 $0x1, s13  }
0x101: {  	s15 =	sshll.u32 s15, $0x4;
	[tilespmem:s11+$0x0] =	vst v4  }
0x102: {  	v3 =	vld [tilespmem:s15+$0x0];
	[tilespmem:s11+$0x20] =	vst v2;
	s11 =	smov.u32 s15  }
0x103: {  	v4 =	vld [tilespmem:s11+$0x20]  }
.Ltmp15:
0x104: {  	(pc) =	sbr.rel @p3 .LBB2_30-.Ltmp15, $4  }
0x105: {  	_ = 	snop  }
0x106: {  	s15 =	sand.u32 $0x8, s12;
	s12 =	smov.u32 s16  }
0x107: {  	s14 =	sadd.s32 $0x2, s14;
	p2 =	seq.s32 s15, $0x0  }
0x108: {  	s16 =	sand.u32 $0xFC, s14;
	s15 =	sand.u32 $0x1, s12;
	v2 =	vmin.f32 v3, v4;
	v3 =	vmax.f32 v3, v4  }
.LBB2_31:
0x109: {  	p2 =	por !p2, !p1  }
0x10a: {  	s13 =	sor.u32 s15, s16;
	v4 =	vpsel p2, v3, v2  }
0x10b: {  	s13 =	sshll.u32 s13, $0x4;
	v2 =	vpsel p2, v2, v3;
	[tilespmem:s11+$0x0] =	vst @p1 v4  }
0x10c: {  	v3 =	vld [tilespmem:s13+$0x0];
	[tilespmem:s11+$0x20] =	vst @p1 v2  }
0x10d: {  	v2 =	vld [tilespmem:s13+$0x20];
	_ =	sdelay $0x3  }
0x10e: {  	s31 =	sand.u32 $0x8, s12  }
0x10f: {  	p6 =	seq.s32 s31, $0x0;
	v4 =	vmin.f32 v3, v2;
	v2 =	vmax.f32 v3, v2  }
.Ltmp16:
0x110: {  	v3 =	vpsel p6, v4, v2;
	(pc) =	sbr.rel @!p0 .LBB2_33-.Ltmp16, $4  }
0x111: {  	v2 =	vpsel p6, v2, v4;
	[tilespmem:s13+$0x0] =	vst v3  }
0x112: {  	s11 =	simm.s32 $0x10;
	[tilespmem:s13+$0x20] =	vst v2  }
0x113: {  	v2 =	vld [tilespmem:s11+$0xFFFFFFF0]  }
0x114: {  	s12 =	simm.s32 $0x10;
	v3 =	vld [tilespmem:s11+$0x0]  }
.LBB2_32:
0x115: {  	p0 =	sne.s32 s10, $0x7F;
	_ =	sdelay $0x2  }
.Ltmp17:
0x116: {  	s13 =	sand.u32 $0x8, s9;
	s9 =	smov.u32 s10;
	(pc) =	sbr.rel @p0 .LBB2_32-.Ltmp17, $4  }
0x117: {  	p1 =	seq.s32 s13, $0x0;
	v4 =	vmin.f32 v2, v3;
	v2 =	vmax.f32 v2, v3  }
0x118: {  	s12 =	sadd.s32 $0x20, s12;
	v5 =	vpsel p1, v4, v2;
	v3 =	vpsel p1, v2, v4  }
0x119: {  	v2 =	vld [tilespmem:s12+$0xFFFFFFF0];
	[tilespmem:s11+$0x0] =	vst v3  }
0x11a: {  	s10 =	sadd.s32 $0x1, s10;
	v3 =	vld [tilespmem:s12+$0x0];
	[tilespmem:s11+$0xFFFFFFF0] =	vst v5;
	s11 =	smov.u32 s12  }
.LBB2_33:
0x11b: {  	_ =	sdelay $0x2  }
0x11c: {  	s9 =	sand.u32 $0x8, s9  }
0x11d: {  	p0 =	seq.s32 s9, $0x0;
	v4 =	vmin.f32 v2, v3;
	v2 =	vmax.f32 v2, v3  }
0x11e: {  	v3 =	vpsel p0, v2, v4  }
0x11f: {  	v2 =	vpsel p0, v4, v2;
	[tilespmem:s11+$0x0] =	vst v3  }
0x120: {  	s9 =	simm.s32 $0x0;
	[tilespmem:s11+$0xFFFFFFF0] =	vst v2  }
0x121: {  	s12 =	simm.s32 $0x1;
	s10 =	simm.s32 $0x0;
	s11 =	simm.s32 $0x0;
	v2 =	vld [tilespmem:s9+$0x0]  }
.LBB2_34:
0x122: {  	p0 =	sne.s32 s12, $0xFF;
	_ =	sdelay $0x3  }
0x123: {  	(xrf1) =	vsort.ascd.msk.f32 $0xffff, v2, v2;
	_ =	sdelay $0xd  }
0x124: {  	v2, _, _ =	vpop (xrf1)  }
.Ltmp18:
0x125: {  	s13 =	sand.u32 $0x10, s11;
	s11 =	smov.u32 s12;
	v3 =	vperm.xlane v2, v1;
	(pc) =	sbr.rel @p0 .LBB2_34-.Ltmp18, $4  }
0x126: {  	p1 =	seq.s32 s13, $0x0  }
0x127: {  	v2 =	vpsel p1, v2, v3  }
0x128: {  	[tilespmem:s10+$0x0] =	vst v2;
	s10 =	sadd.s32 $0x10, s10  }
0x129: {  	s12 =	sadd.s32 $0x1, s12;
	v2 =	vld [tilespmem:s10+$0x0]  }
0x12a: {  	_ =	sdelay $0x3  }
0x12b: {  	(xrf1) =	vsort.ascd.msk.f32 $0xffff, v2, v2;
	_ =	sdelay $0xd  }
0x12c: {  	v2, _, _ =	vpop (xrf1)  }
0x12d: {  	s11 =	sand.u32 $0x10, s11;
	v3 =	vperm.xlane v2, v1  }
0x12e: {  	s31 =	sand.u32 $0xF, s9;
	s12 =	sand.u32 $0xE0, s9;
	p0 =	seq.s32 s11, $0x0  }
0x12f: {  	s11 =	sor.u32 s31, s12;
	v2 =	vpsel p0, v2, v3  }
0x130: {  	[tilespmem:s10+$0x0] =	vst v2;
	s10 =	sshll.u32 s11, $0x4  }
0x131: {  	v3 =	vld [tilespmem:s10+$0x0]  }
0x132: {  	v4 =	vld [tilespmem:s10+$0x100];
	_ =	sdelay $0x2  }
0x133: {  	s13 =	sand.u32 $0x10, s9  }
0x134: {  	s9 =	simm.s32 $0x2;
	s12 =	simm.s32 $0x2;
	s11 =	simm.s32 $0x1  }
0x135: {  	p1 =	seq.s32 s13, $0x0;
	s14 =	sand.u32 $0xE0, s9;
	s13 =	sand.u32 $0xF, s11;
	v2 =	vmin.f32 v3, v4;
	v3 =	vmax.f32 v3, v4  }
.LBB2_36:
0x136: {  	p0 =	sne.s32 s12, $0x7F  }
0x137: {  	s13 =	sor.u32 s13, s14;
	v4 =	vpsel p1, v2, v3;
	v2 =	vpsel p1, v3, v2;
	s14 =	smov.u32 s12;
	s12 =	sadd.s32 $0x1, s12  }
0x138: {  	s13 =	sshll.u32 s13, $0x4;
	[tilespmem:s10+$0x0] =	vst v4  }
0x139: {  	v3 =	vld [tilespmem:s13+$0x0];
	[tilespmem:s10+$0x100] =	vst v2;
	s10 =	smov.u32 s13  }
0x13a: {  	v4 =	vld [tilespmem:s10+$0x100]  }
.Ltmp19:
0x13b: {  	(pc) =	sbr.rel @p0 .LBB2_36-.Ltmp19, $4  }
0x13c: {  	_ = 	snop  }
0x13d: {  	s13 =	sand.u32 $0x10, s11;
	s11 =	smov.u32 s14  }
0x13e: {  	s9 =	sadd.s32 $0x2, s9;
	p1 =	seq.s32 s13, $0x0  }
0x13f: {  	s14 =	sand.u32 $0xE0, s9;
	s13 =	sand.u32 $0xF, s11;
	v2 =	vmin.f32 v3, v4;
	v3 =	vmax.f32 v3, v4  }
0x140: {  	s9 =	sor.u32 s13, s14;
	v4 =	vpsel p1, v2, v3  }
0x141: {  	v2 =	vpsel p1, v3, v2;
	s12 =	sshll.u32 s9, $0x4;
	[tilespmem:s10+$0x0] =	vst v4  }
0x142: {  	v3 =	vld [tilespmem:s12+$0x0];
	[tilespmem:s10+$0x100] =	vst v2  }
0x143: {  	v2 =	vld [tilespmem:s12+$0x100];
	_ =	sdelay $0x2  }
0x144: {  	p1 =	por $0x1, $0x1  }
.Ltmp20:
0x145: {  	s31 =	sand.u32 $0x10, s11;
	(pc) =	sbr.rel @!p1 .LBB2_38-.Ltmp20, $4  }
0x146: {  	p0 =	seq.s32 s31, $0x0;
	v63 =	vmin.f32 v3, v2;
	v2 =	vmax.f32 v3, v2  }
0x147: {  	v3 =	vpsel p0, v63, v2  }
0x148: {  	s9 =	simm.s32 $0x1;
	s10 =	simm.s32 $0x0;
	v2 =	vpsel p0, v2, v63;
	[tilespmem:s12+$0x0] =	vst v3  }
0x149: {  	s15 =	sand.u32 $0x7, s10;
	s16 =	sand.u32 $0xF0, s10;
	p0 =	por $0x0, $0x0;
	[tilespmem:s12+$0x100] =	vst v2  }
0x14a: {  	s11 =	sor.u32 s15, s16  }
0x14b: {  	s11 =	sshll.u32 s11, $0x4  }
0x14c: {  	v3 =	vld [tilespmem:s11+$0x0]  }
0x14d: {  	p4 =	por $0x1, $0x1;
	v4 =	vld [tilespmem:s11+$0x80]  }
.Ltmp21:
0x14e: {  	_ = 	snop;
	(pc) =	sbr.rel @!p4 .LBB2_40-.Ltmp21, $4  }
0x14f: {  	_ = 	snop  }
0x150: {  	s13 =	simm.s32 $0x2;
	s12 =	sand.u32 $0x10, s10  }
0x151: {  	s14 =	simm.s32 $0x2;
	s15 =	sand.u32 $0x7, s9;
	p2 =	por $0x1, $0x1  }
0x152: {  	p3 =	seq.s32 s12, $0x0;
	s16 =	sand.u32 $0xF0, s14;
	s12 =	simm.s32 $0x1;
	v2 =	vmin.f32 v3, v4;
	v3 =	vmax.f32 v3, v4  }
.LBB2_41:
0x153: {  	p4 =	sne.s32 s13, $0x7F  }
0x154: {  	s15 =	sor.u32 s15, s16;
	v4 =	vpsel p3, v2, v3;
	v2 =	vpsel p3, v3, v2;
	s16 =	smov.u32 s13;
	s13 =	sadd.s32 $0x1, s13  }
0x155: {  	s15 =	sshll.u32 s15, $0x4;
	[tilespmem:s11+$0x0] =	vst v4  }
0x156: {  	v3 =	vld [tilespmem:s15+$0x0];
	[tilespmem:s11+$0x80] =	vst v2;
	s11 =	smov.u32 s15  }
0x157: {  	v4 =	vld [tilespmem:s11+$0x80]  }
.Ltmp22:
0x158: {  	(pc) =	sbr.rel @p4 .LBB2_41-.Ltmp22, $4  }
0x159: {  	_ = 	snop  }
0x15a: {  	s15 =	sand.u32 $0x10, s12;
	s12 =	smov.u32 s16  }
0x15b: {  	s14 =	sadd.s32 $0x2, s14;
	p3 =	seq.s32 s15, $0x0  }
0x15c: {  	s16 =	sand.u32 $0xF0, s14;
	s15 =	sand.u32 $0x7, s12;
	v2 =	vmin.f32 v3, v4;
	v3 =	vmax.f32 v3, v4  }
.LBB2_42:
0x15d: {  	p3 =	por !p3, !p2  }
0x15e: {  	s13 =	sor.u32 s15, s16;
	v4 =	vpsel p3, v3, v2  }
0x15f: {  	s13 =	sshll.u32 s13, $0x4;
	v2 =	vpsel p3, v2, v3;
	[tilespmem:s11+$0x0] =	vst @p2 v4  }
0x160: {  	v3 =	vld [tilespmem:s13+$0x0];
	[tilespmem:s11+$0x80] =	vst @p2 v2  }
0x161: {  	v2 =	vld [tilespmem:s13+$0x80];
	_ =	sdelay $0x3  }
.Ltmp23:
0x162: {  	s31 =	sand.u32 $0x10, s12;
	(pc) =	sbr.rel @!p1 .LBB2_43-.Ltmp23, $4  }
0x163: {  	p6 =	seq.s32 s31, $0x0;
	v63 =	vmin.f32 v3, v2;
	v2 =	vmax.f32 v3, v2  }
0x164: {  	v3 =	vpsel p6, v63, v2  }
0x165: {  	v2 =	vpsel p6, v2, v63;
	[tilespmem:s13+$0x0] =	vst v3  }
0x166: {  	s14 =	sand.u32 $0xF8, s10;
	[tilespmem:s13+$0x80] =	vst v2;
	s13 =	sand.u32 $0x3, s10  }
0x167: {  	s11 =	sor.u32 s13, s14  }
0x168: {  	s11 =	sshll.u32 s11, $0x4  }
0x169: {  	v3 =	vld [tilespmem:s11+$0x0]  }
0x16a: {  	p2 =	por $0x1, $0x1;
	v4 =	vld [tilespmem:s11+$0x40]  }
.Ltmp24:
0x16b: {  	_ = 	snop;
	(pc) =	sbr.rel @!p2 .LBB2_45-.Ltmp24, $4  }
0x16c: {  	_ = 	snop  }
0x16d: {  	s12 =	sand.u32 $0x10, s10  }
0x16e: {  	s10 =	simm.s32 $0x2;
	p1 =	seq.s32 s12, $0x0;
	s12 =	simm.s32 $0x2  }
0x16f: {  	s13 =	sand.u32 $0x3, s9;
	p0 =	por $0x1, $0x1;
	s14 =	sand.u32 $0xF8, s12;
	v2 =	vmin.f32 v3, v4;
	v3 =	vmax.f32 v3, v4  }
.LBB2_46:
0x170: {  	p2 =	sne.s32 s10, $0x7F  }
0x171: {  	s13 =	sor.u32 s13, s14;
	v4 =	vpsel p1, v2, v3;
	v2 =	vpsel p1, v3, v2;
	s14 =	smov.u32 s10;
	s10 =	sadd.s32 $0x1, s10  }
0x172: {  	s13 =	sshll.u32 s13, $0x4;
	[tilespmem:s11+$0x0] =	vst v4  }
0x173: {  	v3 =	vld [tilespmem:s13+$0x0];
	[tilespmem:s11+$0x40] =	vst v2;
	s11 =	smov.u32 s13  }
0x174: {  	v4 =	vld [tilespmem:s11+$0x40]  }
.Ltmp25:
0x175: {  	(pc) =	sbr.rel @p2 .LBB2_46-.Ltmp25, $4  }
0x176: {  	_ = 	snop  }
0x177: {  	s13 =	sand.u32 $0x10, s9;
	s9 =	smov.u32 s14  }
0x178: {  	s12 =	sadd.s32 $0x2, s12;
	p1 =	seq.s32 s13, $0x0  }
0x179: {  	s14 =	sand.u32 $0xF8, s12;
	s13 =	sand.u32 $0x3, s9;
	v2 =	vmin.f32 v3, v4;
	v3 =	vmax.f32 v3, v4  }
0x17a: {  	s10 =	smov.u32 s9  }
.LBB2_48:
0x17b: {  	p1 =	por !p1, !p0  }
0x17c: {  	s9 =	sor.u32 s13, s14;
	v4 =	vpsel p1, v3, v2  }
0x17d: {  	s12 =	sshll.u32 s9, $0x4;
	v2 =	vpsel p1, v2, v3;
	[tilespmem:s11+$0x0] =	vst @p0 v4  }
0x17e: {  	v3 =	vld [tilespmem:s12+$0x0];
	[tilespmem:s11+$0x40] =	vst @p0 v2  }
0x17f: {  	v2 =	vld [tilespmem:s12+$0x40];
	_ =	sdelay $0x2  }
0x180: {  	p0 =	por $0x1, $0x1  }
.Ltmp26:
0x181: {  	s31 =	sand.u32 $0x10, s10;
	(pc) =	sbr.rel @!p0 .LBB2_49-.Ltmp26, $4  }
0x182: {  	p6 =	seq.s32 s31, $0x0;
	v63 =	vmin.f32 v3, v2;
	v2 =	vmax.f32 v3, v2  }
0x183: {  	v3 =	vpsel p6, v63, v2  }
0x184: {  	s10 =	simm.s32 $0x1;
	s9 =	simm.s32 $0x0;
	v2 =	vpsel p6, v2, v63;
	[tilespmem:s12+$0x0] =	vst v3  }
0x185: {  	p1 =	por $0x0, $0x0;
	s15 =	sand.u32 $0x1, s9;
	s16 =	sand.u32 $0xFC, s9;
	[tilespmem:s12+$0x40] =	vst v2  }
0x186: {  	s11 =	sor.u32 s15, s16  }
0x187: {  	s11 =	sshll.u32 s11, $0x4  }
0x188: {  	v3 =	vld [tilespmem:s11+$0x0]  }
0x189: {  	p3 =	por $0x1, $0x1;
	v4 =	vld [tilespmem:s11+$0x20]  }
.Ltmp27:
0x18a: {  	_ = 	snop;
	(pc) =	sbr.rel @!p3 .LBB2_51-.Ltmp27, $4  }
0x18b: {  	_ = 	snop  }
0x18c: {  	s13 =	simm.s32 $0x2;
	s12 =	sand.u32 $0x10, s9  }
0x18d: {  	s14 =	simm.s32 $0x2;
	s15 =	sand.u32 $0x1, s10;
	p1 =	por $0x1, $0x1  }
0x18e: {  	p2 =	seq.s32 s12, $0x0;
	s16 =	sand.u32 $0xFC, s14;
	s12 =	simm.s32 $0x1;
	v2 =	vmin.f32 v3, v4;
	v3 =	vmax.f32 v3, v4  }
.LBB2_52:
0x18f: {  	p3 =	sne.s32 s13, $0x7F  }
0x190: {  	s15 =	sor.u32 s15, s16;
	v4 =	vpsel p2, v2, v3;
	v2 =	vpsel p2, v3, v2;
	s16 =	smov.u32 s13;
	s13 =	sadd.s32 $0x1, s13  }
0x191: {  	s15 =	sshll.u32 s15, $0x4;
	[tilespmem:s11+$0x0] =	vst v4  }
0x192: {  	v3 =	vld [tilespmem:s15+$0x0];
	[tilespmem:s11+$0x20] =	vst v2;
	s11 =	smov.u32 s15  }
0x193: {  	v4 =	vld [tilespmem:s11+$0x20]  }
.Ltmp28:
0x194: {  	(pc) =	sbr.rel @p3 .LBB2_52-.Ltmp28, $4  }
0x195: {  	_ = 	snop  }
0x196: {  	s15 =	sand.u32 $0x10, s12;
	s12 =	smov.u32 s16  }
0x197: {  	s14 =	sadd.s32 $0x2, s14;
	p2 =	seq.s32 s15, $0x0  }
0x198: {  	s16 =	sand.u32 $0xFC, s14;
	s15 =	sand.u32 $0x1, s12;
	v2 =	vmin.f32 v3, v4;
	v3 =	vmax.f32 v3, v4  }
.LBB2_53:
0x199: {  	p2 =	por !p2, !p1  }
0x19a: {  	s13 =	sor.u32 s15, s16;
	v4 =	vpsel p2, v3, v2  }
0x19b: {  	s13 =	sshll.u32 s13, $0x4;
	v2 =	vpsel p2, v2, v3;
	[tilespmem:s11+$0x0] =	vst @p1 v4  }
0x19c: {  	v3 =	vld [tilespmem:s13+$0x0];
	[tilespmem:s11+$0x20] =	vst @p1 v2  }
0x19d: {  	v2 =	vld [tilespmem:s13+$0x20];
	_ =	sdelay $0x3  }
0x19e: {  	s31 =	sand.u32 $0x10, s12  }
0x19f: {  	p6 =	seq.s32 s31, $0x0;
	v4 =	vmin.f32 v3, v2;
	v2 =	vmax.f32 v3, v2  }
.Ltmp29:
0x1a0: {  	v3 =	vpsel p6, v4, v2;
	(pc) =	sbr.rel @!p0 .LBB2_55-.Ltmp29, $4  }
0x1a1: {  	v2 =	vpsel p6, v2, v4;
	[tilespmem:s13+$0x0] =	vst v3  }
0x1a2: {  	s11 =	simm.s32 $0x10;
	[tilespmem:s13+$0x20] =	vst v2  }
0x1a3: {  	v2 =	vld [tilespmem:s11+$0xFFFFFFF0]  }
0x1a4: {  	s12 =	simm.s32 $0x10;
	v3 =	vld [tilespmem:s11+$0x0]  }
.LBB2_54:
0x1a5: {  	p0 =	sne.s32 s10, $0x7F;
	_ =	sdelay $0x2  }
.Ltmp30:
0x1a6: {  	s13 =	sand.u32 $0x10, s9;
	s9 =	smov.u32 s10;
	(pc) =	sbr.rel @p0 .LBB2_54-.Ltmp30, $4  }
0x1a7: {  	p1 =	seq.s32 s13, $0x0;
	v4 =	vmin.f32 v2, v3;
	v2 =	vmax.f32 v2, v3  }
0x1a8: {  	s12 =	sadd.s32 $0x20, s12;
	v5 =	vpsel p1, v4, v2;
	v3 =	vpsel p1, v2, v4  }
0x1a9: {  	v2 =	vld [tilespmem:s12+$0xFFFFFFF0];
	[tilespmem:s11+$0x0] =	vst v3  }
0x1aa: {  	s10 =	sadd.s32 $0x1, s10;
	v3 =	vld [tilespmem:s12+$0x0];
	[tilespmem:s11+$0xFFFFFFF0] =	vst v5;
	s11 =	smov.u32 s12  }
.LBB2_55:
0x1ab: {  	_ =	sdelay $0x2  }
0x1ac: {  	s9 =	sand.u32 $0x10, s9  }
0x1ad: {  	p0 =	seq.s32 s9, $0x0;
	v4 =	vmin.f32 v2, v3;
	v2 =	vmax.f32 v2, v3  }
0x1ae: {  	v3 =	vpsel p0, v2, v4  }
0x1af: {  	v2 =	vpsel p0, v4, v2;
	[tilespmem:s11+$0x0] =	vst v3  }
0x1b0: {  	s9 =	simm.s32 $0x0;
	[tilespmem:s11+$0xFFFFFFF0] =	vst v2  }
0x1b1: {  	s12 =	simm.s32 $0x1;
	s10 =	simm.s32 $0x0;
	s11 =	simm.s32 $0x0;
	v2 =	vld [tilespmem:s9+$0x0]  }
.LBB2_56:
0x1b2: {  	p0 =	sne.s32 s12, $0xFF;
	_ =	sdelay $0x3  }
0x1b3: {  	(xrf1) =	vsort.ascd.msk.f32 $0xffff, v2, v2;
	_ =	sdelay $0xd  }
0x1b4: {  	v2, _, _ =	vpop (xrf1)  }
.Ltmp31:
0x1b5: {  	s13 =	sand.u32 $0x20, s11;
	s11 =	smov.u32 s12;
	v3 =	vperm.xlane v2, v1;
	(pc) =	sbr.rel @p0 .LBB2_56-.Ltmp31, $4  }
0x1b6: {  	p1 =	seq.s32 s13, $0x0  }
0x1b7: {  	v2 =	vpsel p1, v2, v3  }
0x1b8: {  	[tilespmem:s10+$0x0] =	vst v2;
	s10 =	sadd.s32 $0x10, s10  }
0x1b9: {  	s12 =	sadd.s32 $0x1, s12;
	v2 =	vld [tilespmem:s10+$0x0]  }
0x1ba: {  	_ =	sdelay $0x3  }
0x1bb: {  	(xrf1) =	vsort.ascd.msk.f32 $0xffff, v2, v2;
	_ =	sdelay $0xd  }
0x1bc: {  	v2, _, _ =	vpop (xrf1)  }
0x1bd: {  	s11 =	sand.u32 $0x20, s11;
	v3 =	vperm.xlane v2, v1  }
0x1be: {  	s31 =	sand.u32 $0x1F, s9;
	s12 =	sand.u32 $0xC0, s9;
	p0 =	seq.s32 s11, $0x0  }
0x1bf: {  	s11 =	sor.u32 s31, s12;
	v2 =	vpsel p0, v2, v3  }
0x1c0: {  	[tilespmem:s10+$0x0] =	vst v2;
	s10 =	sshll.u32 s11, $0x4  }
0x1c1: {  	v3 =	vld [tilespmem:s10+$0x0]  }
0x1c2: {  	v4 =	vld [tilespmem:s10+$0x200];
	_ =	sdelay $0x2  }
0x1c3: {  	s13 =	sand.u32 $0x20, s9  }
0x1c4: {  	s9 =	simm.s32 $0x2;
	s12 =	simm.s32 $0x2;
	s11 =	simm.s32 $0x1  }
0x1c5: {  	p1 =	seq.s32 s13, $0x0;
	s14 =	sand.u32 $0xC0, s9;
	s13 =	sand.u32 $0x1F, s11;
	v2 =	vmin.f32 v3, v4;
	v3 =	vmax.f32 v3, v4  }
.LBB2_58:
0x1c6: {  	p0 =	sne.s32 s12, $0x7F  }
0x1c7: {  	s13 =	sor.u32 s13, s14;
	v4 =	vpsel p1, v2, v3;
	v2 =	vpsel p1, v3, v2;
	s14 =	smov.u32 s12;
	s12 =	sadd.s32 $0x1, s12  }
0x1c8: {  	s13 =	sshll.u32 s13, $0x4;
	[tilespmem:s10+$0x0] =	vst v4  }
0x1c9: {  	v3 =	vld [tilespmem:s13+$0x0];
	[tilespmem:s10+$0x200] =	vst v2;
	s10 =	smov.u32 s13  }
0x1ca: {  	v4 =	vld [tilespmem:s10+$0x200]  }
.Ltmp32:
0x1cb: {  	(pc) =	sbr.rel @p0 .LBB2_58-.Ltmp32, $4  }
0x1cc: {  	_ = 	snop  }
0x1cd: {  	s13 =	sand.u32 $0x20, s11;
	s11 =	smov.u32 s14  }
0x1ce: {  	s9 =	sadd.s32 $0x2, s9;
	p1 =	seq.s32 s13, $0x0  }
0x1cf: {  	s14 =	sand.u32 $0xC0, s9;
	s13 =	sand.u32 $0x1F, s11;
	v2 =	vmin.f32 v3, v4;
	v3 =	vmax.f32 v3, v4  }
0x1d0: {  	s9 =	sor.u32 s13, s14;
	v4 =	vpsel p1, v2, v3  }
0x1d1: {  	v2 =	vpsel p1, v3, v2;
	s12 =	sshll.u32 s9, $0x4;
	[tilespmem:s10+$0x0] =	vst v4  }
0x1d2: {  	v3 =	vld [tilespmem:s12+$0x0];
	[tilespmem:s10+$0x200] =	vst v2  }
0x1d3: {  	v2 =	vld [tilespmem:s12+$0x200];
	_ =	sdelay $0x2  }
0x1d4: {  	p1 =	por $0x1, $0x1  }
.Ltmp33:
0x1d5: {  	s31 =	sand.u32 $0x20, s11;
	(pc) =	sbr.rel @!p1 .LBB2_60-.Ltmp33, $4  }
0x1d6: {  	p0 =	seq.s32 s31, $0x0;
	v63 =	vmin.f32 v3, v2;
	v2 =	vmax.f32 v3, v2  }
0x1d7: {  	v3 =	vpsel p0, v63, v2  }
0x1d8: {  	s9 =	simm.s32 $0x1;
	s10 =	simm.s32 $0x0;
	v2 =	vpsel p0, v2, v63;
	[tilespmem:s12+$0x0] =	vst v3  }
0x1d9: {  	s15 =	sand.u32 $0xF, s10;
	s16 =	sand.u32 $0xE0, s10;
	p0 =	por $0x0, $0x0;
	[tilespmem:s12+$0x200] =	vst v2  }
0x1da: {  	s11 =	sor.u32 s15, s16  }
0x1db: {  	s11 =	sshll.u32 s11, $0x4  }
0x1dc: {  	v3 =	vld [tilespmem:s11+$0x0]  }
0x1dd: {  	p4 =	por $0x1, $0x1;
	v4 =	vld [tilespmem:s11+$0x100]  }
.Ltmp34:
0x1de: {  	_ = 	snop;
	(pc) =	sbr.rel @!p4 .LBB2_62-.Ltmp34, $4  }
0x1df: {  	_ = 	snop  }
0x1e0: {  	s13 =	simm.s32 $0x2;
	s12 =	sand.u32 $0x20, s10  }
0x1e1: {  	s14 =	simm.s32 $0x2;
	s15 =	sand.u32 $0xF, s9;
	p2 =	por $0x1, $0x1  }
0x1e2: {  	p3 =	seq.s32 s12, $0x0;
	s16 =	sand.u32 $0xE0, s14;
	s12 =	simm.s32 $0x1;
	v2 =	vmin.f32 v3, v4;
	v3 =	vmax.f32 v3, v4  }
.LBB2_63:
0x1e3: {  	p4 =	sne.s32 s13, $0x7F  }
0x1e4: {  	s15 =	sor.u32 s15, s16;
	v4 =	vpsel p3, v2, v3;
	v2 =	vpsel p3, v3, v2;
	s16 =	smov.u32 s13;
	s13 =	sadd.s32 $0x1, s13  }
0x1e5: {  	s15 =	sshll.u32 s15, $0x4;
	[tilespmem:s11+$0x0] =	vst v4  }
0x1e6: {  	v3 =	vld [tilespmem:s15+$0x0];
	[tilespmem:s11+$0x100] =	vst v2;
	s11 =	smov.u32 s15  }
0x1e7: {  	v4 =	vld [tilespmem:s11+$0x100]  }
.Ltmp35:
0x1e8: {  	(pc) =	sbr.rel @p4 .LBB2_63-.Ltmp35, $4  }
0x1e9: {  	_ = 	snop  }
0x1ea: {  	s15 =	sand.u32 $0x20, s12;
	s12 =	smov.u32 s16  }
0x1eb: {  	s14 =	sadd.s32 $0x2, s14;
	p3 =	seq.s32 s15, $0x0  }
0x1ec: {  	s16 =	sand.u32 $0xE0, s14;
	s15 =	sand.u32 $0xF, s12;
	v2 =	vmin.f32 v3, v4;
	v3 =	vmax.f32 v3, v4  }
.LBB2_64:
0x1ed: {  	p3 =	por !p3, !p2  }
0x1ee: {  	s13 =	sor.u32 s15, s16;
	v4 =	vpsel p3, v3, v2  }
0x1ef: {  	s13 =	sshll.u32 s13, $0x4;
	v2 =	vpsel p3, v2, v3;
	[tilespmem:s11+$0x0] =	vst @p2 v4  }
0x1f0: {  	v3 =	vld [tilespmem:s13+$0x0];
	[tilespmem:s11+$0x100] =	vst @p2 v2  }
0x1f1: {  	v2 =	vld [tilespmem:s13+$0x100];
	_ =	sdelay $0x3  }
.Ltmp36:
0x1f2: {  	s31 =	sand.u32 $0x20, s12;
	(pc) =	sbr.rel @!p1 .LBB2_65-.Ltmp36, $4  }
0x1f3: {  	p6 =	seq.s32 s31, $0x0;
	v63 =	vmin.f32 v3, v2;
	v2 =	vmax.f32 v3, v2  }
0x1f4: {  	v3 =	vpsel p6, v63, v2  }
0x1f5: {  	v2 =	vpsel p6, v2, v63;
	[tilespmem:s13+$0x0] =	vst v3  }
0x1f6: {  	s14 =	sand.u32 $0xF0, s10;
	[tilespmem:s13+$0x100] =	vst v2;
	s13 =	sand.u32 $0x7, s10  }
0x1f7: {  	s11 =	sor.u32 s13, s14  }
0x1f8: {  	s11 =	sshll.u32 s11, $0x4  }
0x1f9: {  	v3 =	vld [tilespmem:s11+$0x0]  }
0x1fa: {  	p2 =	por $0x1, $0x1;
	v4 =	vld [tilespmem:s11+$0x80]  }
.Ltmp37:
0x1fb: {  	_ = 	snop;
	(pc) =	sbr.rel @!p2 .LBB2_67-.Ltmp37, $4  }
0x1fc: {  	_ = 	snop  }
0x1fd: {  	s12 =	sand.u32 $0x20, s10  }
0x1fe: {  	s10 =	simm.s32 $0x2;
	p1 =	seq.s32 s12, $0x0;
	s12 =	simm.s32 $0x2  }
0x1ff: {  	s13 =	sand.u32 $0x7, s9;
	p0 =	por $0x1, $0x1;
	s14 =	sand.u32 $0xF0, s12;
	v2 =	vmin.f32 v3, v4;
	v3 =	vmax.f32 v3, v4  }
.LBB2_68:
0x200: {  	p2 =	sne.s32 s10, $0x7F  }
0x201: {  	s13 =	sor.u32 s13, s14;
	v4 =	vpsel p1, v2, v3;
	v2 =	vpsel p1, v3, v2;
	s14 =	smov.u32 s10;
	s10 =	sadd.s32 $0x1, s10  }
0x202: {  	s13 =	sshll.u32 s13, $0x4;
	[tilespmem:s11+$0x0] =	vst v4  }
0x203: {  	v3 =	vld [tilespmem:s13+$0x0];
	[tilespmem:s11+$0x80] =	vst v2;
	s11 =	smov.u32 s13  }
0x204: {  	v4 =	vld [tilespmem:s11+$0x80]  }
.Ltmp38:
0x205: {  	(pc) =	sbr.rel @p2 .LBB2_68-.Ltmp38, $4  }
0x206: {  	_ = 	snop  }
0x207: {  	s13 =	sand.u32 $0x20, s9;
	s9 =	smov.u32 s14  }
0x208: {  	s12 =	sadd.s32 $0x2, s12;
	p1 =	seq.s32 s13, $0x0  }
0x209: {  	s14 =	sand.u32 $0xF0, s12;
	s13 =	sand.u32 $0x7, s9;
	v2 =	vmin.f32 v3, v4;
	v3 =	vmax.f32 v3, v4  }
0x20a: {  	s10 =	smov.u32 s9  }
.LBB2_70:
0x20b: {  	p1 =	por !p1, !p0  }
0x20c: {  	s9 =	sor.u32 s13, s14;
	v4 =	vpsel p1, v3, v2  }
0x20d: {  	s12 =	sshll.u32 s9, $0x4;
	v2 =	vpsel p1, v2, v3;
	[tilespmem:s11+$0x0] =	vst @p0 v4  }
0x20e: {  	v3 =	vld [tilespmem:s12+$0x0];
	[tilespmem:s11+$0x80] =	vst @p0 v2  }
0x20f: {  	v2 =	vld [tilespmem:s12+$0x80];
	_ =	sdelay $0x2  }
0x210: {  	p1 =	por $0x1, $0x1  }
.Ltmp39:
0x211: {  	s31 =	sand.u32 $0x20, s10;
	(pc) =	sbr.rel @!p1 .LBB2_71-.Ltmp39, $4  }
0x212: {  	p6 =	seq.s32 s31, $0x0;
	v63 =	vmin.f32 v3, v2;
	v2 =	vmax.f32 v3, v2  }
0x213: {  	v3 =	vpsel p6, v63, v2  }
0x214: {  	s10 =	simm.s32 $0x0;
	s9 =	simm.s32 $0x1;
	v2 =	vpsel p6, v2, v63;
	[tilespmem:s12+$0x0] =	vst v3  }
0x215: {  	s15 =	sand.u32 $0x3, s10;
	s16 =	sand.u32 $0xF8, s10;
	p0 =	por $0x0, $0x0;
	[tilespmem:s12+$0x80] =	vst v2  }
0x216: {  	s11 =	sor.u32 s15, s16  }
0x217: {  	s11 =	sshll.u32 s11, $0x4  }
0x218: {  	v3 =	vld [tilespmem:s11+$0x0]  }
0x219: {  	p4 =	por $0x1, $0x1;
	v4 =	vld [tilespmem:s11+$0x40]  }
.Ltmp40:
0x21a: {  	_ = 	snop;
	(pc) =	sbr.rel @!p4 .LBB2_73-.Ltmp40, $4  }
0x21b: {  	_ = 	snop  }
0x21c: {  	s13 =	simm.s32 $0x2;
	s12 =	sand.u32 $0x20, s10  }
0x21d: {  	s14 =	simm.s32 $0x2;
	s15 =	sand.u32 $0x3, s9;
	p2 =	por $0x1, $0x1  }
0x21e: {  	p3 =	seq.s32 s12, $0x0;
	s16 =	sand.u32 $0xF8, s14;
	s12 =	simm.s32 $0x1;
	v2 =	vmin.f32 v3, v4;
	v3 =	vmax.f32 v3, v4  }
.LBB2_74:
0x21f: {  	p4 =	sne.s32 s13, $0x7F  }
0x220: {  	s15 =	sor.u32 s15, s16;
	v4 =	vpsel p3, v2, v3;
	v2 =	vpsel p3, v3, v2;
	s16 =	smov.u32 s13;
	s13 =	sadd.s32 $0x1, s13  }
0x221: {  	s15 =	sshll.u32 s15, $0x4;
	[tilespmem:s11+$0x0] =	vst v4  }
0x222: {  	v3 =	vld [tilespmem:s15+$0x0];
	[tilespmem:s11+$0x40] =	vst v2;
	s11 =	smov.u32 s15  }
0x223: {  	v4 =	vld [tilespmem:s11+$0x40]  }
.Ltmp41:
0x224: {  	(pc) =	sbr.rel @p4 .LBB2_74-.Ltmp41, $4  }
0x225: {  	_ = 	snop  }
0x226: {  	s15 =	sand.u32 $0x20, s12;
	s12 =	smov.u32 s16  }
0x227: {  	s14 =	sadd.s32 $0x2, s14;
	p3 =	seq.s32 s15, $0x0  }
0x228: {  	s16 =	sand.u32 $0xF8, s14;
	s15 =	sand.u32 $0x3, s12;
	v2 =	vmin.f32 v3, v4;
	v3 =	vmax.f32 v3, v4  }
.LBB2_75:
0x229: {  	p3 =	por !p3, !p2  }
0x22a: {  	s13 =	sor.u32 s15, s16;
	v4 =	vpsel p3, v3, v2  }
0x22b: {  	s13 =	sshll.u32 s13, $0x4;
	v2 =	vpsel p3, v2, v3;
	[tilespmem:s11+$0x0] =	vst @p2 v4  }
0x22c: {  	v3 =	vld [tilespmem:s13+$0x0];
	[tilespmem:s11+$0x40] =	vst @p2 v2  }
0x22d: {  	v2 =	vld [tilespmem:s13+$0x40];
	_ =	sdelay $0x3  }
.Ltmp42:
0x22e: {  	s31 =	sand.u32 $0x20, s12;
	(pc) =	sbr.rel @!p1 .LBB2_76-.Ltmp42, $4  }
0x22f: {  	p6 =	seq.s32 s31, $0x0;
	v63 =	vmin.f32 v3, v2;
	v2 =	vmax.f32 v3, v2  }
0x230: {  	v3 =	vpsel p6, v63, v2  }
0x231: {  	v2 =	vpsel p6, v2, v63;
	[tilespmem:s13+$0x0] =	vst v3  }
0x232: {  	s14 =	sand.u32 $0xFC, s10;
	[tilespmem:s13+$0x40] =	vst v2;
	s13 =	sand.u32 $0x1, s10  }
0x233: {  	s11 =	sor.u32 s13, s14  }
0x234: {  	s11 =	sshll.u32 s11, $0x4  }
0x235: {  	v3 =	vld [tilespmem:s11+$0x0]  }
0x236: {  	p2 =	por $0x1, $0x1;
	v4 =	vld [tilespmem:s11+$0x20]  }
.Ltmp43:
0x237: {  	_ = 	snop;
	(pc) =	sbr.rel @!p2 .LBB2_78-.Ltmp43, $4  }
0x238: {  	_ = 	snop  }
0x239: {  	s12 =	sand.u32 $0x20, s10  }
0x23a: {  	s10 =	simm.s32 $0x2;
	p1 =	seq.s32 s12, $0x0;
	s12 =	simm.s32 $0x2  }
0x23b: {  	s13 =	sand.u32 $0x1, s9;
	p0 =	por $0x1, $0x1;
	s14 =	sand.u32 $0xFC, s12;
	v2 =	vmin.f32 v3, v4;
	v3 =	vmax.f32 v3, v4  }
.LBB2_79:
0x23c: {  	p2 =	sne.s32 s10, $0x7F  }
0x23d: {  	s13 =	sor.u32 s13, s14;
	v4 =	vpsel p1, v2, v3;
	v2 =	vpsel p1, v3, v2;
	s14 =	smov.u32 s10;
	s10 =	sadd.s32 $0x1, s10  }
0x23e: {  	s13 =	sshll.u32 s13, $0x4;
	[tilespmem:s11+$0x0] =	vst v4  }
0x23f: {  	v3 =	vld [tilespmem:s13+$0x0];
	[tilespmem:s11+$0x20] =	vst v2;
	s11 =	smov.u32 s13  }
0x240: {  	v4 =	vld [tilespmem:s11+$0x20]  }
.Ltmp44:
0x241: {  	(pc) =	sbr.rel @p2 .LBB2_79-.Ltmp44, $4  }
0x242: {  	_ = 	snop  }
0x243: {  	s13 =	sand.u32 $0x20, s9;
	s9 =	smov.u32 s14  }
0x244: {  	s12 =	sadd.s32 $0x2, s12;
	p1 =	seq.s32 s13, $0x0  }
0x245: {  	s14 =	sand.u32 $0xFC, s12;
	s13 =	sand.u32 $0x1, s9;
	v2 =	vmin.f32 v3, v4;
	v3 =	vmax.f32 v3, v4  }
0x246: {  	s10 =	smov.u32 s9  }
.LBB2_81:
0x247: {  	p1 =	por !p1, !p0  }
0x248: {  	s9 =	sor.u32 s13, s14;
	v4 =	vpsel p1, v3, v2  }
0x249: {  	s9 =	sshll.u32 s9, $0x4;
	v2 =	vpsel p1, v2, v3;
	[tilespmem:s11+$0x0] =	vst @p0 v4  }
0x24a: {  	v3 =	vld [tilespmem:s9+$0x0];
	[tilespmem:s11+$0x20] =	vst @p0 v2  }
0x24b: {  	v2 =	vld [tilespmem:s9+$0x20];
	_ =	sdelay $0x3  }
0x24c: {  	s10 =	sand.u32 $0x20, s10  }
0x24d: {  	p6 =	seq.s32 s10, $0x0;
	v4 =	vmin.f32 v3, v2;
	v2 =	vmax.f32 v3, v2  }
0x24e: {  	v3 =	vpsel p6, v4, v2  }
0x24f: {  	v2 =	vpsel p6, v2, v4;
	[tilespmem:s9+$0x0] =	vst v3  }
0x250: {  	s11 =	simm.s32 $0x10;
	[tilespmem:s9+$0x20] =	vst v2  }
0x251: {  	s12 =	simm.s32 $0x1;
	v2 =	vld [tilespmem:s11+$0xFFFFFFF0]  }
0x252: {  	s13 =	simm.s32 $0x0;
	s10 =	simm.s32 $0x10;
	s9 =	simm.s32 $0x0;
	v3 =	vld [tilespmem:s11+$0x0]  }
.LBB2_82:
0x253: {  	p0 =	sne.s32 s12, $0x7F;
	_ =	sdelay $0x2  }
.Ltmp45:
0x254: {  	s14 =	sand.u32 $0x20, s13;
	s13 =	smov.u32 s12;
	(pc) =	sbr.rel @p0 .LBB2_82-.Ltmp45, $4  }
0x255: {  	p1 =	seq.s32 s14, $0x0;
	v4 =	vmin.f32 v2, v3;
	v2 =	vmax.f32 v2, v3  }
0x256: {  	s11 =	sadd.s32 $0x20, s11;
	v5 =	vpsel p1, v4, v2;
	v3 =	vpsel p1, v2, v4  }
0x257: {  	v2 =	vld [tilespmem:s11+$0xFFFFFFF0];
	[tilespmem:s10+$0x0] =	vst v3  }
0x258: {  	s12 =	sadd.s32 $0x1, s12;
	v3 =	vld [tilespmem:s11+$0x0];
	[tilespmem:s10+$0xFFFFFFF0] =	vst v5;
	s10 =	smov.u32 s11  }
0x259: {  	_ =	sdelay $0x2  }
0x25a: {  	s11 =	sand.u32 $0x20, s13  }
0x25b: {  	p0 =	seq.s32 s11, $0x0;
	v4 =	vmin.f32 v2, v3;
	v2 =	vmax.f32 v2, v3  }
0x25c: {  	v3 =	vpsel p0, v2, v4  }
0x25d: {  	v2 =	vpsel p0, v4, v2;
	[tilespmem:s10+$0x0] =	vst v3  }
0x25e: {  	[tilespmem:s10+$0xFFFFFFF0] =	vst v2  }
0x25f: {  	s11 =	simm.s32 $0x0;
	s10 =	simm.s32 $0x1;
	v2 =	vld [tilespmem:s9+$0x0]  }
.LBB2_84:
0x260: {  	p0 =	sne.s32 s10, $0xFF;
	_ =	sdelay $0x3  }
0x261: {  	(xrf1) =	vsort.ascd.msk.f32 $0xffff, v2, v2;
	_ =	sdelay $0xd  }
0x262: {  	v2, _, _ =	vpop (xrf1)  }
.Ltmp46:
0x263: {  	s12 =	sand.u32 $0x40, s9;
	s9 =	smov.u32 s10;
	v3 =	vperm.xlane v2, v1;
	(pc) =	sbr.rel @p0 .LBB2_84-.Ltmp46, $4  }
0x264: {  	p1 =	seq.s32 s12, $0x0  }
0x265: {  	v2 =	vpsel p1, v2, v3  }
0x266: {  	[tilespmem:s11+$0x0] =	vst v2;
	s11 =	sadd.s32 $0x10, s11  }
0x267: {  	s10 =	sadd.s32 $0x1, s10;
	v2 =	vld [tilespmem:s11+$0x0]  }
0x268: {  	_ =	sdelay $0x3  }
0x269: {  	(xrf1) =	vsort.ascd.msk.f32 $0xffff, v2, v2;
	_ =	sdelay $0xd  }
0x26a: {  	v2, _, _ =	vpop (xrf1)  }
0x26b: {  	s9 =	sand.u32 $0x40, s9;
	s10 =	simm.s32 $0x0;
	v3 =	vperm.xlane v2, v1  }
0x26c: {  	p0 =	seq.s32 s9, $0x0;
	s31 =	sand.u32 $0x3F, s10;
	s12 =	sand.u32 $0x80, s10  }
0x26d: {  	s9 =	sor.u32 s31, s12;
	v2 =	vpsel p0, v2, v3  }
0x26e: {  	[tilespmem:s11+$0x0] =	vst v2;
	s11 =	sshll.u32 s9, $0x4  }
0x26f: {  	v3 =	vld [tilespmem:s11+$0x0]  }
0x270: {  	v4 =	vld [tilespmem:s11+$0x400];
	_ =	sdelay $0x2  }
0x271: {  	s13 =	simm.s32 $0x2  }
0x272: {  	p1 =	por $0x1, $0x1;
	s14 =	simm.s32 $0x2;
	s9 =	simm.s32 $0x1  }
0x273: {  	s16 =	sand.u32 $0x80, s14;
	s12 =	simm.s32 $0x1;
	s15 =	sand.u32 $0x3F, s9;
	v2 =	vmin.f32 v3, v4;
	v3 =	vmax.f32 v3, v4  }
.LBB2_86:
0x274: {  	p0 =	sne.s32 s13, $0x7F  }
0x275: {  	s15 =	sor.u32 s15, s16;
	v4 =	vpsel p1, v2, v3;
	v2 =	vpsel p1, v3, v2;
	s16 =	smov.u32 s13;
	s13 =	sadd.s32 $0x1, s13  }
0x276: {  	s15 =	sshll.u32 s15, $0x4;
	[tilespmem:s11+$0x0] =	vst v4  }
0x277: {  	v3 =	vld [tilespmem:s15+$0x0];
	[tilespmem:s11+$0x400] =	vst v2;
	s11 =	smov.u32 s15  }
0x278: {  	v4 =	vld [tilespmem:s11+$0x400]  }
.Ltmp47:
0x279: {  	(pc) =	sbr.rel @p0 .LBB2_86-.Ltmp47, $3  }
0x27a: {  	_ =	sdelay $0x1  }
0x27b: {  	p1 =	slt.u32 s12, $0x40;
	s14 =	sadd.s32 $0x2, s14;
	s12 =	smov.u32 s16  }
0x27c: {  	s16 =	sand.u32 $0x80, s14;
	s15 =	sand.u32 $0x3F, s12;
	v2 =	vmin.f32 v3, v4;
	v3 =	vmax.f32 v3, v4  }
0x27d: {  	s13 =	sor.u32 s15, s16;
	v4 =	vpsel p1, v2, v3  }
0x27e: {  	v2 =	vpsel p1, v3, v2;
	s13 =	sshll.u32 s13, $0x4;
	[tilespmem:s11+$0x0] =	vst v4  }
0x27f: {  	v3 =	vld [tilespmem:s13+$0x0];
	[tilespmem:s11+$0x400] =	vst v2  }
0x280: {  	v2 =	vld [tilespmem:s13+$0x400];
	_ =	sdelay $0x4  }
0x281: {  	p0 =	slt.u32 s12, $0x40;
	v4 =	vmin.f32 v3, v2;
	v2 =	vmax.f32 v3, v2  }
0x282: {  	s30 =	sand.u32 $0x1F, s10;
	s31 =	sand.u32 $0xC0, s10;
	v3 =	vpsel p0, v4, v2  }
0x283: {  	s10 =	sor.u32 s30, s31;
	v2 =	vpsel p0, v2, v4;
	[tilespmem:s13+$0x0] =	vst v3  }
0x284: {  	s10 =	sshll.u32 s10, $0x4;
	[tilespmem:s13+$0x400] =	vst v2  }
0x285: {  	v3 =	vld [tilespmem:s10+$0x0]  }
0x286: {  	v4 =	vld [tilespmem:s10+$0x200];
	_ =	sdelay $0x3  }
0x287: {  	s12 =	simm.s32 $0x2;
	p1 =	por $0x1, $0x1  }
0x288: {  	s14 =	sand.u32 $0xC0, s12;
	s11 =	simm.s32 $0x2;
	s13 =	sand.u32 $0x1F, s9;
	v2 =	vmin.f32 v3, v4;
	v3 =	vmax.f32 v3, v4  }
.LBB2_88:
0x289: {  	p0 =	sne.s32 s11, $0x7F  }
0x28a: {  	s13 =	sor.u32 s13, s14;
	v4 =	vpsel p1, v2, v3;
	v2 =	vpsel p1, v3, v2;
	s14 =	smov.u32 s11;
	s11 =	sadd.s32 $0x1, s11  }
0x28b: {  	s13 =	sshll.u32 s13, $0x4;
	[tilespmem:s10+$0x0] =	vst v4  }
0x28c: {  	v3 =	vld [tilespmem:s13+$0x0];
	[tilespmem:s10+$0x200] =	vst v2;
	s10 =	smov.u32 s13  }
0x28d: {  	v4 =	vld [tilespmem:s10+$0x200]  }
.Ltmp48:
0x28e: {  	(pc) =	sbr.rel @p0 .LBB2_88-.Ltmp48, $3  }
0x28f: {  	_ =	sdelay $0x1  }
0x290: {  	p1 =	slt.u32 s9, $0x40;
	s12 =	sadd.s32 $0x2, s12;
	s9 =	smov.u32 s14  }
0x291: {  	s14 =	sand.u32 $0xC0, s12;
	s13 =	sand.u32 $0x1F, s9;
	v2 =	vmin.f32 v3, v4;
	v3 =	vmax.f32 v3, v4  }
0x292: {  	s11 =	sor.u32 s13, s14;
	v4 =	vpsel p1, v2, v3  }
0x293: {  	v2 =	vpsel p1, v3, v2;
	s11 =	sshll.u32 s11, $0x4;
	[tilespmem:s10+$0x0] =	vst v4  }
0x294: {  	v3 =	vld [tilespmem:s11+$0x0];
	[tilespmem:s10+$0x200] =	vst v2  }
0x295: {  	v2 =	vld [tilespmem:s11+$0x200];
	_ =	sdelay $0x2  }
0x296: {  	p1 =	por $0x1, $0x1  }
.Ltmp49:
0x297: {  	_ = 	snop;
	(pc) =	sbr.rel @!p1 .LBB2_90-.Ltmp49, $4  }
0x298: {  	p0 =	slt.u32 s9, $0x40;
	v63 =	vmin.f32 v3, v2;
	v2 =	vmax.f32 v3, v2  }
0x299: {  	v3 =	vpsel p0, v63, v2  }
0x29a: {  	s9 =	simm.s32 $0x1;
	s10 =	simm.s32 $0x0;
	v2 =	vpsel p0, v2, v63;
	[tilespmem:s11+$0x0] =	vst v3  }
0x29b: {  	s15 =	sand.u32 $0xF, s10;
	s16 =	sand.u32 $0xE0, s10;
	p0 =	por $0x0, $0x0;
	[tilespmem:s11+$0x200] =	vst v2  }
0x29c: {  	s11 =	sor.u32 s15, s16  }
0x29d: {  	s11 =	sshll.u32 s11, $0x4  }
0x29e: {  	v3 =	vld [tilespmem:s11+$0x0]  }
0x29f: {  	p4 =	por $0x1, $0x1;
	v4 =	vld [tilespmem:s11+$0x100]  }
.Ltmp50:
0x2a0: {  	_ = 	snop;
	(pc) =	sbr.rel @!p4 .LBB2_92-.Ltmp50, $4  }
0x2a1: {  	_ = 	snop  }
0x2a2: {  	s13 =	simm.s32 $0x2  }
0x2a3: {  	p3 =	por $0x1, $0x1;
	s14 =	simm.s32 $0x2;
	s15 =	sand.u32 $0xF, s9  }
0x2a4: {  	p2 =	por $0x1, $0x1;
	s12 =	simm.s32 $0x1;
	s16 =	sand.u32 $0xE0, s14;
	v2 =	vmin.f32 v3, v4;
	v3 =	vmax.f32 v3, v4  }
.LBB2_93:
0x2a5: {  	p4 =	sne.s32 s13, $0x7F  }
0x2a6: {  	s15 =	sor.u32 s15, s16;
	v4 =	vpsel p3, v2, v3;
	v2 =	vpsel p3, v3, v2;
	s16 =	smov.u32 s13;
	s13 =	sadd.s32 $0x1, s13  }
0x2a7: {  	s15 =	sshll.u32 s15, $0x4;
	[tilespmem:s11+$0x0] =	vst v4  }
0x2a8: {  	v3 =	vld [tilespmem:s15+$0x0];
	[tilespmem:s11+$0x100] =	vst v2;
	s11 =	smov.u32 s15  }
0x2a9: {  	v4 =	vld [tilespmem:s11+$0x100]  }
.Ltmp51:
0x2aa: {  	(pc) =	sbr.rel @p4 .LBB2_93-.Ltmp51, $3  }
0x2ab: {  	_ =	sdelay $0x1  }
0x2ac: {  	p3 =	slt.u32 s12, $0x40;
	s14 =	sadd.s32 $0x2, s14;
	s12 =	smov.u32 s16  }
0x2ad: {  	s16 =	sand.u32 $0xE0, s14;
	s15 =	sand.u32 $0xF, s12;
	v2 =	vmin.f32 v3, v4;
	v3 =	vmax.f32 v3, v4  }
.LBB2_94:
0x2ae: {  	p3 =	por !p3, !p2  }
0x2af: {  	s13 =	sor.u32 s15, s16;
	v4 =	vpsel p3, v3, v2  }
0x2b0: {  	s13 =	sshll.u32 s13, $0x4;
	v2 =	vpsel p3, v2, v3;
	[tilespmem:s11+$0x0] =	vst @p2 v4  }
0x2b1: {  	v3 =	vld [tilespmem:s13+$0x0];
	[tilespmem:s11+$0x100] =	vst @p2 v2  }
0x2b2: {  	v2 =	vld [tilespmem:s13+$0x100];
	_ =	sdelay $0x3  }
.Ltmp52:
0x2b3: {  	_ = 	snop;
	(pc) =	sbr.rel @!p1 .LBB2_95-.Ltmp52, $4  }
0x2b4: {  	p6 =	slt.u32 s12, $0x40;
	v63 =	vmin.f32 v3, v2;
	v2 =	vmax.f32 v3, v2  }
0x2b5: {  	v3 =	vpsel p6, v63, v2  }
0x2b6: {  	v2 =	vpsel p6, v2, v63;
	[tilespmem:s13+$0x0] =	vst v3  }
0x2b7: {  	s14 =	sand.u32 $0xF0, s10;
	[tilespmem:s13+$0x100] =	vst v2;
	s13 =	sand.u32 $0x7, s10  }
0x2b8: {  	s10 =	sor.u32 s13, s14  }
0x2b9: {  	s11 =	sshll.u32 s10, $0x4  }
0x2ba: {  	v3 =	vld [tilespmem:s11+$0x0]  }
0x2bb: {  	p2 =	por $0x1, $0x1;
	v4 =	vld [tilespmem:s11+$0x80]  }
.Ltmp53:
0x2bc: {  	_ = 	snop;
	(pc) =	sbr.rel @!p2 .LBB2_97-.Ltmp53, $3  }
0x2bd: {  	_ =	sdelay $0x1  }
0x2be: {  	p1 =	por $0x1, $0x1;
	s12 =	simm.s32 $0x2;
	s13 =	sand.u32 $0x7, s9  }
0x2bf: {  	p0 =	por $0x1, $0x1;
	s10 =	simm.s32 $0x2;
	s14 =	sand.u32 $0xF0, s12;
	v2 =	vmin.f32 v3, v4;
	v3 =	vmax.f32 v3, v4  }
.LBB2_98:
0x2c0: {  	p2 =	sne.s32 s10, $0x7F  }
0x2c1: {  	s13 =	sor.u32 s13, s14;
	v4 =	vpsel p1, v2, v3;
	v2 =	vpsel p1, v3, v2;
	s14 =	smov.u32 s10;
	s10 =	sadd.s32 $0x1, s10  }
0x2c2: {  	s13 =	sshll.u32 s13, $0x4;
	[tilespmem:s11+$0x0] =	vst v4  }
0x2c3: {  	v3 =	vld [tilespmem:s13+$0x0];
	[tilespmem:s11+$0x80] =	vst v2;
	s11 =	smov.u32 s13  }
0x2c4: {  	v4 =	vld [tilespmem:s11+$0x80]  }
.Ltmp54:
0x2c5: {  	(pc) =	sbr.rel @p2 .LBB2_98-.Ltmp54, $3  }
0x2c6: {  	_ =	sdelay $0x1  }
0x2c7: {  	p1 =	slt.u32 s9, $0x40;
	s12 =	sadd.s32 $0x2, s12;
	s9 =	smov.u32 s14  }
0x2c8: {  	s14 =	sand.u32 $0xF0, s12;
	s13 =	sand.u32 $0x7, s9;
	v2 =	vmin.f32 v3, v4;
	v3 =	vmax.f32 v3, v4  }
0x2c9: {  	s10 =	smov.u32 s9  }
.LBB2_100:
0x2ca: {  	p1 =	por !p1, !p0  }
0x2cb: {  	s9 =	sor.u32 s13, s14;
	v4 =	vpsel p1, v3, v2  }
0x2cc: {  	s12 =	sshll.u32 s9, $0x4;
	v2 =	vpsel p1, v2, v3;
	[tilespmem:s11+$0x0] =	vst @p0 v4  }
0x2cd: {  	v3 =	vld [tilespmem:s12+$0x0];
	[tilespmem:s11+$0x80] =	vst @p0 v2  }
0x2ce: {  	v2 =	vld [tilespmem:s12+$0x80];
	_ =	sdelay $0x2  }
0x2cf: {  	p1 =	por $0x1, $0x1  }
.Ltmp55:
0x2d0: {  	_ = 	snop;
	(pc) =	sbr.rel @!p1 .LBB2_101-.Ltmp55, $4  }
0x2d1: {  	p6 =	slt.u32 s10, $0x40;
	v63 =	vmin.f32 v3, v2;
	v2 =	vmax.f32 v3, v2  }
0x2d2: {  	v3 =	vpsel p6, v63, v2  }
0x2d3: {  	s10 =	simm.s32 $0x0;
	s9 =	simm.s32 $0x1;
	v2 =	vpsel p6, v2, v63;
	[tilespmem:s12+$0x0] =	vst v3  }
0x2d4: {  	s15 =	sand.u32 $0x3, s10;
	s16 =	sand.u32 $0xF8, s10;
	p0 =	por $0x0, $0x0;
	[tilespmem:s12+$0x80] =	vst v2  }
0x2d5: {  	s11 =	sor.u32 s15, s16  }
0x2d6: {  	s11 =	sshll.u32 s11, $0x4  }
0x2d7: {  	v3 =	vld [tilespmem:s11+$0x0]  }
0x2d8: {  	p4 =	por $0x1, $0x1;
	v4 =	vld [tilespmem:s11+$0x40]  }
.Ltmp56:
0x2d9: {  	_ = 	snop;
	(pc) =	sbr.rel @!p4 .LBB2_103-.Ltmp56, $4  }
0x2da: {  	_ = 	snop  }
0x2db: {  	s13 =	simm.s32 $0x2  }
0x2dc: {  	p3 =	por $0x1, $0x1;
	s14 =	simm.s32 $0x2;
	s15 =	sand.u32 $0x3, s9  }
0x2dd: {  	p2 =	por $0x1, $0x1;
	s12 =	simm.s32 $0x1;
	s16 =	sand.u32 $0xF8, s14;
	v2 =	vmin.f32 v3, v4;
	v3 =	vmax.f32 v3, v4  }
.LBB2_104:
0x2de: {  	p4 =	sne.s32 s13, $0x7F  }
0x2df: {  	s15 =	sor.u32 s15, s16;
	v4 =	vpsel p3, v2, v3;
	v2 =	vpsel p3, v3, v2;
	s16 =	smov.u32 s13;
	s13 =	sadd.s32 $0x1, s13  }
0x2e0: {  	s15 =	sshll.u32 s15, $0x4;
	[tilespmem:s11+$0x0] =	vst v4  }
0x2e1: {  	v3 =	vld [tilespmem:s15+$0x0];
	[tilespmem:s11+$0x40] =	vst v2;
	s11 =	smov.u32 s15  }
0x2e2: {  	v4 =	vld [tilespmem:s11+$0x40]  }
.Ltmp57:
0x2e3: {  	(pc) =	sbr.rel @p4 .LBB2_104-.Ltmp57, $3  }
0x2e4: {  	_ =	sdelay $0x1  }
0x2e5: {  	p3 =	slt.u32 s12, $0x40;
	s14 =	sadd.s32 $0x2, s14;
	s12 =	smov.u32 s16  }
0x2e6: {  	s16 =	sand.u32 $0xF8, s14;
	s15 =	sand.u32 $0x3, s12;
	v2 =	vmin.f32 v3, v4;
	v3 =	vmax.f32 v3, v4  }
.LBB2_105:
0x2e7: {  	p3 =	por !p3, !p2  }
0x2e8: {  	s13 =	sor.u32 s15, s16;
	v4 =	vpsel p3, v3, v2  }
0x2e9: {  	s13 =	sshll.u32 s13, $0x4;
	v2 =	vpsel p3, v2, v3;
	[tilespmem:s11+$0x0] =	vst @p2 v4  }
0x2ea: {  	v3 =	vld [tilespmem:s13+$0x0];
	[tilespmem:s11+$0x40] =	vst @p2 v2  }
0x2eb: {  	v2 =	vld [tilespmem:s13+$0x40];
	_ =	sdelay $0x3  }
.Ltmp58:
0x2ec: {  	_ = 	snop;
	(pc) =	sbr.rel @!p1 .LBB2_106-.Ltmp58, $4  }
0x2ed: {  	p6 =	slt.u32 s12, $0x40;
	v63 =	vmin.f32 v3, v2;
	v2 =	vmax.f32 v3, v2  }
0x2ee: {  	v3 =	vpsel p6, v63, v2  }
0x2ef: {  	v2 =	vpsel p6, v2, v63;
	[tilespmem:s13+$0x0] =	vst v3  }
0x2f0: {  	s14 =	sand.u32 $0xFC, s10;
	[tilespmem:s13+$0x40] =	vst v2;
	s13 =	sand.u32 $0x1, s10  }
0x2f1: {  	s10 =	sor.u32 s13, s14  }
0x2f2: {  	s11 =	sshll.u32 s10, $0x4  }
0x2f3: {  	v3 =	vld [tilespmem:s11+$0x0]  }
0x2f4: {  	p2 =	por $0x1, $0x1;
	v4 =	vld [tilespmem:s11+$0x20]  }
.Ltmp59:
0x2f5: {  	_ = 	snop;
	(pc) =	sbr.rel @!p2 .LBB2_108-.Ltmp59, $3  }
0x2f6: {  	_ =	sdelay $0x1  }
0x2f7: {  	p1 =	por $0x1, $0x1;
	s12 =	simm.s32 $0x2;
	s13 =	sand.u32 $0x1, s9  }
0x2f8: {  	p0 =	por $0x1, $0x1;
	s10 =	simm.s32 $0x2;
	s14 =	sand.u32 $0xFC, s12;
	v2 =	vmin.f32 v3, v4;
	v3 =	vmax.f32 v3, v4  }
.LBB2_109:
0x2f9: {  	p2 =	sne.s32 s10, $0x7F  }
0x2fa: {  	s13 =	sor.u32 s13, s14;
	v4 =	vpsel p1, v2, v3;
	v2 =	vpsel p1, v3, v2;
	s14 =	smov.u32 s10;
	s10 =	sadd.s32 $0x1, s10  }
0x2fb: {  	s13 =	sshll.u32 s13, $0x4;
	[tilespmem:s11+$0x0] =	vst v4  }
0x2fc: {  	v3 =	vld [tilespmem:s13+$0x0];
	[tilespmem:s11+$0x20] =	vst v2;
	s11 =	smov.u32 s13  }
0x2fd: {  	v4 =	vld [tilespmem:s11+$0x20]  }
.Ltmp60:
0x2fe: {  	(pc) =	sbr.rel @p2 .LBB2_109-.Ltmp60, $3  }
0x2ff: {  	_ =	sdelay $0x1  }
0x300: {  	p1 =	slt.u32 s9, $0x40;
	s12 =	sadd.s32 $0x2, s12;
	s9 =	smov.u32 s14  }
0x301: {  	s14 =	sand.u32 $0xFC, s12;
	s13 =	sand.u32 $0x1, s9;
	v2 =	vmin.f32 v3, v4;
	v3 =	vmax.f32 v3, v4  }
0x302: {  	s10 =	smov.u32 s9  }
.LBB2_111:
0x303: {  	p1 =	por !p1, !p0  }
0x304: {  	s9 =	sor.u32 s13, s14;
	v4 =	vpsel p1, v3, v2  }
0x305: {  	s9 =	sshll.u32 s9, $0x4;
	v2 =	vpsel p1, v2, v3;
	[tilespmem:s11+$0x0] =	vst @p0 v4  }
0x306: {  	v3 =	vld [tilespmem:s9+$0x0];
	[tilespmem:s11+$0x20] =	vst @p0 v2  }
0x307: {  	v2 =	vld [tilespmem:s9+$0x20];
	_ =	sdelay $0x4  }
0x308: {  	p6 =	slt.u32 s10, $0x40;
	v4 =	vmin.f32 v3, v2;
	v2 =	vmax.f32 v3, v2  }
0x309: {  	v3 =	vpsel p6, v4, v2  }
0x30a: {  	v2 =	vpsel p6, v2, v4;
	[tilespmem:s9+$0x0] =	vst v3  }
0x30b: {  	s11 =	simm.s32 $0x10;
	[tilespmem:s9+$0x20] =	vst v2  }
0x30c: {  	s12 =	simm.s32 $0x1;
	v2 =	vld [tilespmem:s11+$0xFFFFFFF0]  }
0x30d: {  	s13 =	simm.s32 $0x0;
	s10 =	simm.s32 $0x10;
	s9 =	simm.s32 $0x0;
	v3 =	vld [tilespmem:s11+$0x0]  }
.LBB2_112:
0x30e: {  	p0 =	sne.s32 s12, $0x7F;
	_ =	sdelay $0x2  }
.Ltmp61:
0x30f: {  	(pc) =	sbr.rel @p0 .LBB2_112-.Ltmp61, $4  }
0x310: {  	p1 =	slt.u32 s13, $0x40;
	s13 =	smov.u32 s12;
	v4 =	vmin.f32 v2, v3;
	v2 =	vmax.f32 v2, v3  }
0x311: {  	s11 =	sadd.s32 $0x20, s11;
	v5 =	vpsel p1, v4, v2;
	v3 =	vpsel p1, v2, v4  }
0x312: {  	v2 =	vld [tilespmem:s11+$0xFFFFFFF0];
	[tilespmem:s10+$0x0] =	vst v3  }
0x313: {  	s12 =	sadd.s32 $0x1, s12;
	v3 =	vld [tilespmem:s11+$0x0];
	[tilespmem:s10+$0xFFFFFFF0] =	vst v5;
	s10 =	smov.u32 s11  }
0x314: {  	_ =	sdelay $0x3  }
0x315: {  	p0 =	slt.u32 s13, $0x40;
	v4 =	vmin.f32 v2, v3;
	v2 =	vmax.f32 v2, v3  }
0x316: {  	v3 =	vpsel p0, v2, v4  }
0x317: {  	v2 =	vpsel p0, v4, v2;
	[tilespmem:s10+$0x0] =	vst v3  }
0x318: {  	[tilespmem:s10+$0xFFFFFFF0] =	vst v2  }
0x319: {  	s11 =	simm.s32 $0x1;
	s10 =	simm.s32 $0x0;
	v2 =	vld [tilespmem:s9+$0x0]  }
.LBB2_114:
0x31a: {  	p0 =	sne.s32 s11, $0xFF;
	_ =	sdelay $0x3  }
0x31b: {  	(xrf1) =	vsort.ascd.msk.f32 $0xffff, v2, v2;
	_ =	sdelay $0xd  }
0x31c: {  	v2, _, _ =	vpop (xrf1)  }
.Ltmp62:
0x31d: {  	v3 =	vperm.xlane v2, v1;
	(pc) =	sbr.rel @p0 .LBB2_114-.Ltmp62, $4  }
0x31e: {  	p1 =	slt.u32 s9, $0x80;
	s9 =	smov.u32 s11  }
0x31f: {  	v2 =	vpsel p1, v2, v3  }
0x320: {  	[tilespmem:s10+$0x0] =	vst v2;
	s10 =	sadd.s32 $0x10, s10  }
0x321: {  	s11 =	sadd.s32 $0x1, s11;
	v2 =	vld [tilespmem:s10+$0x0]  }
0x322: {  	_ =	sdelay $0x3  }
0x323: {  	(xrf1) =	vsort.ascd.msk.f32 $0xffff, v2, v2;
	_ =	sdelay $0xd  }
0x324: {  	v2, _, _ =	vpop (xrf1)  }
0x325: {  	v3 =	vperm.xlane v2, v1  }
0x326: {  	p0 =	slt.u32 s9, $0x80  }
0x327: {  	v2 =	vpsel p0, v2, v3  }
0x328: {  	s9 =	simm.s32 $0x0;
	[tilespmem:s10+$0x0] =	vst v2  }
0x329: {  	v2 =	vld [tilespmem:s9+$0x0]  }
0x32a: {  	s11 =	simm.s32 $0x40;
	s10 =	simm.s32 $0x0;
	v3 =	vld [tilespmem:s9+$0x800]  }
.LBB2_116:
0x32b: {  	_ =	sdelay $0x1  }
0x32c: {  	p0 =	sne.s32 s11, $0x1FC0  }
.Ltmp63:
0x32d: {  	_ = 	snop;
	(pc) =	sbr.rel @p0 .LBB2_116-.Ltmp63, $4  }
0x32e: {  	s12 =	smov.u32 s11;
	v4 =	vmin.f32 v2, v3  }
0x32f: {  	s12 =	sshra.s32 s12, $0x2;
	v3 =	vmax.f32 v2, v3;
	[tilespmem:s9+$0x0] =	vst v4  }
0x330: {  	v2 =	vld [tilespmem:s12+$0x0];
	[tilespmem:s9+$0x800] =	vst v3;
	s9 =	smov.u32 s12  }
0x331: {  	s11 =	sadd.s32 $0x40, s11;
	v3 =	vld [tilespmem:s9+$0x800]  }
0x332: {  	_ =	sdelay $0x3  }
0x333: {  	s11 =	sand.u32 $0x3F, s10;
	s31 =	sand.u32 $0x80, s10;
	v4 =	vmin.f32 v2, v3  }
0x334: {  	s10 =	sor.u32 s11, s31;
	v2 =	vmax.f32 v2, v3;
	[tilespmem:s9+$0x0] =	vst v4  }
0x335: {  	[tilespmem:s9+$0x800] =	vst v2;
	s9 =	sshll.u32 s10, $0x4  }
0x336: {  	v2 =	vld [tilespmem:s9+$0x0]  }
0x337: {  	v3 =	vld [tilespmem:s9+$0x400];
	_ =	sdelay $0x1  }
0x338: {  	s12 =	simm.s32 $0x1;
	s10 =	simm.s32 $0x2  }
0x339: {  	s11 =	simm.s32 $0x2;
	s12 =	sand.u32 $0x3F, s12;
	s13 =	sand.u32 $0x80, s10  }
.LBB2_118:
0x33a: {  	p0 =	sne.s32 s11, $0x7F  }
0x33b: {  	s12 =	sor.u32 s12, s13;
	v4 =	vmin.f32 v2, v3;
	v3 =	vmax.f32 v2, v3;
	s13 =	smov.u32 s11;
	s11 =	sadd.s32 $0x1, s11  }
0x33c: {  	s12 =	sshll.u32 s12, $0x4;
	[tilespmem:s9+$0x0] =	vst v4  }
0x33d: {  	v2 =	vld [tilespmem:s12+$0x0];
	[tilespmem:s9+$0x400] =	vst v3;
	s9 =	smov.u32 s12  }
.Ltmp64:
0x33e: {  	v3 =	vld [tilespmem:s9+$0x400];
	(pc) =	sbr.rel @p0 .LBB2_118-.Ltmp64, $3  }
0x33f: {  	_ =	sdelay $0x1  }
0x340: {  	s10 =	sadd.s32 $0x2, s10  }
0x341: {  	s12 =	sand.u32 $0x3F, s13;
	s13 =	sand.u32 $0x80, s10  }
0x342: {  	s10 =	sor.u32 s12, s13;
	v4 =	vmin.f32 v2, v3  }
0x343: {  	v2 =	vmax.f32 v2, v3;
	s11 =	sshll.u32 s10, $0x4;
	[tilespmem:s9+$0x0] =	vst v4  }
0x344: {  	v3 =	vld [tilespmem:s11+$0x0];
	[tilespmem:s9+$0x400] =	vst v2  }
0x345: {  	v2 =	vld [tilespmem:s11+$0x400];
	_ =	sdelay $0x1  }
0x346: {  	p1 =	por $0x1, $0x1  }
.Ltmp65:
0x347: {  	_ = 	snop;
	(pc) =	sbr.rel @!p1 .LBB2_120-.Ltmp65, $4  }
0x348: {  	_ = 	snop  }
0x349: {  	v63 =	vmin.f32 v3, v2  }
0x34a: {  	p0 =	por $0x0, $0x0;
	s10 =	simm.s32 $0x0;
	v2 =	vmax.f32 v3, v2;
	[tilespmem:s11+$0x0] =	vst v63  }
0x34b: {  	s9 =	simm.s32 $0x1;
	s14 =	sand.u32 $0x1F, s10;
	s15 =	sand.u32 $0xC0, s10;
	[tilespmem:s11+$0x400] =	vst v2  }
0x34c: {  	s11 =	sor.u32 s14, s15  }
0x34d: {  	p3 =	por $0x1, $0x1;
	s11 =	sshll.u32 s11, $0x4  }
.Ltmp66:
0x34e: {  	v2 =	vld [tilespmem:s11+$0x0];
	(pc) =	sbr.rel @!p3 .LBB2_123-.Ltmp66, $3  }
0x34f: {  	v3 =	vld [tilespmem:s11+$0x200];
	_ =	sdelay $0x1  }
0x350: {  	s12 =	simm.s32 $0x2;
	s13 =	simm.s32 $0x2  }
0x351: {  	s14 =	sand.u32 $0x1F, s9;
	p2 =	por $0x1, $0x1;
	s15 =	sand.u32 $0xC0, s13  }
.LBB2_122:
0x352: {  	p3 =	sne.s32 s12, $0x7F  }
0x353: {  	s14 =	sor.u32 s14, s15;
	v4 =	vmin.f32 v2, v3;
	v3 =	vmax.f32 v2, v3;
	s15 =	smov.u32 s12;
	s12 =	sadd.s32 $0x1, s12  }
0x354: {  	s14 =	sshll.u32 s14, $0x4;
	[tilespmem:s11+$0x0] =	vst v4  }
0x355: {  	v2 =	vld [tilespmem:s14+$0x0];
	[tilespmem:s11+$0x200] =	vst v3;
	s11 =	smov.u32 s14  }
.Ltmp67:
0x356: {  	v3 =	vld [tilespmem:s11+$0x200];
	(pc) =	sbr.rel @p3 .LBB2_122-.Ltmp67, $3  }
0x357: {  	_ =	sdelay $0x1  }
0x358: {  	s13 =	sadd.s32 $0x2, s13  }
0x359: {  	s14 =	sand.u32 $0x1F, s15;
	s15 =	sand.u32 $0xC0, s13  }
.LBB2_123:
0x35a: {  	_ = 	snop  }
0x35b: {  	s12 =	sor.u32 s14, s15;
	v4 =	vmin.f32 @p2 v2, v3  }
0x35c: {  	s12 =	sshll.u32 s12, $0x4;
	v2 =	vmax.f32 @p2 v2, v3;
	[tilespmem:s11+$0x0] =	vst @p2 v4  }
0x35d: {  	v3 =	vld [tilespmem:s12+$0x0];
	[tilespmem:s11+$0x200] =	vst @p2 v2  }
0x35e: {  	v2 =	vld [tilespmem:s12+$0x200];
	_ =	sdelay $0x2  }
.Ltmp68:
0x35f: {  	_ = 	snop;
	(pc) =	sbr.rel @!p1 .LBB2_124-.Ltmp68, $4  }
0x360: {  	_ = 	snop  }
0x361: {  	v63 =	vmin.f32 v3, v2  }
0x362: {  	v2 =	vmax.f32 v3, v2;
	[tilespmem:s12+$0x0] =	vst v63  }
0x363: {  	s13 =	sand.u32 $0xF, s10;
	s14 =	sand.u32 $0xE0, s10;
	[tilespmem:s12+$0x200] =	vst v2  }
0x364: {  	s10 =	sor.u32 s13, s14  }
0x365: {  	p1 =	por $0x1, $0x1;
	s10 =	sshll.u32 s10, $0x4  }
.Ltmp69:
0x366: {  	v2 =	vld [tilespmem:s10+$0x0];
	(pc) =	sbr.rel @!p1 .LBB2_127-.Ltmp69, $3  }
0x367: {  	v3 =	vld [tilespmem:s10+$0x100];
	_ =	sdelay $0x1  }
0x368: {  	s11 =	simm.s32 $0x2;
	s12 =	simm.s32 $0x2  }
0x369: {  	s13 =	sand.u32 $0xF, s9;
	p0 =	por $0x1, $0x1;
	s14 =	sand.u32 $0xE0, s12  }
.LBB2_126:
0x36a: {  	p1 =	sne.s32 s11, $0x7F  }
0x36b: {  	s9 =	sor.u32 s13, s14;
	v4 =	vmin.f32 v2, v3;
	v3 =	vmax.f32 v2, v3;
	s13 =	smov.u32 s11;
	s11 =	sadd.s32 $0x1, s11  }
0x36c: {  	s9 =	sshll.u32 s9, $0x4;
	[tilespmem:s10+$0x0] =	vst v4  }
0x36d: {  	v2 =	vld [tilespmem:s9+$0x0];
	[tilespmem:s10+$0x100] =	vst v3;
	s10 =	smov.u32 s9  }
.Ltmp70:
0x36e: {  	v3 =	vld [tilespmem:s10+$0x100];
	(pc) =	sbr.rel @p1 .LBB2_126-.Ltmp70, $3  }
0x36f: {  	_ =	sdelay $0x1  }
0x370: {  	s12 =	sadd.s32 $0x2, s12  }
0x371: {  	s13 =	sand.u32 $0xF, s13;
	s14 =	sand.u32 $0xE0, s12  }
.LBB2_127:
0x372: {  	_ = 	snop  }
0x373: {  	s9 =	sor.u32 s13, s14;
	v4 =	vmin.f32 @p0 v2, v3  }
0x374: {  	s11 =	sshll.u32 s9, $0x4;
	v2 =	vmax.f32 @p0 v2, v3;
	[tilespmem:s10+$0x0] =	vst @p0 v4  }
0x375: {  	v3 =	vld [tilespmem:s11+$0x0];
	[tilespmem:s10+$0x100] =	vst @p0 v2  }
0x376: {  	v2 =	vld [tilespmem:s11+$0x100];
	_ =	sdelay $0x1  }
0x377: {  	p1 =	por $0x1, $0x1  }
.Ltmp71:
0x378: {  	_ = 	snop;
	(pc) =	sbr.rel @!p1 .LBB2_128-.Ltmp71, $4  }
0x379: {  	_ = 	snop  }
0x37a: {  	v63 =	vmin.f32 v3, v2  }
0x37b: {  	s9 =	simm.s32 $0x1;
	s10 =	simm.s32 $0x0;
	v2 =	vmax.f32 v3, v2;
	[tilespmem:s11+$0x0] =	vst v63  }
0x37c: {  	p0 =	por $0x0, $0x0;
	s14 =	sand.u32 $0x7, s10;
	s15 =	sand.u32 $0xF0, s10;
	[tilespmem:s11+$0x100] =	vst v2  }
0x37d: {  	s11 =	sor.u32 s14, s15  }
0x37e: {  	p3 =	por $0x1, $0x1;
	s11 =	sshll.u32 s11, $0x4  }
.Ltmp72:
0x37f: {  	v2 =	vld [tilespmem:s11+$0x0];
	(pc) =	sbr.rel @!p3 .LBB2_131-.Ltmp72, $3  }
0x380: {  	v3 =	vld [tilespmem:s11+$0x80];
	_ =	sdelay $0x1  }
0x381: {  	s12 =	simm.s32 $0x2;
	s13 =	simm.s32 $0x2  }
0x382: {  	s14 =	sand.u32 $0x7, s9;
	p2 =	por $0x1, $0x1;
	s15 =	sand.u32 $0xF0, s13  }
.LBB2_130:
0x383: {  	p3 =	sne.s32 s12, $0x7F  }
0x384: {  	s14 =	sor.u32 s14, s15;
	v4 =	vmin.f32 v2, v3;
	v3 =	vmax.f32 v2, v3;
	s15 =	smov.u32 s12;
	s12 =	sadd.s32 $0x1, s12  }
0x385: {  	s14 =	sshll.u32 s14, $0x4;
	[tilespmem:s11+$0x0] =	vst v4  }
0x386: {  	v2 =	vld [tilespmem:s14+$0x0];
	[tilespmem:s11+$0x80] =	vst v3;
	s11 =	smov.u32 s14  }
.Ltmp73:
0x387: {  	v3 =	vld [tilespmem:s11+$0x80];
	(pc) =	sbr.rel @p3 .LBB2_130-.Ltmp73, $3  }
0x388: {  	_ =	sdelay $0x1  }
0x389: {  	s13 =	sadd.s32 $0x2, s13  }
0x38a: {  	s14 =	sand.u32 $0x7, s15;
	s15 =	sand.u32 $0xF0, s13  }
.LBB2_131:
0x38b: {  	_ = 	snop  }
0x38c: {  	s12 =	sor.u32 s14, s15;
	v4 =	vmin.f32 @p2 v2, v3  }
0x38d: {  	s12 =	sshll.u32 s12, $0x4;
	v2 =	vmax.f32 @p2 v2, v3;
	[tilespmem:s11+$0x0] =	vst @p2 v4  }
0x38e: {  	v3 =	vld [tilespmem:s12+$0x0];
	[tilespmem:s11+$0x80] =	vst @p2 v2  }
0x38f: {  	v2 =	vld [tilespmem:s12+$0x80];
	_ =	sdelay $0x2  }
.Ltmp74:
0x390: {  	_ = 	snop;
	(pc) =	sbr.rel @!p1 .LBB2_132-.Ltmp74, $4  }
0x391: {  	_ = 	snop  }
0x392: {  	v63 =	vmin.f32 v3, v2  }
0x393: {  	v2 =	vmax.f32 v3, v2;
	[tilespmem:s12+$0x0] =	vst v63  }
0x394: {  	s13 =	sand.u32 $0x3, s10;
	s14 =	sand.u32 $0xF8, s10;
	[tilespmem:s12+$0x80] =	vst v2  }
0x395: {  	s10 =	sor.u32 s13, s14  }
0x396: {  	p1 =	por $0x1, $0x1;
	s10 =	sshll.u32 s10, $0x4  }
.Ltmp75:
0x397: {  	v2 =	vld [tilespmem:s10+$0x0];
	(pc) =	sbr.rel @!p1 .LBB2_135-.Ltmp75, $3  }
0x398: {  	v3 =	vld [tilespmem:s10+$0x40];
	_ =	sdelay $0x1  }
0x399: {  	s11 =	simm.s32 $0x2;
	s12 =	simm.s32 $0x2  }
0x39a: {  	s13 =	sand.u32 $0x3, s9;
	p0 =	por $0x1, $0x1;
	s14 =	sand.u32 $0xF8, s12  }
.LBB2_134:
0x39b: {  	p1 =	sne.s32 s11, $0x7F  }
0x39c: {  	s9 =	sor.u32 s13, s14;
	v4 =	vmin.f32 v2, v3;
	v3 =	vmax.f32 v2, v3;
	s13 =	smov.u32 s11;
	s11 =	sadd.s32 $0x1, s11  }
0x39d: {  	s9 =	sshll.u32 s9, $0x4;
	[tilespmem:s10+$0x0] =	vst v4  }
0x39e: {  	v2 =	vld [tilespmem:s9+$0x0];
	[tilespmem:s10+$0x40] =	vst v3;
	s10 =	smov.u32 s9  }
.Ltmp76:
0x39f: {  	v3 =	vld [tilespmem:s10+$0x40];
	(pc) =	sbr.rel @p1 .LBB2_134-.Ltmp76, $3  }
0x3a0: {  	_ =	sdelay $0x1  }
0x3a1: {  	s12 =	sadd.s32 $0x2, s12  }
0x3a2: {  	s13 =	sand.u32 $0x3, s13;
	s14 =	sand.u32 $0xF8, s12  }
.LBB2_135:
0x3a3: {  	_ = 	snop  }
0x3a4: {  	s9 =	sor.u32 s13, s14;
	v4 =	vmin.f32 @p0 v2, v3  }
0x3a5: {  	s9 =	sshll.u32 s9, $0x4;
	v2 =	vmax.f32 @p0 v2, v3;
	[tilespmem:s10+$0x0] =	vst @p0 v4  }
0x3a6: {  	v3 =	vld [tilespmem:s9+$0x0];
	[tilespmem:s10+$0x40] =	vst @p0 v2  }
0x3a7: {  	v2 =	vld [tilespmem:s9+$0x40];
	_ =	sdelay $0x1  }
0x3a8: {  	p1 =	por $0x1, $0x1  }
.Ltmp77:
0x3a9: {  	_ = 	snop;
	(pc) =	sbr.rel @!p1 .LBB2_136-.Ltmp77, $4  }
0x3aa: {  	_ = 	snop  }
0x3ab: {  	v63 =	vmin.f32 v3, v2  }
0x3ac: {  	s31 =	simm.s32 $0x0;
	s14 =	simm.s32 $0x1;
	v2 =	vmax.f32 v3, v2;
	[tilespmem:s9+$0x0] =	vst v63  }
0x3ad: {  	s12 =	sand.u32 $0x1, s31;
	s13 =	sand.u32 $0xFC, s31;
	p0 =	por $0x0, $0x0;
	[tilespmem:s9+$0x40] =	vst v2  }
0x3ae: {  	s9 =	sor.u32 s12, s13  }
0x3af: {  	p1 =	por $0x1, $0x1;
	s9 =	sshll.u32 s9, $0x4  }
.Ltmp78:
0x3b0: {  	v2 =	vld [tilespmem:s9+$0x0];
	(pc) =	sbr.rel @!p1 .LBB2_139-.Ltmp78, $3  }
0x3b1: {  	v3 =	vld [tilespmem:s9+$0x20];
	_ =	sdelay $0x1  }
0x3b2: {  	s10 =	simm.s32 $0x2;
	s11 =	simm.s32 $0x2  }
0x3b3: {  	s12 =	sand.u32 $0x1, s14;
	p0 =	por $0x1, $0x1;
	s13 =	sand.u32 $0xFC, s11  }
.LBB2_138:
0x3b4: {  	p1 =	sne.s32 s10, $0x7F  }
0x3b5: {  	s12 =	sor.u32 s12, s13;
	v4 =	vmin.f32 v2, v3;
	v3 =	vmax.f32 v2, v3;
	s13 =	smov.u32 s10;
	s10 =	sadd.s32 $0x1, s10  }
0x3b6: {  	s12 =	sshll.u32 s12, $0x4;
	[tilespmem:s9+$0x0] =	vst v4  }
0x3b7: {  	v2 =	vld [tilespmem:s12+$0x0];
	[tilespmem:s9+$0x20] =	vst v3;
	s9 =	smov.u32 s12  }
.Ltmp79:
0x3b8: {  	v3 =	vld [tilespmem:s9+$0x20];
	(pc) =	sbr.rel @p1 .LBB2_138-.Ltmp79, $3  }
0x3b9: {  	_ =	sdelay $0x1  }
0x3ba: {  	s11 =	sadd.s32 $0x2, s11  }
0x3bb: {  	s12 =	sand.u32 $0x1, s13;
	s13 =	sand.u32 $0xFC, s11  }
.LBB2_139:
0x3bc: {  	_ = 	snop  }
0x3bd: {  	s10 =	sor.u32 s12, s13;
	v4 =	vmin.f32 @p0 v2, v3  }
0x3be: {  	s10 =	sshll.u32 s10, $0x4;
	v2 =	vmax.f32 @p0 v2, v3;
	[tilespmem:s9+$0x0] =	vst @p0 v4  }
0x3bf: {  	v3 =	vld [tilespmem:s10+$0x0];
	[tilespmem:s9+$0x20] =	vst @p0 v2  }
0x3c0: {  	v2 =	vld [tilespmem:s10+$0x20];
	_ =	sdelay $0x3  }
0x3c1: {  	p0 =	por $0x1, $0x1  }
.Ltmp80:
0x3c2: {  	v4 =	vmin.f32 v3, v2;
	(pc) =	sbr.rel @!p0 .LBB2_141-.Ltmp80, $4  }
0x3c3: {  	v2 =	vmax.f32 v3, v2;
	[tilespmem:s10+$0x0] =	vst v4  }
0x3c4: {  	[tilespmem:s10+$0x20] =	vst v2;
	s10 =	simm.s32 $0x0  }
0x3c5: {  	v2 =	vld [tilespmem:s10+$0x0]  }
0x3c6: {  	s9 =	simm.s32 $0x80;
	v3 =	vld [tilespmem:s10+$0x10]  }
.LBB2_140:
0x3c7: {  	_ =	sdelay $0x1  }
0x3c8: {  	p0 =	sne.s32 s9, $0x3F80  }
.Ltmp81:
0x3c9: {  	_ = 	snop;
	(pc) =	sbr.rel @p0 .LBB2_140-.Ltmp81, $4  }
0x3ca: {  	s11 =	smov.u32 s9;
	v4 =	vmin.f32 v2, v3  }
0x3cb: {  	s11 =	sshra.s32 s11, $0x2;
	v3 =	vmax.f32 v2, v3;
	[tilespmem:s10+$0x0] =	vst v4  }
0x3cc: {  	v2 =	vld [tilespmem:s11+$0x0];
	[tilespmem:s10+$0x10] =	vst v3;
	s10 =	smov.u32 s11  }
0x3cd: {  	s9 =	sadd.s32 $0x80, s9;
	v3 =	vld [tilespmem:s10+$0x10]  }
.LBB2_141:
0x3ce: {  	_ =	sdelay $0x3  }
0x3cf: {  	v4 =	vmin.f32 v2, v3  }
0x3d0: {  	v2 =	vmax.f32 v2, v3;
	[tilespmem:s10+$0x0] =	vst v4  }
0x3d1: {  	s9 =	simm.s32 $0x0;
	s11 =	simm.s32 $0x40;
	[tilespmem:s10+$0x10] =	vst v2;
	s10 =	simm.s32 $0x0  }
.LBB2_142:
0x3d2: {  	p0 =	sne.s32 s11, $0x3FC0;
	v2 =	vld [tilespmem:s10+$0x0];
	_ =	sdelay $0x4  }
0x3d3: {  	(xrf1) =	vsort.ascd.msk.f32 $0xffff, v2, v2;
	_ =	sdelay $0xa  }
.Ltmp82:
0x3d4: {  	(pc) =	sbr.rel @p0 .LBB2_142-.Ltmp82, $3  }
0x3d5: {  	_ =	sdelay $0x1  }
0x3d6: {  	v2, _, _ =	vpop (xrf1)  }
0x3d7: {  	[tilespmem:s10+$0x0] =	vst v2;
	s10 =	sshra.s32 s11, $0x2;
	s11 =	sadd.s32 $0x40, s11  }
0x3d8: {  	v2 =	vld [tilespmem:s10+$0x0];
	_ =	sdelay $0x4  }
0x3d9: {  	(xrf1) =	vsort.ascd.msk.f32 $0xffff, v2, v2;
	_ =	sdelay $0xd  }
0x3da: {  	v2, _, _ =	vpop (xrf1)  }
0x3db: {  	[tilespmem:s10+$0x0] =	vst v2  }
0x3dc: {  	v2 =	vor.u32 s9, v0;
	v3 =	vld [tilespmem:s9+$0x0]  }
0x3dd: {  	v2 =	vcvt.s32.f32 v2;
	_ =	sdelay $0x1  }
0x3de: {  	v4 =	vmul.f32 $-2.442002590e-04, v2;
	_ =	sdelay $0x1  }
0x3df: {  	s10 =	simm.s32 $0x10;
	s9 =	simm.s32 $0x10;
	v2 =	vimm.f32 $0.0e+00;
	v3 =	vadd.f32 v4, v3  }
.LBB2_144:
0x3e0: {  	v4 =	vld [tilespmem:s10+$0x0];
	v5 =	vor.u32 s9, v0;
	p0 =	sne.s32 s9, $0xFF0;
	s9 =	sadd.s32 $0x10, s9  }
.Ltmp83:
0x3e1: {  	v5 =	vcvt.s32.f32 v5;
	v3 =	vand.u32 $0x7FFFFFFF, v3;
	(pc) =	sbr.rel @p0 .LBB2_144-.Ltmp83, $3  }
0x3e2: {  	v2 =	vadd.f32 v3, v2  }
0x3e3: {  	v3 =	vmul.f32 $-2.442002590e-04, v5;
	_ =	sdelay $0x1  }
0x3e4: {  	s10 =	sadd.s32 $0x10, s10;
	v3 =	vadd.f32 v3, v4  }
0x3e5: {  	_ = 	snop  }
0x3e6: {  	v3 =	vand.u32 $0x7FFFFFFF, v3  }
0x3e7: {  	v2 =	vadd.f32 v3, v2  }
0x3e8: {  	s8 =	sadd.s32 $0x1, s8  }
0x3e9: {  	p0 =	sne.s32 s8, s5;
	[tilespmem:$0x1000] =	vst v2  }
0x3ea: {  	[hbm4b:s3+s2] =	stream.linear.scatter [tilespmem:s7], [sflag:$0x1], $0x80, $0x38;
	[tilespmem:$0x1080] =	vst v63  }
.Ltmp84:
0x3eb: {  	_ = 	snop;
	(pc) =	sbr.rel @p0 .LBB2_2-.Ltmp84, $4  }
.Ltmp85:
0x3ec: {  	_ = 	snop;
	(pc) =	sbr.rel @!p0 .LBB2_146-.Ltmp85, $4  }
0x3ed: {  	_ =	swait.ge [sflag:s6], $0x80  }
0x3ee: {  	[sflag:s6] =	ssyncset.done $0x0  }
0x3ef: {  	[sflag:s6] =	ssyncadd.s32 $0xFFFFFF80  }
0x3f0: {  	_ = 	snop  }
.LBB2_27:
.Ltmp86:
0x3f1: {  	(pc) =	sbr.rel .LBB2_31-.Ltmp86, $2  }
0x3f2: {  	_ =	sdelay $0x2  }
0x3f3: {  	s12 =	simm.s32 $0x0  }
.LBB2_38:
.Ltmp87:
0x3f4: {  	(pc) =	sbr.rel .LBB2_42-.Ltmp87, $2  }
0x3f5: {  	_ =	sdelay $0x2  }
0x3f6: {  	s12 =	simm.s32 $0x0;
	p2 =	por $0x0, $0x0  }
.LBB2_43:
.Ltmp88:
0x3f7: {  	(pc) =	sbr.rel .LBB2_48-.Ltmp88, $2  }
0x3f8: {  	_ =	sdelay $0x2  }
0x3f9: {  	_ = 	snop  }
.LBB2_49:
.Ltmp89:
0x3fa: {  	(pc) =	sbr.rel .LBB2_53-.Ltmp89, $2  }
0x3fb: {  	_ =	sdelay $0x2  }
0x3fc: {  	s12 =	simm.s32 $0x0  }
.LBB2_60:
.Ltmp90:
0x3fd: {  	(pc) =	sbr.rel .LBB2_64-.Ltmp90, $2  }
0x3fe: {  	_ =	sdelay $0x2  }
0x3ff: {  	s12 =	simm.s32 $0x0;
	p2 =	por $0x0, $0x0  }
.LBB2_65:
.Ltmp91:
0x400: {  	(pc) =	sbr.rel .LBB2_70-.Ltmp91, $2  }
0x401: {  	_ =	sdelay $0x2  }
0x402: {  	_ = 	snop  }
.LBB2_71:
.Ltmp92:
0x403: {  	(pc) =	sbr.rel .LBB2_75-.Ltmp92, $2  }
0x404: {  	_ =	sdelay $0x2  }
0x405: {  	s12 =	simm.s32 $0x0;
	p2 =	por $0x0, $0x0  }
.LBB2_76:
.Ltmp93:
0x406: {  	(pc) =	sbr.rel .LBB2_81-.Ltmp93, $2  }
0x407: {  	_ =	sdelay $0x2  }
0x408: {  	_ = 	snop  }
.LBB2_90:
.Ltmp94:
0x409: {  	(pc) =	sbr.rel .LBB2_94-.Ltmp94, $2  }
0x40a: {  	_ =	sdelay $0x2  }
0x40b: {  	s12 =	simm.s32 $0x0;
	p2 =	por $0x0, $0x0  }
.LBB2_95:
.Ltmp95:
0x40c: {  	(pc) =	sbr.rel .LBB2_100-.Ltmp95, $2  }
0x40d: {  	_ =	sdelay $0x2  }
0x40e: {  	_ = 	snop  }
.LBB2_101:
.Ltmp96:
0x40f: {  	(pc) =	sbr.rel .LBB2_105-.Ltmp96, $2  }
0x410: {  	_ =	sdelay $0x2  }
0x411: {  	s12 =	simm.s32 $0x0;
	p2 =	por $0x0, $0x0  }
.LBB2_106:
.Ltmp97:
0x412: {  	(pc) =	sbr.rel .LBB2_111-.Ltmp97, $2  }
0x413: {  	_ =	sdelay $0x2  }
0x414: {  	_ = 	snop  }
.LBB2_120:
.Ltmp98:
0x415: {  	(pc) =	sbr.rel .LBB2_123-.Ltmp98, $2  }
0x416: {  	_ =	sdelay $0x2  }
0x417: {  	p2 =	por $0x0, $0x0  }
.LBB2_124:
.Ltmp99:
0x418: {  	(pc) =	sbr.rel .LBB2_127-.Ltmp99, $2  }
0x419: {  	_ =	sdelay $0x2  }
0x41a: {  	_ = 	snop  }
.LBB2_128:
.Ltmp100:
0x41b: {  	(pc) =	sbr.rel .LBB2_131-.Ltmp100, $2  }
0x41c: {  	_ =	sdelay $0x2  }
0x41d: {  	p2 =	por $0x0, $0x0  }
.LBB2_132:
.Ltmp101:
0x41e: {  	(pc) =	sbr.rel .LBB2_135-.Ltmp101, $2  }
0x41f: {  	_ =	sdelay $0x2  }
0x420: {  	_ = 	snop  }
.LBB2_136:
.Ltmp102:
0x421: {  	(pc) =	sbr.rel .LBB2_139-.Ltmp102, $2  }
0x422: {  	_ =	sdelay $0x2  }
0x423: {  	_ = 	snop  }
.LBB2_29:
.Ltmp103:
0x424: {  	(pc) =	sbr.rel .LBB2_31-.Ltmp103, $2  }
0x425: {  	_ =	sdelay $0x2  }
0x426: {  	s12 =	simm.s32 $0x1  }
.LBB2_40:
.Ltmp104:
0x427: {  	(pc) =	sbr.rel .LBB2_42-.Ltmp104, $2  }
0x428: {  	_ =	sdelay $0x2  }
0x429: {  	s12 =	simm.s32 $0x1  }
.LBB2_45:
.Ltmp105:
0x42a: {  	(pc) =	sbr.rel .LBB2_48-.Ltmp105, $2  }
0x42b: {  	_ =	sdelay $0x2  }
0x42c: {  	s10 =	simm.s32 $0x1  }
.LBB2_51:
.Ltmp106:
0x42d: {  	(pc) =	sbr.rel .LBB2_53-.Ltmp106, $2  }
0x42e: {  	_ =	sdelay $0x2  }
0x42f: {  	s12 =	simm.s32 $0x1  }
.LBB2_62:
.Ltmp107:
0x430: {  	(pc) =	sbr.rel .LBB2_64-.Ltmp107, $2  }
0x431: {  	_ =	sdelay $0x2  }
0x432: {  	s12 =	simm.s32 $0x1  }
.LBB2_67:
.Ltmp108:
0x433: {  	(pc) =	sbr.rel .LBB2_70-.Ltmp108, $2  }
0x434: {  	_ =	sdelay $0x2  }
0x435: {  	s10 =	simm.s32 $0x1  }
.LBB2_73:
.Ltmp109:
0x436: {  	(pc) =	sbr.rel .LBB2_75-.Ltmp109, $2  }
0x437: {  	_ =	sdelay $0x2  }
0x438: {  	s12 =	simm.s32 $0x1  }
.LBB2_78:
.Ltmp110:
0x439: {  	(pc) =	sbr.rel .LBB2_81-.Ltmp110, $2  }
0x43a: {  	_ =	sdelay $0x2  }
0x43b: {  	s10 =	simm.s32 $0x1  }
.LBB2_92:
.Ltmp111:
0x43c: {  	(pc) =	sbr.rel .LBB2_94-.Ltmp111, $2  }
0x43d: {  	_ =	sdelay $0x2  }
0x43e: {  	s12 =	simm.s32 $0x1  }
.LBB2_97:
.Ltmp112:
0x43f: {  	(pc) =	sbr.rel .LBB2_100-.Ltmp112, $2  }
0x440: {  	_ =	sdelay $0x2  }
0x441: {  	s10 =	simm.s32 $0x1  }
.LBB2_103:
.Ltmp113:
0x442: {  	(pc) =	sbr.rel .LBB2_105-.Ltmp113, $2  }
0x443: {  	_ =	sdelay $0x2  }
0x444: {  	s12 =	simm.s32 $0x1  }
.LBB2_108:
.Ltmp114:
0x445: {  	(pc) =	sbr.rel .LBB2_111-.Ltmp114, $2  }
0x446: {  	_ =	sdelay $0x2  }
0x447: {  	s10 =	simm.s32 $0x1  }
.LBB2_146:
0x448: {  	_ =	sfence.sel $0x180000  }
0x449: {  	[bflag:$0x0] =	sbarrier.arrive $0xFFFF  }
0x44a: {  	p0 =	sne.s32 s1, $0x0;
	_ =	strace $0x90000047  }
0x44b: {  	s0 =	sadd.s32 @!p0 $0x100000, s0;
	[bflag:$0x2] =	sbarrier.arrive $0xFFFF  }
0x44c: {  	[sflag:s0] =	ssyncadd.tile.s32 @!p0 $0x1;
	_ =	shalt  }
.Lfunc_end2:
_tile_overlayer_lowered:
.L_overlay_start_2:
0x44d: {  	(tag) =	ssettag $0x2  }
0x44e: {  	s0 =	rddreg [dreg:$0x0];
	s2 =	stileid.u32  }
0x44f: {  	s1 =	rddreg [dreg:$0x1];
	p0 =	sne.s32 s2, $0x0  }
0x450: {  	s3 =	rddreg [dreg:$0x2];
	[bflag:$0x3] =	sbarrier.arrive $0xFFFF;
	s2 =	simm.s32 @!p0 $0x1C01  }
0x451: {  	[timem:s3], [sflag:s2] =	dma.local @!p0 [hbm:s0], s1  }
0x452: {  	s0 =	simm.s32 @!p0 $0x1  }
0x453: {  	_ =	swait.ge @!p0 [sflag:s0], s1  }
0x454: {  	s1 =	ssub.s32 @!p0 $0x0, s1;
	[sflag:s0] =	ssyncset.done @!p0 $0x0  }
0x455: {  	[sflag:s0] =	ssyncadd.s32 @!p0 s1  }
0x456: {  	[bflag:$0x3] =	sbarrier.arrive $0xFFFF  }
0x457: {  	_ =	shalt  }

</sc_bundles>
